<compile_context>
chip_gen: v7x
topology: tpu7x:2x2x1
jax: 0.10.2.dev20260603
libtpu: 0.0.44.dev20260713+nightly
codegen_flags: <defaults>
</compile_context>

<pallas_src>
import functools

import jax
import jax.numpy as jnp
from jax import lax
from jax.experimental import pallas as pl
from jax.experimental.pallas import tpu as pltpu
from jax.experimental.pallas import tpu_sc as plsc

_N = 10000
_E = 320000
_F_IN = 128
_HID = 16

_NC = 2
_NS = 16
_NW = _NC * _NS
_EPW = _E // _NW
_NCH = 80
_CH = 125
_NPAD = 10112
_STRIPE = _NPAD // _NS
_PK = _NPAD // 8
_PKN = _N // 8


def _sc_mesh():
    return plsc.VectorSubcoreMesh(
        core_axis_name="c", subcore_axis_name="s",
        num_cores=_NC, num_subcores=_NS)


def _sc_degree(e4):
    nfull = _CH // 16
    rem = _CH - nfull * 16

    @functools.partial(
        pl.kernel,
        out_type=jax.ShapeDtypeStruct((_NW, _NPAD), jnp.float32),
        mesh=_sc_mesh(),
        scratch_types=[
            pltpu.VMEM((_NCH, _CH), jnp.int32),
            pltpu.VMEM((_NPAD,), jnp.float32),
        ],
        compiler_params=pltpu.CompilerParams(
            needs_layout_passes=False, use_tc_tiling_on_sc=False),
    )
    def deg_kernel(e_hbm, deg_hbm, dst_v, deg_v):
        cid = lax.axis_index("c")
        sid = lax.axis_index("s")
        wid = sid * _NC + cid
        pltpu.sync_copy(e_hbm.at[1, wid], dst_v)

        zero16 = jnp.zeros((16,), jnp.float32)

        @pl.loop(0, _NPAD // 16)
        def _zero(i):
            deg_v[pl.ds(i * 16, 16)] = zero16

        one16 = jnp.ones((16,), jnp.float32)
        tailmask = jnp.arange(16, dtype=jnp.int32) >= (16 - rem)

        @pl.loop(0, _NCH)
        def _hist(j):
            for k in range(nfull):
                idx = dst_v[j, pl.ds(k * 16, 16)]
                plsc.addupdate_scatter(deg_v, [idx], one16)
            idx = dst_v[j, pl.ds(_CH - 16, 16)]
            plsc.addupdate_scatter(deg_v, [idx], one16, mask=tailmask)

        pltpu.sync_copy(deg_v, deg_hbm.at[wid])

    return deg_kernel(e4)


def _sc_aggregate(y, e4):
    nbuf = 10
    pre = 7

    @functools.partial(
        pl.kernel,
        out_type=jax.ShapeDtypeStruct((_NC, _NPAD, _HID), jnp.float32),
        mesh=_sc_mesh(),
        scratch_types=[
            pltpu.VMEM((_NCH, _CH), jnp.int32),
            pltpu.VMEM((_NCH, _CH), jnp.int32),
            [pltpu.VMEM((_CH, _HID), jnp.float32) for _ in range(nbuf)],
            pltpu.VMEM((_STRIPE, _HID), jnp.float32),
            pltpu.VMEM_SHARED((_NPAD, _HID), jnp.float32),
            [pltpu.SemaphoreType.DMA for _ in range(nbuf)],
            [pltpu.SemaphoreType.DMA for _ in range(nbuf)],
        ],
        compiler_params=pltpu.CompilerParams(use_tc_tiling_on_sc=False),
    )
    def agg_kernel(y_hbm, e_hbm, out_hbm,
                   src_v, dst_v, rows_v, stage_v, acc, gsem, ssem):
        cid = lax.axis_index("c")
        sid = lax.axis_index("s")
        wid = sid * _NC + cid

        pltpu.sync_copy(e_hbm.at[0, wid], src_v)
        pltpu.sync_copy(e_hbm.at[1, wid], dst_v)
        zero16 = jnp.zeros((16,), jnp.float32)

        @pl.loop(0, _STRIPE)
        def _zero(i):
            stage_v[i] = zero16

        pltpu.sync_copy(stage_v, acc.at[pl.ds(sid * _STRIPE, _STRIPE)])
        plsc.subcore_barrier()

        for b in range(pre):
            pltpu.async_copy(y_hbm.at[src_v.at[b]], rows_v[b], gsem[b])

        @pl.loop(0, _NCH // nbuf)
        def _blk(jj):
            for b in range(nbuf):
                c = jj * nbuf + b
                pltpu.make_async_copy(y_hbm.at[src_v.at[c]],
                                      rows_v[b], gsem[b]).wait()
                pltpu.async_copy(rows_v[b], acc.at[dst_v.at[c]],
                                 ssem[b], add=True)
                b2 = (b + pre) % nbuf

                @pl.when(c >= nbuf - pre)
                def _drain():
                    pltpu.make_async_copy(rows_v[b2], acc.at[dst_v.at[c]],
                                          ssem[b2]).wait()

                @pl.when(c < _NCH - pre)
                def _prefetch():
                    pltpu.async_copy(y_hbm.at[src_v.at[c + pre]],
                                     rows_v[b2], gsem[b2])

        for k in range(nbuf - pre):
            b2 = (_NCH + pre - nbuf + k) % nbuf
            pltpu.make_async_copy(rows_v[b2], acc.at[dst_v.at[0]],
                                  ssem[b2]).wait()

        plsc.subcore_barrier()
        pltpu.sync_copy(acc.at[pl.ds(sid * _STRIPE, _STRIPE)], stage_v)
        pltpu.sync_copy(stage_v,
                        out_hbm.at[cid, pl.ds(sid * _STRIPE, _STRIPE)])

    return agg_kernel(y, e4)


def _tc_matmul1(xp, Wb1):

    def body(x_ref, w_ref, xw_ref):
        xw = jnp.dot(x_ref[...], w_ref[...], preferred_element_type=jnp.float32)
        xw_ref[0:_PKN] = xw
        xw_ref[_PKN:_PK] = jnp.zeros((_PK - _PKN, 128), jnp.float32)

    return pl.pallas_call(
        body,
        out_shape=jax.ShapeDtypeStruct((_PK, 128), jnp.float32),
    )(xp, Wb1)


def _tc_dinv(deg_flat):
    rows = _NPAD // 128

    def body(deg_ref, dinv_ref):
        deg = deg_ref[0:rows, :]
        for w in range(1, _NW):
            deg = deg + deg_ref[w * rows:(w + 1) * rows, :]
        dinv_ref[0:rows] = lax.rsqrt(deg + 1.0)
        dinv_ref[rows:rows + 1] = jnp.ones((1, 128), jnp.float32)

    return pl.pallas_call(
        body,
        out_shape=jax.ShapeDtypeStruct((rows + 1, 128), jnp.float32),
    )(deg_flat)


def _tc_layer2(p, y1p, dinvp, b1p, Wb2):

    def body(p_ref, y_ref, d_ref, b_ref, w_ref, out_ref):
        d = d_ref[...]
        h = jnp.maximum(d * (p_ref[0] + p_ref[1] + y_ref[...]) + b_ref[...],
                        0.0)
        out_ref[...] = jnp.dot(
            h, w_ref[...], preferred_element_type=jnp.float32) * d

    return pl.pallas_call(
        body,
        out_shape=jax.ShapeDtypeStruct((_PK, 128), jnp.float32),
    )(p, y1p, dinvp, b1p, Wb2)


def _tc_layer3(p, y2p, dinvp, b2p, R):

    def body(p_ref, y_ref, d_ref, b_ref, r_ref, out_ref):
        o = d_ref[...] * (p_ref[0] + p_ref[1] + y_ref[...]) + b_ref[...]
        s = o - jnp.max(o)
        e = jnp.exp(s)
        r = r_ref[...]
        t = lax.dot_general(e, r, (((1,), (1,)), ((), ())),
                            preferred_element_type=jnp.float32)
        lsp = s - jnp.dot(jnp.log(t), r, preferred_element_type=jnp.float32)
        out_ref[...] = lsp[0:_PKN]

    return pl.pallas_call(
        body,
        out_shape=jax.ShapeDtypeStruct((_PKN, 128), jnp.float32),
    )(p, y2p, dinvp, b2p, R)


def kernel(x, edge_index, W1, b1, W2, b2):
    eye8 = jnp.eye(8, dtype=jnp.float32)
    Wb1 = jnp.kron(eye8, W1)
    Wb2 = jnp.kron(eye8, W2)
    R = jnp.kron(eye8, jnp.ones((1, 16), jnp.float32))
    b1p = jnp.tile(b1, 8).reshape(1, 128)
    b2p = jnp.tile(b2, 8).reshape(1, 128)
    xp = x.reshape(_PKN, 8 * _F_IN)
    e4 = edge_index.reshape(2, _NW, _NCH, _CH)

    deg_part = _sc_degree(e4)
    xwp = _tc_matmul1(xp, Wb1)
    dinv = _tc_dinv(deg_part.reshape(_NW * (_NPAD // 128), 128))
    dinvp = jnp.broadcast_to(
        dinv.reshape(-1)[:_NPAD].reshape(_PK, 8, 1),
        (_PK, 8, _HID)).reshape(_PK, 128)
    y1p = xwp * dinvp

    p1 = _sc_aggregate(y1p.reshape(_NPAD, _HID), e4)
    y2p = _tc_layer2(p1.reshape(_NC, _PK, 128), y1p, dinvp, b1p, Wb2)
    p2 = _sc_aggregate(y2p.reshape(_NPAD, _HID), e4)
    lsp = _tc_layer3(p2.reshape(_NC, _PK, 128), y2p, dinvp, b2p, R)
    return lsp.reshape(_N, _HID)

# --- scband reference (transcript-rebuilt; emitter-appended) ---
"""Pipeline reference for scband-network-63273458205287 (READ-ONLY COPY).

The authoritative reference and input builder live on the scoring server;
editing this copy changes nothing except your own understanding.
"""

import jax, jax.numpy as jnp
import numpy as np

N, E, F_IN, HID, C = 10000, 320000, 128, 16, 16

def setup_inputs(seed: int = 0) -> dict:
    key = jax.random.key(seed)
    k1, k2, k3, k4, k5, k6 = jax.random.split(key, 6)
    x = jax.random.normal(k1, (N, F_IN), dtype=jnp.float32)
    edge_index = jax.random.randint(k2, (2, E), 0, N, dtype=jnp.int32)
    W1 = jax.random.normal(k3, (F_IN, HID), dtype=jnp.float32) * (1.0 / np.sqrt(F_IN))
    b1 = jnp.zeros((HID,), dtype=jnp.float32)
    W2 = jax.random.normal(k4, (HID, C), dtype=jnp.float32) * (1.0 / np.sqrt(HID))
    b2 = jnp.zeros((C,), dtype=jnp.float32)
    return {"x": x, "edge_index": edge_index, "W1": W1, "b1": b1, "W2": W2, "b2": b2}

def _gcn_conv(x, edge_index, W, b):
    n = x.shape[0]
    loop = jnp.arange(n, dtype=edge_index.dtype)
    src = jnp.concatenate([edge_index[0], loop])
    dst = jnp.concatenate([edge_index[1], loop])
    xw = x @ W
    deg = jnp.zeros((n,), dtype=x.dtype).at[dst].add(1.0)
    dinv = jnp.where(deg > 0, deg ** -0.5, 0.0)
    norm = dinv[src] * dinv[dst]
    msgs = jnp.take(xw, src, axis=0) * norm[:, None]
    out = jnp.zeros((n, W.shape[1]), dtype=x.dtype).at[dst].add(msgs)
    return out + b

def reference(x, edge_index, W1, b1, W2, b2):
    h = jax.nn.relu(_gcn_conv(x, edge_index, W1, b1))
    # dropout is identity in eval mode
    out = _gcn_conv(h, edge_index, W2, b2)
    return jax.nn.log_softmax(out, axis=1)

if __name__ == "__main__":
    import jax
    _d = setup_inputs()
    print(jax.jit(kernel)(*tuple(_d.values())))

</pallas_src>

<mosaic_0001>
#map = affine_map<(d0, d1) -> (0, 0)>
#map1 = affine_map<(d0, d1) -> (0, 0, 0, 0)>
#map2 = affine_map<(d0, d1) -> (0, 0, 0)>
module attributes {stable_mosaic.version = 14 : i64} {
  func.func @agg_kernel(%arg0: i32, %arg1: i32, %arg2: memref<10112x16xf32, #tpu.memory_space<hbm>>, %arg3: memref<2x32x80x125xi32, #tpu.memory_space<hbm>>, %arg4: memref<2x10112x16xf32, #tpu.memory_space<hbm>>, %arg5: memref<80x125xi32, #tpu.memory_space<vmem>>, %arg6: memref<80x125xi32, #tpu.memory_space<vmem>>, %arg7: memref<125x16xf32, #tpu.memory_space<vmem>>, %arg8: memref<125x16xf32, #tpu.memory_space<vmem>>, %arg9: memref<125x16xf32, #tpu.memory_space<vmem>>, %arg10: memref<125x16xf32, #tpu.memory_space<vmem>>, %arg11: memref<125x16xf32, #tpu.memory_space<vmem>>, %arg12: memref<125x16xf32, #tpu.memory_space<vmem>>, %arg13: memref<125x16xf32, #tpu.memory_space<vmem>>, %arg14: memref<125x16xf32, #tpu.memory_space<vmem>>, %arg15: memref<125x16xf32, #tpu.memory_space<vmem>>, %arg16: memref<125x16xf32, #tpu.memory_space<vmem>>, %arg17: memref<632x16xf32, #tpu.memory_space<vmem>>, %arg18: memref<10112x16xf32, #tpu.memory_space<vmem_shared>>, %arg19: memref<!tpu.dma_semaphore, #tpu.memory_space<semaphore_mem>>, %arg20: memref<!tpu.dma_semaphore, #tpu.memory_space<semaphore_mem>>, %arg21: memref<!tpu.dma_semaphore, #tpu.memory_space<semaphore_mem>>, %arg22: memref<!tpu.dma_semaphore, #tpu.memory_space<semaphore_mem>>, %arg23: memref<!tpu.dma_semaphore, #tpu.memory_space<semaphore_mem>>, %arg24: memref<!tpu.dma_semaphore, #tpu.memory_space<semaphore_mem>>, %arg25: memref<!tpu.dma_semaphore, #tpu.memory_space<semaphore_mem>>, %arg26: memref<!tpu.dma_semaphore, #tpu.memory_space<semaphore_mem>>, %arg27: memref<!tpu.dma_semaphore, #tpu.memory_space<semaphore_mem>>, %arg28: memref<!tpu.dma_semaphore, #tpu.memory_space<semaphore_mem>>, %arg29: memref<!tpu.dma_semaphore, #tpu.memory_space<semaphore_mem>>, %arg30: memref<!tpu.dma_semaphore, #tpu.memory_space<semaphore_mem>>, %arg31: memref<!tpu.dma_semaphore, #tpu.memory_space<semaphore_mem>>, %arg32: memref<!tpu.dma_semaphore, #tpu.memory_space<semaphore_mem>>, %arg33: memref<!tpu.dma_semaphore, #tpu.memory_space<semaphore_mem>>, %arg34: memref<!tpu.dma_semaphore, #tpu.memory_space<semaphore_mem>>, %arg35: memref<!tpu.dma_semaphore, #tpu.memory_space<semaphore_mem>>, %arg36: memref<!tpu.dma_semaphore, #tpu.memory_space<semaphore_mem>>, %arg37: memref<!tpu.dma_semaphore, #tpu.memory_space<semaphore_mem>>, %arg38: memref<!tpu.dma_semaphore, #tpu.memory_space<semaphore_mem>>) attributes {dimension_semantics = [#tpu.dimension_semantics<core_parallel>, #tpu.dimension_semantics<subcore_parallel>], iteration_bounds = array<i64: 2, 16>, scalar_prefetch = 0 : i64, scratch_operands = 34 : i64, tpu.core_type = #tpu.core_type<sc_vector_subcore>, window_params = [{transform_indices = #map}, {transform_indices = #map1}, {transform_indices = #map2}]} {
    %mul3A = arith.constant 2 : i32
    %mul3A_0 = arith.muli %arg1, %mul3A : i32
    %add3A = arith.addi %mul3A_0, %arg0 : i32
    %run_scoped3A = arith.constant 0 : i32
    "tpu.region"() ({
      %run_scoped3A_87 = tpu.sem_alloc : memref<!tpu.dma_semaphore, #tpu.memory_space<semaphore_mem>>
      %dma_start3A_88 = arith.constant 0 : i32
      %dma_start3A_89 = arith.constant 0 : i32
      %dma_start3A_90 = tpu.memref_slice %arg3[%run_scoped3A, %add3A, %dma_start3A_88, %dma_start3A_89] : memref<2x32x80x125xi32, #tpu.memory_space<hbm>> -> memref<1x1x80x125xi32, #tpu.memory_space<hbm>>
      %dma_start3A_91 = tpu.memref_squeeze %dma_start3A_90 : memref<1x1x80x125xi32, #tpu.memory_space<hbm>> -> memref<80x125xi32, #tpu.memory_space<hbm>>
      %dma_start3A_92 = arith.constant 0 : i32
      %dma_start3A_93 = arith.constant 0 : i32
      %dma_start3A_94 = tpu.memref_slice %arg3[%run_scoped3A, %add3A, %dma_start3A_92, %dma_start3A_93] : memref<2x32x80x125xi32, #tpu.memory_space<hbm>> -> memref<1x1x80x125xi32, #tpu.memory_space<hbm>>
      %dma_start3A_95 = tpu.memref_squeeze %dma_start3A_94 : memref<1x1x80x125xi32, #tpu.memory_space<hbm>> -> memref<80x125xi32, #tpu.memory_space<hbm>>
      tpu.enqueue_dma source(%dma_start3A_95 : memref<80x125xi32, #tpu.memory_space<hbm>>) target(%arg5 : memref<80x125xi32, #tpu.memory_space<vmem>>) target_semaphore(%run_scoped3A_87 : memref<!tpu.dma_semaphore, #tpu.memory_space<semaphore_mem>>)
      %dma_wait3A_96 = arith.constant 0 : i32
      %dma_wait3A_97 = arith.constant 0 : i32
      %dma_wait3A_98 = tpu.memref_slice %arg3[%run_scoped3A, %add3A, %dma_wait3A_96, %dma_wait3A_97] : memref<2x32x80x125xi32, #tpu.memory_space<hbm>> -> memref<1x1x80x125xi32, #tpu.memory_space<hbm>>
      %dma_wait3A_99 = tpu.memref_squeeze %dma_wait3A_98 : memref<1x1x80x125xi32, #tpu.memory_space<hbm>> -> memref<80x125xi32, #tpu.memory_space<hbm>>
      %dma_wait3A_100 = arith.constant 0 : i32
      %dma_wait3A_101 = arith.constant 0 : i32
      %dma_wait3A_102 = tpu.memref_slice %arg3[%run_scoped3A, %add3A, %dma_wait3A_100, %dma_wait3A_101] : memref<2x32x80x125xi32, #tpu.memory_space<hbm>> -> memref<1x1x80x125xi32, #tpu.memory_space<hbm>>
      %dma_wait3A_103 = tpu.memref_squeeze %dma_wait3A_102 : memref<1x1x80x125xi32, #tpu.memory_space<hbm>> -> memref<80x125xi32, #tpu.memory_space<hbm>>
      tpu.wait_dma2 semaphore(%run_scoped3A_87 : memref<!tpu.dma_semaphore, #tpu.memory_space<semaphore_mem>>) src(%dma_wait3A_103 : memref<80x125xi32, #tpu.memory_space<hbm>>) dst(%arg5 : memref<80x125xi32, #tpu.memory_space<vmem>>)
      tpu.yield
    }) : () -> ()
    %run_scoped3A_1 = arith.constant 1 : i32
    "tpu.region"() ({
      %run_scoped3A_87 = tpu.sem_alloc : memref<!tpu.dma_semaphore, #tpu.memory_space<semaphore_mem>>
      %dma_start3A_88 = arith.constant 0 : i32
      %dma_start3A_89 = arith.constant 0 : i32
      %dma_start3A_90 = tpu.memref_slice %arg3[%run_scoped3A_1, %add3A, %dma_start3A_88, %dma_start3A_89] : memref<2x32x80x125xi32, #tpu.memory_space<hbm>> -> memref<1x1x80x125xi32, #tpu.memory_space<hbm>>
      %dma_start3A_91 = tpu.memref_squeeze %dma_start3A_90 : memref<1x1x80x125xi32, #tpu.memory_space<hbm>> -> memref<80x125xi32, #tpu.memory_space<hbm>>
      %dma_start3A_92 = arith.constant 0 : i32
      %dma_start3A_93 = arith.constant 0 : i32
      %dma_start3A_94 = tpu.memref_slice %arg3[%run_scoped3A_1, %add3A, %dma_start3A_92, %dma_start3A_93] : memref<2x32x80x125xi32, #tpu.memory_space<hbm>> -> memref<1x1x80x125xi32, #tpu.memory_space<hbm>>
      %dma_start3A_95 = tpu.memref_squeeze %dma_start3A_94 : memref<1x1x80x125xi32, #tpu.memory_space<hbm>> -> memref<80x125xi32, #tpu.memory_space<hbm>>
      tpu.enqueue_dma source(%dma_start3A_95 : memref<80x125xi32, #tpu.memory_space<hbm>>) target(%arg6 : memref<80x125xi32, #tpu.memory_space<vmem>>) target_semaphore(%run_scoped3A_87 : memref<!tpu.dma_semaphore, #tpu.memory_space<semaphore_mem>>)
      %dma_wait3A_96 = arith.constant 0 : i32
      %dma_wait3A_97 = arith.constant 0 : i32
      %dma_wait3A_98 = tpu.memref_slice %arg3[%run_scoped3A_1, %add3A, %dma_wait3A_96, %dma_wait3A_97] : memref<2x32x80x125xi32, #tpu.memory_space<hbm>> -> memref<1x1x80x125xi32, #tpu.memory_space<hbm>>
      %dma_wait3A_99 = tpu.memref_squeeze %dma_wait3A_98 : memref<1x1x80x125xi32, #tpu.memory_space<hbm>> -> memref<80x125xi32, #tpu.memory_space<hbm>>
      %dma_wait3A_100 = arith.constant 0 : i32
      %dma_wait3A_101 = arith.constant 0 : i32
      %dma_wait3A_102 = tpu.memref_slice %arg3[%run_scoped3A_1, %add3A, %dma_wait3A_100, %dma_wait3A_101] : memref<2x32x80x125xi32, #tpu.memory_space<hbm>> -> memref<1x1x80x125xi32, #tpu.memory_space<hbm>>
      %dma_wait3A_103 = tpu.memref_squeeze %dma_wait3A_102 : memref<1x1x80x125xi32, #tpu.memory_space<hbm>> -> memref<80x125xi32, #tpu.memory_space<hbm>>
      tpu.wait_dma2 semaphore(%run_scoped3A_87 : memref<!tpu.dma_semaphore, #tpu.memory_space<semaphore_mem>>) src(%dma_wait3A_103 : memref<80x125xi32, #tpu.memory_space<hbm>>) dst(%arg6 : memref<80x125xi32, #tpu.memory_space<vmem>>)
      tpu.yield
    }) : () -> ()
    %broadcast_in_dim3A = arith.constant 0.000000e+00 : f32
    %broadcast_in_dim3A_2 = vector.broadcast %broadcast_in_dim3A : f32 to vector<16xf32>
    %scan3A = arith.constant 0 : i32
    %scan3A_3 = arith.constant 632 : i32
    %scan3A_4 = arith.addi %scan3A, %scan3A_3 : i32
    %scan3A_5 = arith.constant 1 : i32
    scf.for %scan3A_87 = %scan3A to %scan3A_4 step %scan3A_5  : i32 {
      %mul3A_88 = arith.constant 1 : i32
      %mul3A_89 = arith.muli %scan3A_87, %mul3A_88 : i32
      %add3A_90 = arith.constant 0 : i32
      %add3A_91 = arith.addi %add3A_90, %mul3A_89 : i32
      %swap3A = arith.index_cast %add3A_91 : i32 to index
      %swap3A_92 = arith.constant 0 : index
      %swap3A_93 = tpu.vector_load %arg17[%swap3A, %swap3A_92] {strides = array<i32>} : memref<632x16xf32, #tpu.memory_space<vmem>>, vector<1x16xf32>,
      %swap3A_94 = vector.shape_cast %swap3A_93 : vector<1x16xf32> to vector<16xf32>
      %swap3A_95 = vector.shape_cast %broadcast_in_dim3A_2 : vector<16xf32> to vector<1x16xf32>
      tpu.vector_store %arg17[%swap3A, %swap3A_92], %swap3A_95 {strides = array<i32>} : memref<632x16xf32, #tpu.memory_space<vmem>>, vector<1x16xf32>,
    }
    %scan3A_6 = arith.constant 632 : i32
    %mul3A_7 = arith.constant 632 : i32
    %mul3A_8 = arith.muli %arg1, %mul3A_7 : i32
    "tpu.region"() ({
      %run_scoped3A_87 = tpu.sem_alloc : memref<!tpu.dma_semaphore, #tpu.memory_space<semaphore_mem>>
      %dma_start3A_88 = arith.constant 0 : i32
      %dma_start3A_89 = tpu.memref_slice %arg18[%mul3A_8, %dma_start3A_88] : memref<10112x16xf32, #tpu.memory_space<vmem_shared>> -> memref<632x16xf32, #tpu.memory_space<vmem_shared>>
      %dma_start3A_90 = arith.constant 0 : i32
      %dma_start3A_91 = tpu.memref_slice %arg18[%mul3A_8, %dma_start3A_90] : memref<10112x16xf32, #tpu.memory_space<vmem_shared>> -> memref<632x16xf32, #tpu.memory_space<vmem_shared>>
      tpu.enqueue_dma source(%arg17 : memref<632x16xf32, #tpu.memory_space<vmem>>) target(%dma_start3A_91 : memref<632x16xf32, #tpu.memory_space<vmem_shared>>) target_semaphore(%run_scoped3A_87 : memref<!tpu.dma_semaphore, #tpu.memory_space<semaphore_mem>>)
      %dma_wait3A_92 = arith.constant 0 : i32
      %dma_wait3A_93 = tpu.memref_slice %arg18[%mul3A_8, %dma_wait3A_92] : memref<10112x16xf32, #tpu.memory_space<vmem_shared>> -> memref<632x16xf32, #tpu.memory_space<vmem_shared>>
      %dma_wait3A_94 = arith.constant 0 : i32
      %dma_wait3A_95 = tpu.memref_slice %arg18[%mul3A_8, %dma_wait3A_94] : memref<10112x16xf32, #tpu.memory_space<vmem_shared>> -> memref<632x16xf32, #tpu.memory_space<vmem_shared>>
      tpu.wait_dma2 semaphore(%run_scoped3A_87 : memref<!tpu.dma_semaphore, #tpu.memory_space<semaphore_mem>>) src(%arg17 : memref<632x16xf32, #tpu.memory_space<vmem>>) dst(%dma_wait3A_95 : memref<632x16xf32, #tpu.memory_space<vmem_shared>>)
      tpu.yield
    }) : () -> ()
    %barrier3A = arith.constant 0 : index
    tpu.barrier barrier_id(%barrier3A)
    %dma_start3A = arith.constant 0 : i32
    %dma_start3A_9 = arith.constant 0 : i32
    %dma_start3A_10 = tpu.memref_slice %arg5[%dma_start3A, %dma_start3A_9] : memref<80x125xi32, #tpu.memory_space<vmem>> -> memref<1x125xi32, #tpu.memory_space<vmem>>
    %dma_start3A_11 = tpu.memref_squeeze %dma_start3A_10 : memref<1x125xi32, #tpu.memory_space<vmem>> -> memref<125xi32, #tpu.memory_space<vmem>>
    %dma_start3A_12 = arith.constant 0 : i32
    %dma_start3A_13 = arith.constant 0 : i32
    %dma_start3A_14 = tpu.memref_slice %arg2[%dma_start3A_12, %dma_start3A_13] : memref<10112x16xf32, #tpu.memory_space<hbm>> -> memref<10112x16xf32, #tpu.memory_space<hbm>>
    tpu.enqueue_indirect_dma source(%dma_start3A_14 : memref<10112x16xf32, #tpu.memory_space<hbm>>) target(%arg7 : memref<125x16xf32, #tpu.memory_space<vmem>>) offsets(%dma_start3A_11 : memref<125xi32, #tpu.memory_space<vmem>>) semaphore(%arg19 : memref<!tpu.dma_semaphore, #tpu.memory_space<semaphore_mem>>)
    %dma_start3A_15 = arith.constant 1 : i32
    %dma_start3A_16 = arith.constant 0 : i32
    %dma_start3A_17 = tpu.memref_slice %arg5[%dma_start3A_15, %dma_start3A_16] : memref<80x125xi32, #tpu.memory_space<vmem>> -> memref<1x125xi32, #tpu.memory_space<vmem>>
    %dma_start3A_18 = tpu.memref_squeeze %dma_start3A_17 : memref<1x125xi32, #tpu.memory_space<vmem>> -> memref<125xi32, #tpu.memory_space<vmem>>
    %dma_start3A_19 = arith.constant 0 : i32
    %dma_start3A_20 = arith.constant 0 : i32
    %dma_start3A_21 = tpu.memref_slice %arg2[%dma_start3A_19, %dma_start3A_20] : memref<10112x16xf32, #tpu.memory_space<hbm>> -> memref<10112x16xf32, #tpu.memory_space<hbm>>
    tpu.enqueue_indirect_dma source(%dma_start3A_21 : memref<10112x16xf32, #tpu.memory_space<hbm>>) target(%arg8 : memref<125x16xf32, #tpu.memory_space<vmem>>) offsets(%dma_start3A_18 : memref<125xi32, #tpu.memory_space<vmem>>) semaphore(%arg20 : memref<!tpu.dma_semaphore, #tpu.memory_space<semaphore_mem>>)
    %dma_start3A_22 = arith.constant 2 : i32
    %dma_start3A_23 = arith.constant 0 : i32
    %dma_start3A_24 = tpu.memref_slice %arg5[%dma_start3A_22, %dma_start3A_23] : memref<80x125xi32, #tpu.memory_space<vmem>> -> memref<1x125xi32, #tpu.memory_space<vmem>>
    %dma_start3A_25 = tpu.memref_squeeze %dma_start3A_24 : memref<1x125xi32, #tpu.memory_space<vmem>> -> memref<125xi32, #tpu.memory_space<vmem>>
    %dma_start3A_26 = arith.constant 0 : i32
    %dma_start3A_27 = arith.constant 0 : i32
    %dma_start3A_28 = tpu.memref_slice %arg2[%dma_start3A_26, %dma_start3A_27] : memref<10112x16xf32, #tpu.memory_space<hbm>> -> memref<10112x16xf32, #tpu.memory_space<hbm>>
    tpu.enqueue_indirect_dma source(%dma_start3A_28 : memref<10112x16xf32, #tpu.memory_space<hbm>>) target(%arg9 : memref<125x16xf32, #tpu.memory_space<vmem>>) offsets(%dma_start3A_25 : memref<125xi32, #tpu.memory_space<vmem>>) semaphore(%arg21 : memref<!tpu.dma_semaphore, #tpu.memory_space<semaphore_mem>>)
    %dma_start3A_29 = arith.constant 3 : i32
    %dma_start3A_30 = arith.constant 0 : i32
    %dma_start3A_31 = tpu.memref_slice %arg5[%dma_start3A_29, %dma_start3A_30] : memref<80x125xi32, #tpu.memory_space<vmem>> -> memref<1x125xi32, #tpu.memory_space<vmem>>
    %dma_start3A_32 = tpu.memref_squeeze %dma_start3A_31 : memref<1x125xi32, #tpu.memory_space<vmem>> -> memref<125xi32, #tpu.memory_space<vmem>>
    %dma_start3A_33 = arith.constant 0 : i32
    %dma_start3A_34 = arith.constant 0 : i32
    %dma_start3A_35 = tpu.memref_slice %arg2[%dma_start3A_33, %dma_start3A_34] : memref<10112x16xf32, #tpu.memory_space<hbm>> -> memref<10112x16xf32, #tpu.memory_space<hbm>>
    tpu.enqueue_indirect_dma source(%dma_start3A_35 : memref<10112x16xf32, #tpu.memory_space<hbm>>) target(%arg10 : memref<125x16xf32, #tpu.memory_space<vmem>>) offsets(%dma_start3A_32 : memref<125xi32, #tpu.memory_space<vmem>>) semaphore(%arg22 : memref<!tpu.dma_semaphore, #tpu.memory_space<semaphore_mem>>)
    %dma_start3A_36 = arith.constant 4 : i32
    %dma_start3A_37 = arith.constant 0 : i32
    %dma_start3A_38 = tpu.memref_slice %arg5[%dma_start3A_36, %dma_start3A_37] : memref<80x125xi32, #tpu.memory_space<vmem>> -> memref<1x125xi32, #tpu.memory_space<vmem>>
    %dma_start3A_39 = tpu.memref_squeeze %dma_start3A_38 : memref<1x125xi32, #tpu.memory_space<vmem>> -> memref<125xi32, #tpu.memory_space<vmem>>
    %dma_start3A_40 = arith.constant 0 : i32
    %dma_start3A_41 = arith.constant 0 : i32
    %dma_start3A_42 = tpu.memref_slice %arg2[%dma_start3A_40, %dma_start3A_41] : memref<10112x16xf32, #tpu.memory_space<hbm>> -> memref<10112x16xf32, #tpu.memory_space<hbm>>
    tpu.enqueue_indirect_dma source(%dma_start3A_42 : memref<10112x16xf32, #tpu.memory_space<hbm>>) target(%arg11 : memref<125x16xf32, #tpu.memory_space<vmem>>) offsets(%dma_start3A_39 : memref<125xi32, #tpu.memory_space<vmem>>) semaphore(%arg23 : memref<!tpu.dma_semaphore, #tpu.memory_space<semaphore_mem>>)
    %dma_start3A_43 = arith.constant 5 : i32
    %dma_start3A_44 = arith.constant 0 : i32
    %dma_start3A_45 = tpu.memref_slice %arg5[%dma_start3A_43, %dma_start3A_44] : memref<80x125xi32, #tpu.memory_space<vmem>> -> memref<1x125xi32, #tpu.memory_space<vmem>>
    %dma_start3A_46 = tpu.memref_squeeze %dma_start3A_45 : memref<1x125xi32, #tpu.memory_space<vmem>> -> memref<125xi32, #tpu.memory_space<vmem>>
    %dma_start3A_47 = arith.constant 0 : i32
    %dma_start3A_48 = arith.constant 0 : i32
    %dma_start3A_49 = tpu.memref_slice %arg2[%dma_start3A_47, %dma_start3A_48] : memref<10112x16xf32, #tpu.memory_space<hbm>> -> memref<10112x16xf32, #tpu.memory_space<hbm>>
    tpu.enqueue_indirect_dma source(%dma_start3A_49 : memref<10112x16xf32, #tpu.memory_space<hbm>>) target(%arg12 : memref<125x16xf32, #tpu.memory_space<vmem>>) offsets(%dma_start3A_46 : memref<125xi32, #tpu.memory_space<vmem>>) semaphore(%arg24 : memref<!tpu.dma_semaphore, #tpu.memory_space<semaphore_mem>>)
    %dma_start3A_50 = arith.constant 6 : i32
    %dma_start3A_51 = arith.constant 0 : i32
    %dma_start3A_52 = tpu.memref_slice %arg5[%dma_start3A_50, %dma_start3A_51] : memref<80x125xi32, #tpu.memory_space<vmem>> -> memref<1x125xi32, #tpu.memory_space<vmem>>
    %dma_start3A_53 = tpu.memref_squeeze %dma_start3A_52 : memref<1x125xi32, #tpu.memory_space<vmem>> -> memref<125xi32, #tpu.memory_space<vmem>>
    %dma_start3A_54 = arith.constant 0 : i32
    %dma_start3A_55 = arith.constant 0 : i32
    %dma_start3A_56 = tpu.memref_slice %arg2[%dma_start3A_54, %dma_start3A_55] : memref<10112x16xf32, #tpu.memory_space<hbm>> -> memref<10112x16xf32, #tpu.memory_space<hbm>>
    tpu.enqueue_indirect_dma source(%dma_start3A_56 : memref<10112x16xf32, #tpu.memory_space<hbm>>) target(%arg13 : memref<125x16xf32, #tpu.memory_space<vmem>>) offsets(%dma_start3A_53 : memref<125xi32, #tpu.memory_space<vmem>>) semaphore(%arg25 : memref<!tpu.dma_semaphore, #tpu.memory_space<semaphore_mem>>)
    %scan3A_57 = arith.constant 0 : i32
    %scan3A_58 = arith.constant 8 : i32
    %scan3A_59 = arith.addi %scan3A_57, %scan3A_58 : i32
    %scan3A_60 = arith.constant 1 : i32
    scf.for %scan3A_87 = %scan3A_57 to %scan3A_59 step %scan3A_60  : i32 {
      %mul3A_88 = arith.constant 1 : i32
      %mul3A_89 = arith.muli %scan3A_87, %mul3A_88 : i32
      %add3A_90 = arith.constant 0 : i32
      %add3A_91 = arith.addi %add3A_90, %mul3A_89 : i32
      %mul3A_92 = arith.constant 10 : i32
      %mul3A_93 = arith.muli %add3A_91, %mul3A_92 : i32
      %add3A_94 = arith.constant 0 : i32
      %add3A_95 = arith.addi %mul3A_93, %add3A_94 : i32
      %dma_wait3A_96 = arith.constant 0 : i32
      %dma_wait3A_97 = tpu.memref_slice %arg5[%add3A_95, %dma_wait3A_96] : memref<80x125xi32, #tpu.memory_space<vmem>> -> memref<1x125xi32, #tpu.memory_space<vmem>>
      %dma_wait3A_98 = tpu.memref_squeeze %dma_wait3A_97 : memref<1x125xi32, #tpu.memory_space<vmem>> -> memref<125xi32, #tpu.memory_space<vmem>>
      %dma_wait3A_99 = arith.constant 0 : i32
      %dma_wait3A_100 = arith.constant 0 : i32
      %dma_wait3A_101 = tpu.memref_slice %arg2[%dma_wait3A_99, %dma_wait3A_100] : memref<10112x16xf32, #tpu.memory_space<hbm>> -> memref<10112x16xf32, #tpu.memory_space<hbm>>
      tpu.wait_indirect_dma semaphore(%arg19 : memref<!tpu.dma_semaphore, #tpu.memory_space<semaphore_mem>>) src(%dma_wait3A_101 : memref<10112x16xf32, #tpu.memory_space<hbm>>) dst(%arg7 : memref<125x16xf32, #tpu.memory_space<vmem>>)
      %dma_start3A_102 = arith.constant 0 : i32
      %dma_start3A_103 = tpu.memref_slice %arg6[%add3A_95, %dma_start3A_102] : memref<80x125xi32, #tpu.memory_space<vmem>> -> memref<1x125xi32, #tpu.memory_space<vmem>>
      %dma_start3A_104 = tpu.memref_squeeze %dma_start3A_103 : memref<1x125xi32, #tpu.memory_space<vmem>> -> memref<125xi32, #tpu.memory_space<vmem>>
      %dma_start3A_105 = arith.constant 0 : i32
      %dma_start3A_106 = arith.constant 0 : i32
      %dma_start3A_107 = tpu.memref_slice %arg18[%dma_start3A_105, %dma_start3A_106] : memref<10112x16xf32, #tpu.memory_space<vmem_shared>> -> memref<10112x16xf32, #tpu.memory_space<vmem_shared>>
      tpu.enqueue_indirect_dma source(%arg7 : memref<125x16xf32, #tpu.memory_space<vmem>>) target(%dma_start3A_107 : memref<10112x16xf32, #tpu.memory_space<vmem_shared>>) offsets(%dma_start3A_104 : memref<125xi32, #tpu.memory_space<vmem>>) semaphore(%arg29 : memref<!tpu.dma_semaphore, #tpu.memory_space<semaphore_mem>>) {add = true}
      %ge3A = arith.constant 3 : i32
      %ge3A_108 = arith.cmpi sge, %add3A_95, %ge3A : i32
      %convert_element_type3A = arith.extui %ge3A_108 : i1 to i32
      %cond3A = arith.constant 0 : i32
      %cond3A_109 = arith.cmpi ne, %convert_element_type3A, %cond3A : i32
      scf.if %cond3A_109 {
        %dma_wait3A_348 = arith.constant 0 : i32
        %dma_wait3A_349 = tpu.memref_slice %arg6[%add3A_95, %dma_wait3A_348] : memref<80x125xi32, #tpu.memory_space<vmem>> -> memref<1x125xi32, #tpu.memory_space<vmem>>
        %dma_wait3A_350 = tpu.memref_squeeze %dma_wait3A_349 : memref<1x125xi32, #tpu.memory_space<vmem>> -> memref<125xi32, #tpu.memory_space<vmem>>
        %dma_wait3A_351 = arith.constant 0 : i32
        %dma_wait3A_352 = arith.constant 0 : i32
        %dma_wait3A_353 = tpu.memref_slice %arg18[%dma_wait3A_351, %dma_wait3A_352] : memref<10112x16xf32, #tpu.memory_space<vmem_shared>> -> memref<10112x16xf32, #tpu.memory_space<vmem_shared>>
        tpu.wait_indirect_dma semaphore(%arg36 : memref<!tpu.dma_semaphore, #tpu.memory_space<semaphore_mem>>) src(%arg14 : memref<125x16xf32, #tpu.memory_space<vmem>>) dst(%dma_wait3A_353 : memref<10112x16xf32, #tpu.memory_space<vmem_shared>>)
      } else {
      }
      %lt3A = arith.constant 73 : i32
      %lt3A_110 = arith.cmpi slt, %add3A_95, %lt3A : i32
      %convert_element_type3A_111 = arith.extui %lt3A_110 : i1 to i32
      %cond3A_112 = arith.constant 0 : i32
      %cond3A_113 = arith.cmpi ne, %convert_element_type3A_111, %cond3A_112 : i32
      scf.if %cond3A_113 {
        %add3A_348 = arith.constant 7 : i32
        %add3A_349 = arith.addi %add3A_95, %add3A_348 : i32
        %dma_start3A_350 = arith.constant 0 : i32
        %dma_start3A_351 = tpu.memref_slice %arg5[%add3A_349, %dma_start3A_350] : memref<80x125xi32, #tpu.memory_space<vmem>> -> memref<1x125xi32, #tpu.memory_space<vmem>>
        %dma_start3A_352 = tpu.memref_squeeze %dma_start3A_351 : memref<1x125xi32, #tpu.memory_space<vmem>> -> memref<125xi32, #tpu.memory_space<vmem>>
        %dma_start3A_353 = arith.constant 0 : i32
        %dma_start3A_354 = arith.constant 0 : i32
        %dma_start3A_355 = tpu.memref_slice %arg2[%dma_start3A_353, %dma_start3A_354] : memref<10112x16xf32, #tpu.memory_space<hbm>> -> memref<10112x16xf32, #tpu.memory_space<hbm>>
        tpu.enqueue_indirect_dma source(%dma_start3A_355 : memref<10112x16xf32, #tpu.memory_space<hbm>>) target(%arg14 : memref<125x16xf32, #tpu.memory_space<vmem>>) offsets(%dma_start3A_352 : memref<125xi32, #tpu.memory_space<vmem>>) semaphore(%arg26 : memref<!tpu.dma_semaphore, #tpu.memory_space<semaphore_mem>>)
      } else {
      }
      %mul3A_114 = arith.constant 10 : i32
      %mul3A_115 = arith.muli %add3A_91, %mul3A_114 : i32
      %add3A_116 = arith.constant 1 : i32
      %add3A_117 = arith.addi %mul3A_115, %add3A_116 : i32
      %dma_wait3A_118 = arith.constant 0 : i32
      %dma_wait3A_119 = tpu.memref_slice %arg5[%add3A_117, %dma_wait3A_118] : memref<80x125xi32, #tpu.memory_space<vmem>> -> memref<1x125xi32, #tpu.memory_space<vmem>>
      %dma_wait3A_120 = tpu.memref_squeeze %dma_wait3A_119 : memref<1x125xi32, #tpu.memory_space<vmem>> -> memref<125xi32, #tpu.memory_space<vmem>>
      %dma_wait3A_121 = arith.constant 0 : i32
      %dma_wait3A_122 = arith.constant 0 : i32
      %dma_wait3A_123 = tpu.memref_slice %arg2[%dma_wait3A_121, %dma_wait3A_122] : memref<10112x16xf32, #tpu.memory_space<hbm>> -> memref<10112x16xf32, #tpu.memory_space<hbm>>
      tpu.wait_indirect_dma semaphore(%arg20 : memref<!tpu.dma_semaphore, #tpu.memory_space<semaphore_mem>>) src(%dma_wait3A_123 : memref<10112x16xf32, #tpu.memory_space<hbm>>) dst(%arg8 : memref<125x16xf32, #tpu.memory_space<vmem>>)
      %dma_start3A_124 = arith.constant 0 : i32
      %dma_start3A_125 = tpu.memref_slice %arg6[%add3A_117, %dma_start3A_124] : memref<80x125xi32, #tpu.memory_space<vmem>> -> memref<1x125xi32, #tpu.memory_space<vmem>>
      %dma_start3A_126 = tpu.memref_squeeze %dma_start3A_125 : memref<1x125xi32, #tpu.memory_space<vmem>> -> memref<125xi32, #tpu.memory_space<vmem>>
      %dma_start3A_127 = arith.constant 0 : i32
      %dma_start3A_128 = arith.constant 0 : i32
      %dma_start3A_129 = tpu.memref_slice %arg18[%dma_start3A_127, %dma_start3A_128] : memref<10112x16xf32, #tpu.memory_space<vmem_shared>> -> memref<10112x16xf32, #tpu.memory_space<vmem_shared>>
      tpu.enqueue_indirect_dma source(%arg8 : memref<125x16xf32, #tpu.memory_space<vmem>>) target(%dma_start3A_129 : memref<10112x16xf32, #tpu.memory_space<vmem_shared>>) offsets(%dma_start3A_126 : memref<125xi32, #tpu.memory_space<vmem>>) semaphore(%arg30 : memref<!tpu.dma_semaphore, #tpu.memory_space<semaphore_mem>>) {add = true}
      %ge3A_130 = arith.constant 3 : i32
      %ge3A_131 = arith.cmpi sge, %add3A_117, %ge3A_130 : i32
      %convert_element_type3A_132 = arith.extui %ge3A_131 : i1 to i32
      %cond3A_133 = arith.constant 0 : i32
      %cond3A_134 = arith.cmpi ne, %convert_element_type3A_132, %cond3A_133 : i32
      scf.if %cond3A_134 {
        %dma_wait3A_348 = arith.constant 0 : i32
        %dma_wait3A_349 = tpu.memref_slice %arg6[%add3A_117, %dma_wait3A_348] : memref<80x125xi32, #tpu.memory_space<vmem>> -> memref<1x125xi32, #tpu.memory_space<vmem>>
        %dma_wait3A_350 = tpu.memref_squeeze %dma_wait3A_349 : memref<1x125xi32, #tpu.memory_space<vmem>> -> memref<125xi32, #tpu.memory_space<vmem>>
        %dma_wait3A_351 = arith.constant 0 : i32
        %dma_wait3A_352 = arith.constant 0 : i32
        %dma_wait3A_353 = tpu.memref_slice %arg18[%dma_wait3A_351, %dma_wait3A_352] : memref<10112x16xf32, #tpu.memory_space<vmem_shared>> -> memref<10112x16xf32, #tpu.memory_space<vmem_shared>>
        tpu.wait_indirect_dma semaphore(%arg37 : memref<!tpu.dma_semaphore, #tpu.memory_space<semaphore_mem>>) src(%arg15 : memref<125x16xf32, #tpu.memory_space<vmem>>) dst(%dma_wait3A_353 : memref<10112x16xf32, #tpu.memory_space<vmem_shared>>)
      } else {
      }
      %lt3A_135 = arith.constant 73 : i32
      %lt3A_136 = arith.cmpi slt, %add3A_117, %lt3A_135 : i32
      %convert_element_type3A_137 = arith.extui %lt3A_136 : i1 to i32
      %cond3A_138 = arith.constant 0 : i32
      %cond3A_139 = arith.cmpi ne, %convert_element_type3A_137, %cond3A_138 : i32
      scf.if %cond3A_139 {
        %add3A_348 = arith.constant 7 : i32
        %add3A_349 = arith.addi %add3A_117, %add3A_348 : i32
        %dma_start3A_350 = arith.constant 0 : i32
        %dma_start3A_351 = tpu.memref_slice %arg5[%add3A_349, %dma_start3A_350] : memref<80x125xi32, #tpu.memory_space<vmem>> -> memref<1x125xi32, #tpu.memory_space<vmem>>
        %dma_start3A_352 = tpu.memref_squeeze %dma_start3A_351 : memref<1x125xi32, #tpu.memory_space<vmem>> -> memref<125xi32, #tpu.memory_space<vmem>>
        %dma_start3A_353 = arith.constant 0 : i32
        %dma_start3A_354 = arith.constant 0 : i32
        %dma_start3A_355 = tpu.memref_slice %arg2[%dma_start3A_353, %dma_start3A_354] : memref<10112x16xf32, #tpu.memory_space<hbm>> -> memref<10112x16xf32, #tpu.memory_space<hbm>>
        tpu.enqueue_indirect_dma source(%dma_start3A_355 : memref<10112x16xf32, #tpu.memory_space<hbm>>) target(%arg15 : memref<125x16xf32, #tpu.memory_space<vmem>>) offsets(%dma_start3A_352 : memref<125xi32, #tpu.memory_space<vmem>>) semaphore(%arg27 : memref<!tpu.dma_semaphore, #tpu.memory_space<semaphore_mem>>)
      } else {
      }
      %mul3A_140 = arith.constant 10 : i32
      %mul3A_141 = arith.muli %add3A_91, %mul3A_140 : i32
      %add3A_142 = arith.constant 2 : i32
      %add3A_143 = arith.addi %mul3A_141, %add3A_142 : i32
      %dma_wait3A_144 = arith.constant 0 : i32
      %dma_wait3A_145 = tpu.memref_slice %arg5[%add3A_143, %dma_wait3A_144] : memref<80x125xi32, #tpu.memory_space<vmem>> -> memref<1x125xi32, #tpu.memory_space<vmem>>
      %dma_wait3A_146 = tpu.memref_squeeze %dma_wait3A_145 : memref<1x125xi32, #tpu.memory_space<vmem>> -> memref<125xi32, #tpu.memory_space<vmem>>
      %dma_wait3A_147 = arith.constant 0 : i32
      %dma_wait3A_148 = arith.constant 0 : i32
      %dma_wait3A_149 = tpu.memref_slice %arg2[%dma_wait3A_147, %dma_wait3A_148] : memref<10112x16xf32, #tpu.memory_space<hbm>> -> memref<10112x16xf32, #tpu.memory_space<hbm>>
      tpu.wait_indirect_dma semaphore(%arg21 : memref<!tpu.dma_semaphore, #tpu.memory_space<semaphore_mem>>) src(%dma_wait3A_149 : memref<10112x16xf32, #tpu.memory_space<hbm>>) dst(%arg9 : memref<125x16xf32, #tpu.memory_space<vmem>>)
      %dma_start3A_150 = arith.constant 0 : i32
      %dma_start3A_151 = tpu.memref_slice %arg6[%add3A_143, %dma_start3A_150] : memref<80x125xi32, #tpu.memory_space<vmem>> -> memref<1x125xi32, #tpu.memory_space<vmem>>
      %dma_start3A_152 = tpu.memref_squeeze %dma_start3A_151 : memref<1x125xi32, #tpu.memory_space<vmem>> -> memref<125xi32, #tpu.memory_space<vmem>>
      %dma_start3A_153 = arith.constant 0 : i32
      %dma_start3A_154 = arith.constant 0 : i32
      %dma_start3A_155 = tpu.memref_slice %arg18[%dma_start3A_153, %dma_start3A_154] : memref<10112x16xf32, #tpu.memory_space<vmem_shared>> -> memref<10112x16xf32, #tpu.memory_space<vmem_shared>>
      tpu.enqueue_indirect_dma source(%arg9 : memref<125x16xf32, #tpu.memory_space<vmem>>) target(%dma_start3A_155 : memref<10112x16xf32, #tpu.memory_space<vmem_shared>>) offsets(%dma_start3A_152 : memref<125xi32, #tpu.memory_space<vmem>>) semaphore(%arg31 : memref<!tpu.dma_semaphore, #tpu.memory_space<semaphore_mem>>) {add = true}
      %ge3A_156 = arith.constant 3 : i32
      %ge3A_157 = arith.cmpi sge, %add3A_143, %ge3A_156 : i32
      %convert_element_type3A_158 = arith.extui %ge3A_157 : i1 to i32
      %cond3A_159 = arith.constant 0 : i32
      %cond3A_160 = arith.cmpi ne, %convert_element_type3A_158, %cond3A_159 : i32
      scf.if %cond3A_160 {
        %dma_wait3A_348 = arith.constant 0 : i32
        %dma_wait3A_349 = tpu.memref_slice %arg6[%add3A_143, %dma_wait3A_348] : memref<80x125xi32, #tpu.memory_space<vmem>> -> memref<1x125xi32, #tpu.memory_space<vmem>>
        %dma_wait3A_350 = tpu.memref_squeeze %dma_wait3A_349 : memref<1x125xi32, #tpu.memory_space<vmem>> -> memref<125xi32, #tpu.memory_space<vmem>>
        %dma_wait3A_351 = arith.constant 0 : i32
        %dma_wait3A_352 = arith.constant 0 : i32
        %dma_wait3A_353 = tpu.memref_slice %arg18[%dma_wait3A_351, %dma_wait3A_352] : memref<10112x16xf32, #tpu.memory_space<vmem_shared>> -> memref<10112x16xf32, #tpu.memory_space<vmem_shared>>
        tpu.wait_indirect_dma semaphore(%arg38 : memref<!tpu.dma_semaphore, #tpu.memory_space<semaphore_mem>>) src(%arg16 : memref<125x16xf32, #tpu.memory_space<vmem>>) dst(%dma_wait3A_353 : memref<10112x16xf32, #tpu.memory_space<vmem_shared>>)
      } else {
      }
      %lt3A_161 = arith.constant 73 : i32
      %lt3A_162 = arith.cmpi slt, %add3A_143, %lt3A_161 : i32
      %convert_element_type3A_163 = arith.extui %lt3A_162 : i1 to i32
      %cond3A_164 = arith.constant 0 : i32
      %cond3A_165 = arith.cmpi ne, %convert_element_type3A_163, %cond3A_164 : i32
      scf.if %cond3A_165 {
        %add3A_348 = arith.constant 7 : i32
        %add3A_349 = arith.addi %add3A_143, %add3A_348 : i32
        %dma_start3A_350 = arith.constant 0 : i32
        %dma_start3A_351 = tpu.memref_slice %arg5[%add3A_349, %dma_start3A_350] : memref<80x125xi32, #tpu.memory_space<vmem>> -> memref<1x125xi32, #tpu.memory_space<vmem>>
        %dma_start3A_352 = tpu.memref_squeeze %dma_start3A_351 : memref<1x125xi32, #tpu.memory_space<vmem>> -> memref<125xi32, #tpu.memory_space<vmem>>
        %dma_start3A_353 = arith.constant 0 : i32
        %dma_start3A_354 = arith.constant 0 : i32
        %dma_start3A_355 = tpu.memref_slice %arg2[%dma_start3A_353, %dma_start3A_354] : memref<10112x16xf32, #tpu.memory_space<hbm>> -> memref<10112x16xf32, #tpu.memory_space<hbm>>
        tpu.enqueue_indirect_dma source(%dma_start3A_355 : memref<10112x16xf32, #tpu.memory_space<hbm>>) target(%arg16 : memref<125x16xf32, #tpu.memory_space<vmem>>) offsets(%dma_start3A_352 : memref<125xi32, #tpu.memory_space<vmem>>) semaphore(%arg28 : memref<!tpu.dma_semaphore, #tpu.memory_space<semaphore_mem>>)
      } else {
      }
      %mul3A_166 = arith.constant 10 : i32
      %mul3A_167 = arith.muli %add3A_91, %mul3A_166 : i32
      %add3A_168 = arith.constant 3 : i32
      %add3A_169 = arith.addi %mul3A_167, %add3A_168 : i32
      %dma_wait3A_170 = arith.constant 0 : i32
      %dma_wait3A_171 = tpu.memref_slice %arg5[%add3A_169, %dma_wait3A_170] : memref<80x125xi32, #tpu.memory_space<vmem>> -> memref<1x125xi32, #tpu.memory_space<vmem>>
      %dma_wait3A_172 = tpu.memref_squeeze %dma_wait3A_171 : memref<1x125xi32, #tpu.memory_space<vmem>> -> memref<125xi32, #tpu.memory_space<vmem>>
      %dma_wait3A_173 = arith.constant 0 : i32
      %dma_wait3A_174 = arith.constant 0 : i32
      %dma_wait3A_175 = tpu.memref_slice %arg2[%dma_wait3A_173, %dma_wait3A_174] : memref<10112x16xf32, #tpu.memory_space<hbm>> -> memref<10112x16xf32, #tpu.memory_space<hbm>>
      tpu.wait_indirect_dma semaphore(%arg22 : memref<!tpu.dma_semaphore, #tpu.memory_space<semaphore_mem>>) src(%dma_wait3A_175 : memref<10112x16xf32, #tpu.memory_space<hbm>>) dst(%arg10 : memref<125x16xf32, #tpu.memory_space<vmem>>)
      %dma_start3A_176 = arith.constant 0 : i32
      %dma_start3A_177 = tpu.memref_slice %arg6[%add3A_169, %dma_start3A_176] : memref<80x125xi32, #tpu.memory_space<vmem>> -> memref<1x125xi32, #tpu.memory_space<vmem>>
      %dma_start3A_178 = tpu.memref_squeeze %dma_start3A_177 : memref<1x125xi32, #tpu.memory_space<vmem>> -> memref<125xi32, #tpu.memory_space<vmem>>
      %dma_start3A_179 = arith.constant 0 : i32
      %dma_start3A_180 = arith.constant 0 : i32
      %dma_start3A_181 = tpu.memref_slice %arg18[%dma_start3A_179, %dma_start3A_180] : memref<10112x16xf32, #tpu.memory_space<vmem_shared>> -> memref<10112x16xf32, #tpu.memory_space<vmem_shared>>
      tpu.enqueue_indirect_dma source(%arg10 : memref<125x16xf32, #tpu.memory_space<vmem>>) target(%dma_start3A_181 : memref<10112x16xf32, #tpu.memory_space<vmem_shared>>) offsets(%dma_start3A_178 : memref<125xi32, #tpu.memory_space<vmem>>) semaphore(%arg32 : memref<!tpu.dma_semaphore, #tpu.memory_space<semaphore_mem>>) {add = true}
      %ge3A_182 = arith.constant 3 : i32
      %ge3A_183 = arith.cmpi sge, %add3A_169, %ge3A_182 : i32
      %convert_element_type3A_184 = arith.extui %ge3A_183 : i1 to i32
      %cond3A_185 = arith.constant 0 : i32
      %cond3A_186 = arith.cmpi ne, %convert_element_type3A_184, %cond3A_185 : i32
      scf.if %cond3A_186 {
        %dma_wait3A_348 = arith.constant 0 : i32
        %dma_wait3A_349 = tpu.memref_slice %arg6[%add3A_169, %dma_wait3A_348] : memref<80x125xi32, #tpu.memory_space<vmem>> -> memref<1x125xi32, #tpu.memory_space<vmem>>
        %dma_wait3A_350 = tpu.memref_squeeze %dma_wait3A_349 : memref<1x125xi32, #tpu.memory_space<vmem>> -> memref<125xi32, #tpu.memory_space<vmem>>
        %dma_wait3A_351 = arith.constant 0 : i32
        %dma_wait3A_352 = arith.constant 0 : i32
        %dma_wait3A_353 = tpu.memref_slice %arg18[%dma_wait3A_351, %dma_wait3A_352] : memref<10112x16xf32, #tpu.memory_space<vmem_shared>> -> memref<10112x16xf32, #tpu.memory_space<vmem_shared>>
        tpu.wait_indirect_dma semaphore(%arg29 : memref<!tpu.dma_semaphore, #tpu.memory_space<semaphore_mem>>) src(%arg7 : memref<125x16xf32, #tpu.memory_space<vmem>>) dst(%dma_wait3A_353 : memref<10112x16xf32, #tpu.memory_space<vmem_shared>>)
      } else {
      }
      %lt3A_187 = arith.constant 73 : i32
      %lt3A_188 = arith.cmpi slt, %add3A_169, %lt3A_187 : i32
      %convert_element_type3A_189 = arith.extui %lt3A_188 : i1 to i32
      %cond3A_190 = arith.constant 0 : i32
      %cond3A_191 = arith.cmpi ne, %convert_element_type3A_189, %cond3A_190 : i32
      scf.if %cond3A_191 {
        %add3A_348 = arith.constant 7 : i32
        %add3A_349 = arith.addi %add3A_169, %add3A_348 : i32
        %dma_start3A_350 = arith.constant 0 : i32
        %dma_start3A_351 = tpu.memref_slice %arg5[%add3A_349, %dma_start3A_350] : memref<80x125xi32, #tpu.memory_space<vmem>> -> memref<1x125xi32, #tpu.memory_space<vmem>>
        %dma_start3A_352 = tpu.memref_squeeze %dma_start3A_351 : memref<1x125xi32, #tpu.memory_space<vmem>> -> memref<125xi32, #tpu.memory_space<vmem>>
        %dma_start3A_353 = arith.constant 0 : i32
        %dma_start3A_354 = arith.constant 0 : i32
        %dma_start3A_355 = tpu.memref_slice %arg2[%dma_start3A_353, %dma_start3A_354] : memref<10112x16xf32, #tpu.memory_space<hbm>> -> memref<10112x16xf32, #tpu.memory_space<hbm>>
        tpu.enqueue_indirect_dma source(%dma_start3A_355 : memref<10112x16xf32, #tpu.memory_space<hbm>>) target(%arg7 : memref<125x16xf32, #tpu.memory_space<vmem>>) offsets(%dma_start3A_352 : memref<125xi32, #tpu.memory_space<vmem>>) semaphore(%arg19 : memref<!tpu.dma_semaphore, #tpu.memory_space<semaphore_mem>>)
      } else {
      }
      %mul3A_192 = arith.constant 10 : i32
      %mul3A_193 = arith.muli %add3A_91, %mul3A_192 : i32
      %add3A_194 = arith.constant 4 : i32
      %add3A_195 = arith.addi %mul3A_193, %add3A_194 : i32
      %dma_wait3A_196 = arith.constant 0 : i32
      %dma_wait3A_197 = tpu.memref_slice %arg5[%add3A_195, %dma_wait3A_196] : memref<80x125xi32, #tpu.memory_space<vmem>> -> memref<1x125xi32, #tpu.memory_space<vmem>>
      %dma_wait3A_198 = tpu.memref_squeeze %dma_wait3A_197 : memref<1x125xi32, #tpu.memory_space<vmem>> -> memref<125xi32, #tpu.memory_space<vmem>>
      %dma_wait3A_199 = arith.constant 0 : i32
      %dma_wait3A_200 = arith.constant 0 : i32
      %dma_wait3A_201 = tpu.memref_slice %arg2[%dma_wait3A_199, %dma_wait3A_200] : memref<10112x16xf32, #tpu.memory_space<hbm>> -> memref<10112x16xf32, #tpu.memory_space<hbm>>
      tpu.wait_indirect_dma semaphore(%arg23 : memref<!tpu.dma_semaphore, #tpu.memory_space<semaphore_mem>>) src(%dma_wait3A_201 : memref<10112x16xf32, #tpu.memory_space<hbm>>) dst(%arg11 : memref<125x16xf32, #tpu.memory_space<vmem>>)
      %dma_start3A_202 = arith.constant 0 : i32
      %dma_start3A_203 = tpu.memref_slice %arg6[%add3A_195, %dma_start3A_202] : memref<80x125xi32, #tpu.memory_space<vmem>> -> memref<1x125xi32, #tpu.memory_space<vmem>>
      %dma_start3A_204 = tpu.memref_squeeze %dma_start3A_203 : memref<1x125xi32, #tpu.memory_space<vmem>> -> memref<125xi32, #tpu.memory_space<vmem>>
      %dma_start3A_205 = arith.constant 0 : i32
      %dma_start3A_206 = arith.constant 0 : i32
      %dma_start3A_207 = tpu.memref_slice %arg18[%dma_start3A_205, %dma_start3A_206] : memref<10112x16xf32, #tpu.memory_space<vmem_shared>> -> memref<10112x16xf32, #tpu.memory_space<vmem_shared>>
      tpu.enqueue_indirect_dma source(%arg11 : memref<125x16xf32, #tpu.memory_space<vmem>>) target(%dma_start3A_207 : memref<10112x16xf32, #tpu.memory_space<vmem_shared>>) offsets(%dma_start3A_204 : memref<125xi32, #tpu.memory_space<vmem>>) semaphore(%arg33 : memref<!tpu.dma_semaphore, #tpu.memory_space<semaphore_mem>>) {add = true}
      %ge3A_208 = arith.constant 3 : i32
      %ge3A_209 = arith.cmpi sge, %add3A_195, %ge3A_208 : i32
      %convert_element_type3A_210 = arith.extui %ge3A_209 : i1 to i32
      %cond3A_211 = arith.constant 0 : i32
      %cond3A_212 = arith.cmpi ne, %convert_element_type3A_210, %cond3A_211 : i32
      scf.if %cond3A_212 {
        %dma_wait3A_348 = arith.constant 0 : i32
        %dma_wait3A_349 = tpu.memref_slice %arg6[%add3A_195, %dma_wait3A_348] : memref<80x125xi32, #tpu.memory_space<vmem>> -> memref<1x125xi32, #tpu.memory_space<vmem>>
        %dma_wait3A_350 = tpu.memref_squeeze %dma_wait3A_349 : memref<1x125xi32, #tpu.memory_space<vmem>> -> memref<125xi32, #tpu.memory_space<vmem>>
        %dma_wait3A_351 = arith.constant 0 : i32
        %dma_wait3A_352 = arith.constant 0 : i32
        %dma_wait3A_353 = tpu.memref_slice %arg18[%dma_wait3A_351, %dma_wait3A_352] : memref<10112x16xf32, #tpu.memory_space<vmem_shared>> -> memref<10112x16xf32, #tpu.memory_space<vmem_shared>>
        tpu.wait_indirect_dma semaphore(%arg30 : memref<!tpu.dma_semaphore, #tpu.memory_space<semaphore_mem>>) src(%arg8 : memref<125x16xf32, #tpu.memory_space<vmem>>) dst(%dma_wait3A_353 : memref<10112x16xf32, #tpu.memory_space<vmem_shared>>)
      } else {
      }
      %lt3A_213 = arith.constant 73 : i32
      %lt3A_214 = arith.cmpi slt, %add3A_195, %lt3A_213 : i32
      %convert_element_type3A_215 = arith.extui %lt3A_214 : i1 to i32
      %cond3A_216 = arith.constant 0 : i32
      %cond3A_217 = arith.cmpi ne, %convert_element_type3A_215, %cond3A_216 : i32
      scf.if %cond3A_217 {
        %add3A_348 = arith.constant 7 : i32
        %add3A_349 = arith.addi %add3A_195, %add3A_348 : i32
        %dma_start3A_350 = arith.constant 0 : i32
        %dma_start3A_351 = tpu.memref_slice %arg5[%add3A_349, %dma_start3A_350] : memref<80x125xi32, #tpu.memory_space<vmem>> -> memref<1x125xi32, #tpu.memory_space<vmem>>
        %dma_start3A_352 = tpu.memref_squeeze %dma_start3A_351 : memref<1x125xi32, #tpu.memory_space<vmem>> -> memref<125xi32, #tpu.memory_space<vmem>>
        %dma_start3A_353 = arith.constant 0 : i32
        %dma_start3A_354 = arith.constant 0 : i32
        %dma_start3A_355 = tpu.memref_slice %arg2[%dma_start3A_353, %dma_start3A_354] : memref<10112x16xf32, #tpu.memory_space<hbm>> -> memref<10112x16xf32, #tpu.memory_space<hbm>>
        tpu.enqueue_indirect_dma source(%dma_start3A_355 : memref<10112x16xf32, #tpu.memory_space<hbm>>) target(%arg8 : memref<125x16xf32, #tpu.memory_space<vmem>>) offsets(%dma_start3A_352 : memref<125xi32, #tpu.memory_space<vmem>>) semaphore(%arg20 : memref<!tpu.dma_semaphore, #tpu.memory_space<semaphore_mem>>)
      } else {
      }
      %mul3A_218 = arith.constant 10 : i32
      %mul3A_219 = arith.muli %add3A_91, %mul3A_218 : i32
      %add3A_220 = arith.constant 5 : i32
      %add3A_221 = arith.addi %mul3A_219, %add3A_220 : i32
      %dma_wait3A_222 = arith.constant 0 : i32
      %dma_wait3A_223 = tpu.memref_slice %arg5[%add3A_221, %dma_wait3A_222] : memref<80x125xi32, #tpu.memory_space<vmem>> -> memref<1x125xi32, #tpu.memory_space<vmem>>
      %dma_wait3A_224 = tpu.memref_squeeze %dma_wait3A_223 : memref<1x125xi32, #tpu.memory_space<vmem>> -> memref<125xi32, #tpu.memory_space<vmem>>
      %dma_wait3A_225 = arith.constant 0 : i32
      %dma_wait3A_226 = arith.constant 0 : i32
      %dma_wait3A_227 = tpu.memref_slice %arg2[%dma_wait3A_225, %dma_wait3A_226] : memref<10112x16xf32, #tpu.memory_space<hbm>> -> memref<10112x16xf32, #tpu.memory_space<hbm>>
      tpu.wait_indirect_dma semaphore(%arg24 : memref<!tpu.dma_semaphore, #tpu.memory_space<semaphore_mem>>) src(%dma_wait3A_227 : memref<10112x16xf32, #tpu.memory_space<hbm>>) dst(%arg12 : memref<125x16xf32, #tpu.memory_space<vmem>>)
      %dma_start3A_228 = arith.constant 0 : i32
      %dma_start3A_229 = tpu.memref_slice %arg6[%add3A_221, %dma_start3A_228] : memref<80x125xi32, #tpu.memory_space<vmem>> -> memref<1x125xi32, #tpu.memory_space<vmem>>
      %dma_start3A_230 = tpu.memref_squeeze %dma_start3A_229 : memref<1x125xi32, #tpu.memory_space<vmem>> -> memref<125xi32, #tpu.memory_space<vmem>>
      %dma_start3A_231 = arith.constant 0 : i32
      %dma_start3A_232 = arith.constant 0 : i32
      %dma_start3A_233 = tpu.memref_slice %arg18[%dma_start3A_231, %dma_start3A_232] : memref<10112x16xf32, #tpu.memory_space<vmem_shared>> -> memref<10112x16xf32, #tpu.memory_space<vmem_shared>>
      tpu.enqueue_indirect_dma source(%arg12 : memref<125x16xf32, #tpu.memory_space<vmem>>) target(%dma_start3A_233 : memref<10112x16xf32, #tpu.memory_space<vmem_shared>>) offsets(%dma_start3A_230 : memref<125xi32, #tpu.memory_space<vmem>>) semaphore(%arg34 : memref<!tpu.dma_semaphore, #tpu.memory_space<semaphore_mem>>) {add = true}
      %ge3A_234 = arith.constant 3 : i32
      %ge3A_235 = arith.cmpi sge, %add3A_221, %ge3A_234 : i32
      %convert_element_type3A_236 = arith.extui %ge3A_235 : i1 to i32
      %cond3A_237 = arith.constant 0 : i32
      %cond3A_238 = arith.cmpi ne, %convert_element_type3A_236, %cond3A_237 : i32
      scf.if %cond3A_238 {
        %dma_wait3A_348 = arith.constant 0 : i32
        %dma_wait3A_349 = tpu.memref_slice %arg6[%add3A_221, %dma_wait3A_348] : memref<80x125xi32, #tpu.memory_space<vmem>> -> memref<1x125xi32, #tpu.memory_space<vmem>>
        %dma_wait3A_350 = tpu.memref_squeeze %dma_wait3A_349 : memref<1x125xi32, #tpu.memory_space<vmem>> -> memref<125xi32, #tpu.memory_space<vmem>>
        %dma_wait3A_351 = arith.constant 0 : i32
        %dma_wait3A_352 = arith.constant 0 : i32
        %dma_wait3A_353 = tpu.memref_slice %arg18[%dma_wait3A_351, %dma_wait3A_352] : memref<10112x16xf32, #tpu.memory_space<vmem_shared>> -> memref<10112x16xf32, #tpu.memory_space<vmem_shared>>
        tpu.wait_indirect_dma semaphore(%arg31 : memref<!tpu.dma_semaphore, #tpu.memory_space<semaphore_mem>>) src(%arg9 : memref<125x16xf32, #tpu.memory_space<vmem>>) dst(%dma_wait3A_353 : memref<10112x16xf32, #tpu.memory_space<vmem_shared>>)
      } else {
      }
      %lt3A_239 = arith.constant 73 : i32
      %lt3A_240 = arith.cmpi slt, %add3A_221, %lt3A_239 : i32
      %convert_element_type3A_241 = arith.extui %lt3A_240 : i1 to i32
      %cond3A_242 = arith.constant 0 : i32
      %cond3A_243 = arith.cmpi ne, %convert_element_type3A_241, %cond3A_242 : i32
      scf.if %cond3A_243 {
        %add3A_348 = arith.constant 7 : i32
        %add3A_349 = arith.addi %add3A_221, %add3A_348 : i32
        %dma_start3A_350 = arith.constant 0 : i32
        %dma_start3A_351 = tpu.memref_slice %arg5[%add3A_349, %dma_start3A_350] : memref<80x125xi32, #tpu.memory_space<vmem>> -> memref<1x125xi32, #tpu.memory_space<vmem>>
        %dma_start3A_352 = tpu.memref_squeeze %dma_start3A_351 : memref<1x125xi32, #tpu.memory_space<vmem>> -> memref<125xi32, #tpu.memory_space<vmem>>
        %dma_start3A_353 = arith.constant 0 : i32
        %dma_start3A_354 = arith.constant 0 : i32
        %dma_start3A_355 = tpu.memref_slice %arg2[%dma_start3A_353, %dma_start3A_354] : memref<10112x16xf32, #tpu.memory_space<hbm>> -> memref<10112x16xf32, #tpu.memory_space<hbm>>
        tpu.enqueue_indirect_dma source(%dma_start3A_355 : memref<10112x16xf32, #tpu.memory_space<hbm>>) target(%arg9 : memref<125x16xf32, #tpu.memory_space<vmem>>) offsets(%dma_start3A_352 : memref<125xi32, #tpu.memory_space<vmem>>) semaphore(%arg21 : memref<!tpu.dma_semaphore, #tpu.memory_space<semaphore_mem>>)
      } else {
      }
      %mul3A_244 = arith.constant 10 : i32
      %mul3A_245 = arith.muli %add3A_91, %mul3A_244 : i32
      %add3A_246 = arith.constant 6 : i32
      %add3A_247 = arith.addi %mul3A_245, %add3A_246 : i32
      %dma_wait3A_248 = arith.constant 0 : i32
      %dma_wait3A_249 = tpu.memref_slice %arg5[%add3A_247, %dma_wait3A_248] : memref<80x125xi32, #tpu.memory_space<vmem>> -> memref<1x125xi32, #tpu.memory_space<vmem>>
      %dma_wait3A_250 = tpu.memref_squeeze %dma_wait3A_249 : memref<1x125xi32, #tpu.memory_space<vmem>> -> memref<125xi32, #tpu.memory_space<vmem>>
      %dma_wait3A_251 = arith.constant 0 : i32
      %dma_wait3A_252 = arith.constant 0 : i32
      %dma_wait3A_253 = tpu.memref_slice %arg2[%dma_wait3A_251, %dma_wait3A_252] : memref<10112x16xf32, #tpu.memory_space<hbm>> -> memref<10112x16xf32, #tpu.memory_space<hbm>>
      tpu.wait_indirect_dma semaphore(%arg25 : memref<!tpu.dma_semaphore, #tpu.memory_space<semaphore_mem>>) src(%dma_wait3A_253 : memref<10112x16xf32, #tpu.memory_space<hbm>>) dst(%arg13 : memref<125x16xf32, #tpu.memory_space<vmem>>)
      %dma_start3A_254 = arith.constant 0 : i32
      %dma_start3A_255 = tpu.memref_slice %arg6[%add3A_247, %dma_start3A_254] : memref<80x125xi32, #tpu.memory_space<vmem>> -> memref<1x125xi32, #tpu.memory_space<vmem>>
      %dma_start3A_256 = tpu.memref_squeeze %dma_start3A_255 : memref<1x125xi32, #tpu.memory_space<vmem>> -> memref<125xi32, #tpu.memory_space<vmem>>
      %dma_start3A_257 = arith.constant 0 : i32
      %dma_start3A_258 = arith.constant 0 : i32
      %dma_start3A_259 = tpu.memref_slice %arg18[%dma_start3A_257, %dma_start3A_258] : memref<10112x16xf32, #tpu.memory_space<vmem_shared>> -> memref<10112x16xf32, #tpu.memory_space<vmem_shared>>
      tpu.enqueue_indirect_dma source(%arg13 : memref<125x16xf32, #tpu.memory_space<vmem>>) target(%dma_start3A_259 : memref<10112x16xf32, #tpu.memory_space<vmem_shared>>) offsets(%dma_start3A_256 : memref<125xi32, #tpu.memory_space<vmem>>) semaphore(%arg35 : memref<!tpu.dma_semaphore, #tpu.memory_space<semaphore_mem>>) {add = true}
      %ge3A_260 = arith.constant 3 : i32
      %ge3A_261 = arith.cmpi sge, %add3A_247, %ge3A_260 : i32
      %convert_element_type3A_262 = arith.extui %ge3A_261 : i1 to i32
      %cond3A_263 = arith.constant 0 : i32
      %cond3A_264 = arith.cmpi ne, %convert_element_type3A_262, %cond3A_263 : i32
      scf.if %cond3A_264 {
        %dma_wait3A_348 = arith.constant 0 : i32
        %dma_wait3A_349 = tpu.memref_slice %arg6[%add3A_247, %dma_wait3A_348] : memref<80x125xi32, #tpu.memory_space<vmem>> -> memref<1x125xi32, #tpu.memory_space<vmem>>
        %dma_wait3A_350 = tpu.memref_squeeze %dma_wait3A_349 : memref<1x125xi32, #tpu.memory_space<vmem>> -> memref<125xi32, #tpu.memory_space<vmem>>
        %dma_wait3A_351 = arith.constant 0 : i32
        %dma_wait3A_352 = arith.constant 0 : i32
        %dma_wait3A_353 = tpu.memref_slice %arg18[%dma_wait3A_351, %dma_wait3A_352] : memref<10112x16xf32, #tpu.memory_space<vmem_shared>> -> memref<10112x16xf32, #tpu.memory_space<vmem_shared>>
        tpu.wait_indirect_dma semaphore(%arg32 : memref<!tpu.dma_semaphore, #tpu.memory_space<semaphore_mem>>) src(%arg10 : memref<125x16xf32, #tpu.memory_space<vmem>>) dst(%dma_wait3A_353 : memref<10112x16xf32, #tpu.memory_space<vmem_shared>>)
      } else {
      }
      %lt3A_265 = arith.constant 73 : i32
      %lt3A_266 = arith.cmpi slt, %add3A_247, %lt3A_265 : i32
      %convert_element_type3A_267 = arith.extui %lt3A_266 : i1 to i32
      %cond3A_268 = arith.constant 0 : i32
      %cond3A_269 = arith.cmpi ne, %convert_element_type3A_267, %cond3A_268 : i32
      scf.if %cond3A_269 {
        %add3A_348 = arith.constant 7 : i32
        %add3A_349 = arith.addi %add3A_247, %add3A_348 : i32
        %dma_start3A_350 = arith.constant 0 : i32
        %dma_start3A_351 = tpu.memref_slice %arg5[%add3A_349, %dma_start3A_350] : memref<80x125xi32, #tpu.memory_space<vmem>> -> memref<1x125xi32, #tpu.memory_space<vmem>>
        %dma_start3A_352 = tpu.memref_squeeze %dma_start3A_351 : memref<1x125xi32, #tpu.memory_space<vmem>> -> memref<125xi32, #tpu.memory_space<vmem>>
        %dma_start3A_353 = arith.constant 0 : i32
        %dma_start3A_354 = arith.constant 0 : i32
        %dma_start3A_355 = tpu.memref_slice %arg2[%dma_start3A_353, %dma_start3A_354] : memref<10112x16xf32, #tpu.memory_space<hbm>> -> memref<10112x16xf32, #tpu.memory_space<hbm>>
        tpu.enqueue_indirect_dma source(%dma_start3A_355 : memref<10112x16xf32, #tpu.memory_space<hbm>>) target(%arg10 : memref<125x16xf32, #tpu.memory_space<vmem>>) offsets(%dma_start3A_352 : memref<125xi32, #tpu.memory_space<vmem>>) semaphore(%arg22 : memref<!tpu.dma_semaphore, #tpu.memory_space<semaphore_mem>>)
      } else {
      }
      %mul3A_270 = arith.constant 10 : i32
      %mul3A_271 = arith.muli %add3A_91, %mul3A_270 : i32
      %add3A_272 = arith.constant 7 : i32
      %add3A_273 = arith.addi %mul3A_271, %add3A_272 : i32
      %dma_wait3A_274 = arith.constant 0 : i32
      %dma_wait3A_275 = tpu.memref_slice %arg5[%add3A_273, %dma_wait3A_274] : memref<80x125xi32, #tpu.memory_space<vmem>> -> memref<1x125xi32, #tpu.memory_space<vmem>>
      %dma_wait3A_276 = tpu.memref_squeeze %dma_wait3A_275 : memref<1x125xi32, #tpu.memory_space<vmem>> -> memref<125xi32, #tpu.memory_space<vmem>>
      %dma_wait3A_277 = arith.constant 0 : i32
      %dma_wait3A_278 = arith.constant 0 : i32
      %dma_wait3A_279 = tpu.memref_slice %arg2[%dma_wait3A_277, %dma_wait3A_278] : memref<10112x16xf32, #tpu.memory_space<hbm>> -> memref<10112x16xf32, #tpu.memory_space<hbm>>
      tpu.wait_indirect_dma semaphore(%arg26 : memref<!tpu.dma_semaphore, #tpu.memory_space<semaphore_mem>>) src(%dma_wait3A_279 : memref<10112x16xf32, #tpu.memory_space<hbm>>) dst(%arg14 : memref<125x16xf32, #tpu.memory_space<vmem>>)
      %dma_start3A_280 = arith.constant 0 : i32
      %dma_start3A_281 = tpu.memref_slice %arg6[%add3A_273, %dma_start3A_280] : memref<80x125xi32, #tpu.memory_space<vmem>> -> memref<1x125xi32, #tpu.memory_space<vmem>>
      %dma_start3A_282 = tpu.memref_squeeze %dma_start3A_281 : memref<1x125xi32, #tpu.memory_space<vmem>> -> memref<125xi32, #tpu.memory_space<vmem>>
      %dma_start3A_283 = arith.constant 0 : i32
      %dma_start3A_284 = arith.constant 0 : i32
      %dma_start3A_285 = tpu.memref_slice %arg18[%dma_start3A_283, %dma_start3A_284] : memref<10112x16xf32, #tpu.memory_space<vmem_shared>> -> memref<10112x16xf32, #tpu.memory_space<vmem_shared>>
      tpu.enqueue_indirect_dma source(%arg14 : memref<125x16xf32, #tpu.memory_space<vmem>>) target(%dma_start3A_285 : memref<10112x16xf32, #tpu.memory_space<vmem_shared>>) offsets(%dma_start3A_282 : memref<125xi32, #tpu.memory_space<vmem>>) semaphore(%arg36 : memref<!tpu.dma_semaphore, #tpu.memory_space<semaphore_mem>>) {add = true}
      %ge3A_286 = arith.constant 3 : i32
      %ge3A_287 = arith.cmpi sge, %add3A_273, %ge3A_286 : i32
      %convert_element_type3A_288 = arith.extui %ge3A_287 : i1 to i32
      %cond3A_289 = arith.constant 0 : i32
      %cond3A_290 = arith.cmpi ne, %convert_element_type3A_288, %cond3A_289 : i32
      scf.if %cond3A_290 {
        %dma_wait3A_348 = arith.constant 0 : i32
        %dma_wait3A_349 = tpu.memref_slice %arg6[%add3A_273, %dma_wait3A_348] : memref<80x125xi32, #tpu.memory_space<vmem>> -> memref<1x125xi32, #tpu.memory_space<vmem>>
        %dma_wait3A_350 = tpu.memref_squeeze %dma_wait3A_349 : memref<1x125xi32, #tpu.memory_space<vmem>> -> memref<125xi32, #tpu.memory_space<vmem>>
        %dma_wait3A_351 = arith.constant 0 : i32
        %dma_wait3A_352 = arith.constant 0 : i32
        %dma_wait3A_353 = tpu.memref_slice %arg18[%dma_wait3A_351, %dma_wait3A_352] : memref<10112x16xf32, #tpu.memory_space<vmem_shared>> -> memref<10112x16xf32, #tpu.memory_space<vmem_shared>>
        tpu.wait_indirect_dma semaphore(%arg33 : memref<!tpu.dma_semaphore, #tpu.memory_space<semaphore_mem>>) src(%arg11 : memref<125x16xf32, #tpu.memory_space<vmem>>) dst(%dma_wait3A_353 : memref<10112x16xf32, #tpu.memory_space<vmem_shared>>)
      } else {
      }
      %lt3A_291 = arith.constant 73 : i32
      %lt3A_292 = arith.cmpi slt, %add3A_273, %lt3A_291 : i32
      %convert_element_type3A_293 = arith.extui %lt3A_292 : i1 to i32
      %cond3A_294 = arith.constant 0 : i32
      %cond3A_295 = arith.cmpi ne, %convert_element_type3A_293, %cond3A_294 : i32
      scf.if %cond3A_295 {
        %add3A_348 = arith.constant 7 : i32
        %add3A_349 = arith.addi %add3A_273, %add3A_348 : i32
        %dma_start3A_350 = arith.constant 0 : i32
        %dma_start3A_351 = tpu.memref_slice %arg5[%add3A_349, %dma_start3A_350] : memref<80x125xi32, #tpu.memory_space<vmem>> -> memref<1x125xi32, #tpu.memory_space<vmem>>
        %dma_start3A_352 = tpu.memref_squeeze %dma_start3A_351 : memref<1x125xi32, #tpu.memory_space<vmem>> -> memref<125xi32, #tpu.memory_space<vmem>>
        %dma_start3A_353 = arith.constant 0 : i32
        %dma_start3A_354 = arith.constant 0 : i32
        %dma_start3A_355 = tpu.memref_slice %arg2[%dma_start3A_353, %dma_start3A_354] : memref<10112x16xf32, #tpu.memory_space<hbm>> -> memref<10112x16xf32, #tpu.memory_space<hbm>>
        tpu.enqueue_indirect_dma source(%dma_start3A_355 : memref<10112x16xf32, #tpu.memory_space<hbm>>) target(%arg11 : memref<125x16xf32, #tpu.memory_space<vmem>>) offsets(%dma_start3A_352 : memref<125xi32, #tpu.memory_space<vmem>>) semaphore(%arg23 : memref<!tpu.dma_semaphore, #tpu.memory_space<semaphore_mem>>)
      } else {
      }
      %mul3A_296 = arith.constant 10 : i32
      %mul3A_297 = arith.muli %add3A_91, %mul3A_296 : i32
      %add3A_298 = arith.constant 8 : i32
      %add3A_299 = arith.addi %mul3A_297, %add3A_298 : i32
      %dma_wait3A_300 = arith.constant 0 : i32
      %dma_wait3A_301 = tpu.memref_slice %arg5[%add3A_299, %dma_wait3A_300] : memref<80x125xi32, #tpu.memory_space<vmem>> -> memref<1x125xi32, #tpu.memory_space<vmem>>
      %dma_wait3A_302 = tpu.memref_squeeze %dma_wait3A_301 : memref<1x125xi32, #tpu.memory_space<vmem>> -> memref<125xi32, #tpu.memory_space<vmem>>
      %dma_wait3A_303 = arith.constant 0 : i32
      %dma_wait3A_304 = arith.constant 0 : i32
      %dma_wait3A_305 = tpu.memref_slice %arg2[%dma_wait3A_303, %dma_wait3A_304] : memref<10112x16xf32, #tpu.memory_space<hbm>> -> memref<10112x16xf32, #tpu.memory_space<hbm>>
      tpu.wait_indirect_dma semaphore(%arg27 : memref<!tpu.dma_semaphore, #tpu.memory_space<semaphore_mem>>) src(%dma_wait3A_305 : memref<10112x16xf32, #tpu.memory_space<hbm>>) dst(%arg15 : memref<125x16xf32, #tpu.memory_space<vmem>>)
      %dma_start3A_306 = arith.constant 0 : i32
      %dma_start3A_307 = tpu.memref_slice %arg6[%add3A_299, %dma_start3A_306] : memref<80x125xi32, #tpu.memory_space<vmem>> -> memref<1x125xi32, #tpu.memory_space<vmem>>
      %dma_start3A_308 = tpu.memref_squeeze %dma_start3A_307 : memref<1x125xi32, #tpu.memory_space<vmem>> -> memref<125xi32, #tpu.memory_space<vmem>>
      %dma_start3A_309 = arith.constant 0 : i32
      %dma_start3A_310 = arith.constant 0 : i32
      %dma_start3A_311 = tpu.memref_slice %arg18[%dma_start3A_309, %dma_start3A_310] : memref<10112x16xf32, #tpu.memory_space<vmem_shared>> -> memref<10112x16xf32, #tpu.memory_space<vmem_shared>>
      tpu.enqueue_indirect_dma source(%arg15 : memref<125x16xf32, #tpu.memory_space<vmem>>) target(%dma_start3A_311 : memref<10112x16xf32, #tpu.memory_space<vmem_shared>>) offsets(%dma_start3A_308 : memref<125xi32, #tpu.memory_space<vmem>>) semaphore(%arg37 : memref<!tpu.dma_semaphore, #tpu.memory_space<semaphore_mem>>) {add = true}
      %ge3A_312 = arith.constant 3 : i32
      %ge3A_313 = arith.cmpi sge, %add3A_299, %ge3A_312 : i32
      %convert_element_type3A_314 = arith.extui %ge3A_313 : i1 to i32
      %cond3A_315 = arith.constant 0 : i32
      %cond3A_316 = arith.cmpi ne, %convert_element_type3A_314, %cond3A_315 : i32
      scf.if %cond3A_316 {
        %dma_wait3A_348 = arith.constant 0 : i32
        %dma_wait3A_349 = tpu.memref_slice %arg6[%add3A_299, %dma_wait3A_348] : memref<80x125xi32, #tpu.memory_space<vmem>> -> memref<1x125xi32, #tpu.memory_space<vmem>>
        %dma_wait3A_350 = tpu.memref_squeeze %dma_wait3A_349 : memref<1x125xi32, #tpu.memory_space<vmem>> -> memref<125xi32, #tpu.memory_space<vmem>>
        %dma_wait3A_351 = arith.constant 0 : i32
        %dma_wait3A_352 = arith.constant 0 : i32
        %dma_wait3A_353 = tpu.memref_slice %arg18[%dma_wait3A_351, %dma_wait3A_352] : memref<10112x16xf32, #tpu.memory_space<vmem_shared>> -> memref<10112x16xf32, #tpu.memory_space<vmem_shared>>
        tpu.wait_indirect_dma semaphore(%arg34 : memref<!tpu.dma_semaphore, #tpu.memory_space<semaphore_mem>>) src(%arg12 : memref<125x16xf32, #tpu.memory_space<vmem>>) dst(%dma_wait3A_353 : memref<10112x16xf32, #tpu.memory_space<vmem_shared>>)
      } else {
      }
      %lt3A_317 = arith.constant 73 : i32
      %lt3A_318 = arith.cmpi slt, %add3A_299, %lt3A_317 : i32
      %convert_element_type3A_319 = arith.extui %lt3A_318 : i1 to i32
      %cond3A_320 = arith.constant 0 : i32
      %cond3A_321 = arith.cmpi ne, %convert_element_type3A_319, %cond3A_320 : i32
      scf.if %cond3A_321 {
        %add3A_348 = arith.constant 7 : i32
        %add3A_349 = arith.addi %add3A_299, %add3A_348 : i32
        %dma_start3A_350 = arith.constant 0 : i32
        %dma_start3A_351 = tpu.memref_slice %arg5[%add3A_349, %dma_start3A_350] : memref<80x125xi32, #tpu.memory_space<vmem>> -> memref<1x125xi32, #tpu.memory_space<vmem>>
        %dma_start3A_352 = tpu.memref_squeeze %dma_start3A_351 : memref<1x125xi32, #tpu.memory_space<vmem>> -> memref<125xi32, #tpu.memory_space<vmem>>
        %dma_start3A_353 = arith.constant 0 : i32
        %dma_start3A_354 = arith.constant 0 : i32
        %dma_start3A_355 = tpu.memref_slice %arg2[%dma_start3A_353, %dma_start3A_354] : memref<10112x16xf32, #tpu.memory_space<hbm>> -> memref<10112x16xf32, #tpu.memory_space<hbm>>
        tpu.enqueue_indirect_dma source(%dma_start3A_355 : memref<10112x16xf32, #tpu.memory_space<hbm>>) target(%arg12 : memref<125x16xf32, #tpu.memory_space<vmem>>) offsets(%dma_start3A_352 : memref<125xi32, #tpu.memory_space<vmem>>) semaphore(%arg24 : memref<!tpu.dma_semaphore, #tpu.memory_space<semaphore_mem>>)
      } else {
      }
      %mul3A_322 = arith.constant 10 : i32
      %mul3A_323 = arith.muli %add3A_91, %mul3A_322 : i32
      %add3A_324 = arith.constant 9 : i32
      %add3A_325 = arith.addi %mul3A_323, %add3A_324 : i32
      %dma_wait3A_326 = arith.constant 0 : i32
      %dma_wait3A_327 = tpu.memref_slice %arg5[%add3A_325, %dma_wait3A_326] : memref<80x125xi32, #tpu.memory_space<vmem>> -> memref<1x125xi32, #tpu.memory_space<vmem>>
      %dma_wait3A_328 = tpu.memref_squeeze %dma_wait3A_327 : memref<1x125xi32, #tpu.memory_space<vmem>> -> memref<125xi32, #tpu.memory_space<vmem>>
      %dma_wait3A_329 = arith.constant 0 : i32
      %dma_wait3A_330 = arith.constant 0 : i32
      %dma_wait3A_331 = tpu.memref_slice %arg2[%dma_wait3A_329, %dma_wait3A_330] : memref<10112x16xf32, #tpu.memory_space<hbm>> -> memref<10112x16xf32, #tpu.memory_space<hbm>>
      tpu.wait_indirect_dma semaphore(%arg28 : memref<!tpu.dma_semaphore, #tpu.memory_space<semaphore_mem>>) src(%dma_wait3A_331 : memref<10112x16xf32, #tpu.memory_space<hbm>>) dst(%arg16 : memref<125x16xf32, #tpu.memory_space<vmem>>)
      %dma_start3A_332 = arith.constant 0 : i32
      %dma_start3A_333 = tpu.memref_slice %arg6[%add3A_325, %dma_start3A_332] : memref<80x125xi32, #tpu.memory_space<vmem>> -> memref<1x125xi32, #tpu.memory_space<vmem>>
      %dma_start3A_334 = tpu.memref_squeeze %dma_start3A_333 : memref<1x125xi32, #tpu.memory_space<vmem>> -> memref<125xi32, #tpu.memory_space<vmem>>
      %dma_start3A_335 = arith.constant 0 : i32
      %dma_start3A_336 = arith.constant 0 : i32
      %dma_start3A_337 = tpu.memref_slice %arg18[%dma_start3A_335, %dma_start3A_336] : memref<10112x16xf32, #tpu.memory_space<vmem_shared>> -> memref<10112x16xf32, #tpu.memory_space<vmem_shared>>
      tpu.enqueue_indirect_dma source(%arg16 : memref<125x16xf32, #tpu.memory_space<vmem>>) target(%dma_start3A_337 : memref<10112x16xf32, #tpu.memory_space<vmem_shared>>) offsets(%dma_start3A_334 : memref<125xi32, #tpu.memory_space<vmem>>) semaphore(%arg38 : memref<!tpu.dma_semaphore, #tpu.memory_space<semaphore_mem>>) {add = true}
      %ge3A_338 = arith.constant 3 : i32
      %ge3A_339 = arith.cmpi sge, %add3A_325, %ge3A_338 : i32
      %convert_element_type3A_340 = arith.extui %ge3A_339 : i1 to i32
      %cond3A_341 = arith.constant 0 : i32
      %cond3A_342 = arith.cmpi ne, %convert_element_type3A_340, %cond3A_341 : i32
      scf.if %cond3A_342 {
        %dma_wait3A_348 = arith.constant 0 : i32
        %dma_wait3A_349 = tpu.memref_slice %arg6[%add3A_325, %dma_wait3A_348] : memref<80x125xi32, #tpu.memory_space<vmem>> -> memref<1x125xi32, #tpu.memory_space<vmem>>
        %dma_wait3A_350 = tpu.memref_squeeze %dma_wait3A_349 : memref<1x125xi32, #tpu.memory_space<vmem>> -> memref<125xi32, #tpu.memory_space<vmem>>
        %dma_wait3A_351 = arith.constant 0 : i32
        %dma_wait3A_352 = arith.constant 0 : i32
        %dma_wait3A_353 = tpu.memref_slice %arg18[%dma_wait3A_351, %dma_wait3A_352] : memref<10112x16xf32, #tpu.memory_space<vmem_shared>> -> memref<10112x16xf32, #tpu.memory_space<vmem_shared>>
        tpu.wait_indirect_dma semaphore(%arg35 : memref<!tpu.dma_semaphore, #tpu.memory_space<semaphore_mem>>) src(%arg13 : memref<125x16xf32, #tpu.memory_space<vmem>>) dst(%dma_wait3A_353 : memref<10112x16xf32, #tpu.memory_space<vmem_shared>>)
      } else {
      }
      %lt3A_343 = arith.constant 73 : i32
      %lt3A_344 = arith.cmpi slt, %add3A_325, %lt3A_343 : i32
      %convert_element_type3A_345 = arith.extui %lt3A_344 : i1 to i32
      %cond3A_346 = arith.constant 0 : i32
      %cond3A_347 = arith.cmpi ne, %convert_element_type3A_345, %cond3A_346 : i32
      scf.if %cond3A_347 {
        %add3A_348 = arith.constant 7 : i32
        %add3A_349 = arith.addi %add3A_325, %add3A_348 : i32
        %dma_start3A_350 = arith.constant 0 : i32
        %dma_start3A_351 = tpu.memref_slice %arg5[%add3A_349, %dma_start3A_350] : memref<80x125xi32, #tpu.memory_space<vmem>> -> memref<1x125xi32, #tpu.memory_space<vmem>>
        %dma_start3A_352 = tpu.memref_squeeze %dma_start3A_351 : memref<1x125xi32, #tpu.memory_space<vmem>> -> memref<125xi32, #tpu.memory_space<vmem>>
        %dma_start3A_353 = arith.constant 0 : i32
        %dma_start3A_354 = arith.constant 0 : i32
        %dma_start3A_355 = tpu.memref_slice %arg2[%dma_start3A_353, %dma_start3A_354] : memref<10112x16xf32, #tpu.memory_space<hbm>> -> memref<10112x16xf32, #tpu.memory_space<hbm>>
        tpu.enqueue_indirect_dma source(%dma_start3A_355 : memref<10112x16xf32, #tpu.memory_space<hbm>>) target(%arg13 : memref<125x16xf32, #tpu.memory_space<vmem>>) offsets(%dma_start3A_352 : memref<125xi32, #tpu.memory_space<vmem>>) semaphore(%arg25 : memref<!tpu.dma_semaphore, #tpu.memory_space<semaphore_mem>>)
      } else {
      }
    }
    %scan3A_61 = arith.constant 8 : i32
    %dma_wait3A = arith.constant 0 : i32
    %dma_wait3A_62 = arith.constant 0 : i32
    %dma_wait3A_63 = tpu.memref_slice %arg6[%dma_wait3A, %dma_wait3A_62] : memref<80x125xi32, #tpu.memory_space<vmem>> -> memref<1x125xi32, #tpu.memory_space<vmem>>
    %dma_wait3A_64 = tpu.memref_squeeze %dma_wait3A_63 : memref<1x125xi32, #tpu.memory_space<vmem>> -> memref<125xi32, #tpu.memory_space<vmem>>
    %dma_wait3A_65 = arith.constant 0 : i32
    %dma_wait3A_66 = arith.constant 0 : i32
    %dma_wait3A_67 = tpu.memref_slice %arg18[%dma_wait3A_65, %dma_wait3A_66] : memref<10112x16xf32, #tpu.memory_space<vmem_shared>> -> memref<10112x16xf32, #tpu.memory_space<vmem_shared>>
    tpu.wait_indirect_dma semaphore(%arg36 : memref<!tpu.dma_semaphore, #tpu.memory_space<semaphore_mem>>) src(%arg14 : memref<125x16xf32, #tpu.memory_space<vmem>>) dst(%dma_wait3A_67 : memref<10112x16xf32, #tpu.memory_space<vmem_shared>>)
    %dma_wait3A_68 = arith.constant 0 : i32
    %dma_wait3A_69 = arith.constant 0 : i32
    %dma_wait3A_70 = tpu.memref_slice %arg6[%dma_wait3A_68, %dma_wait3A_69] : memref<80x125xi32, #tpu.memory_space<vmem>> -> memref<1x125xi32, #tpu.memory_space<vmem>>
    %dma_wait3A_71 = tpu.memref_squeeze %dma_wait3A_70 : memref<1x125xi32, #tpu.memory_space<vmem>> -> memref<125xi32, #tpu.memory_space<vmem>>
    %dma_wait3A_72 = arith.constant 0 : i32
    %dma_wait3A_73 = arith.constant 0 : i32
    %dma_wait3A_74 = tpu.memref_slice %arg18[%dma_wait3A_72, %dma_wait3A_73] : memref<10112x16xf32, #tpu.memory_space<vmem_shared>> -> memref<10112x16xf32, #tpu.memory_space<vmem_shared>>
    tpu.wait_indirect_dma semaphore(%arg37 : memref<!tpu.dma_semaphore, #tpu.memory_space<semaphore_mem>>) src(%arg15 : memref<125x16xf32, #tpu.memory_space<vmem>>) dst(%dma_wait3A_74 : memref<10112x16xf32, #tpu.memory_space<vmem_shared>>)
    %dma_wait3A_75 = arith.constant 0 : i32
    %dma_wait3A_76 = arith.constant 0 : i32
    %dma_wait3A_77 = tpu.memref_slice %arg6[%dma_wait3A_75, %dma_wait3A_76] : memref<80x125xi32, #tpu.memory_space<vmem>> -> memref<1x125xi32, #tpu.memory_space<vmem>>
    %dma_wait3A_78 = tpu.memref_squeeze %dma_wait3A_77 : memref<1x125xi32, #tpu.memory_space<vmem>> -> memref<125xi32, #tpu.memory_space<vmem>>
    %dma_wait3A_79 = arith.constant 0 : i32
    %dma_wait3A_80 = arith.constant 0 : i32
    %dma_wait3A_81 = tpu.memref_slice %arg18[%dma_wait3A_79, %dma_wait3A_80] : memref<10112x16xf32, #tpu.memory_space<vmem_shared>> -> memref<10112x16xf32, #tpu.memory_space<vmem_shared>>
    tpu.wait_indirect_dma semaphore(%arg38 : memref<!tpu.dma_semaphore, #tpu.memory_space<semaphore_mem>>) src(%arg16 : memref<125x16xf32, #tpu.memory_space<vmem>>) dst(%dma_wait3A_81 : memref<10112x16xf32, #tpu.memory_space<vmem_shared>>)
    %barrier3A_82 = arith.constant 0 : index
    tpu.barrier barrier_id(%barrier3A_82)
    %mul3A_83 = arith.constant 632 : i32
    %mul3A_84 = arith.muli %arg1, %mul3A_83 : i32
    "tpu.region"() ({
      %run_scoped3A_87 = tpu.sem_alloc : memref<!tpu.dma_semaphore, #tpu.memory_space<semaphore_mem>>
      %dma_start3A_88 = arith.constant 0 : i32
      %dma_start3A_89 = tpu.memref_slice %arg18[%mul3A_84, %dma_start3A_88] : memref<10112x16xf32, #tpu.memory_space<vmem_shared>> -> memref<632x16xf32, #tpu.memory_space<vmem_shared>>
      %dma_start3A_90 = arith.constant 0 : i32
      %dma_start3A_91 = tpu.memref_slice %arg18[%mul3A_84, %dma_start3A_90] : memref<10112x16xf32, #tpu.memory_space<vmem_shared>> -> memref<632x16xf32, #tpu.memory_space<vmem_shared>>
      tpu.enqueue_dma source(%dma_start3A_91 : memref<632x16xf32, #tpu.memory_space<vmem_shared>>) target(%arg17 : memref<632x16xf32, #tpu.memory_space<vmem>>) target_semaphore(%run_scoped3A_87 : memref<!tpu.dma_semaphore, #tpu.memory_space<semaphore_mem>>)
      %dma_wait3A_92 = arith.constant 0 : i32
      %dma_wait3A_93 = tpu.memref_slice %arg18[%mul3A_84, %dma_wait3A_92] : memref<10112x16xf32, #tpu.memory_space<vmem_shared>> -> memref<632x16xf32, #tpu.memory_space<vmem_shared>>
      %dma_wait3A_94 = arith.constant 0 : i32
      %dma_wait3A_95 = tpu.memref_slice %arg18[%mul3A_84, %dma_wait3A_94] : memref<10112x16xf32, #tpu.memory_space<vmem_shared>> -> memref<632x16xf32, #tpu.memory_space<vmem_shared>>
      tpu.wait_dma2 semaphore(%run_scoped3A_87 : memref<!tpu.dma_semaphore, #tpu.memory_space<semaphore_mem>>) src(%dma_wait3A_95 : memref<632x16xf32, #tpu.memory_space<vmem_shared>>) dst(%arg17 : memref<632x16xf32, #tpu.memory_space<vmem>>)
      tpu.yield
    }) : () -> ()
    %mul3A_85 = arith.constant 632 : i32
    %mul3A_86 = arith.muli %arg1, %mul3A_85 : i32
    "tpu.region"() ({
      %run_scoped3A_87 = tpu.sem_alloc : memref<!tpu.dma_semaphore, #tpu.memory_space<semaphore_mem>>
      %dma_start3A_88 = arith.constant 0 : i32
      %dma_start3A_89 = tpu.memref_slice %arg4[%arg0, %mul3A_86, %dma_start3A_88] : memref<2x10112x16xf32, #tpu.memory_space<hbm>> -> memref<1x632x16xf32, #tpu.memory_space<hbm>>
      %dma_start3A_90 = tpu.memref_squeeze %dma_start3A_89 : memref<1x632x16xf32, #tpu.memory_space<hbm>> -> memref<632x16xf32, #tpu.memory_space<hbm>>
      %dma_start3A_91 = arith.constant 0 : i32
      %dma_start3A_92 = tpu.memref_slice %arg4[%arg0, %mul3A_86, %dma_start3A_91] : memref<2x10112x16xf32, #tpu.memory_space<hbm>> -> memref<1x632x16xf32, #tpu.memory_space<hbm>>
      %dma_start3A_93 = tpu.memref_squeeze %dma_start3A_92 : memref<1x632x16xf32, #tpu.memory_space<hbm>> -> memref<632x16xf32, #tpu.memory_space<hbm>>
      tpu.enqueue_dma source(%arg17 : memref<632x16xf32, #tpu.memory_space<vmem>>) target(%dma_start3A_93 : memref<632x16xf32, #tpu.memory_space<hbm>>) target_semaphore(%run_scoped3A_87 : memref<!tpu.dma_semaphore, #tpu.memory_space<semaphore_mem>>)
      %dma_wait3A_94 = arith.constant 0 : i32
      %dma_wait3A_95 = tpu.memref_slice %arg4[%arg0, %mul3A_86, %dma_wait3A_94] : memref<2x10112x16xf32, #tpu.memory_space<hbm>> -> memref<1x632x16xf32, #tpu.memory_space<hbm>>
      %dma_wait3A_96 = tpu.memref_squeeze %dma_wait3A_95 : memref<1x632x16xf32, #tpu.memory_space<hbm>> -> memref<632x16xf32, #tpu.memory_space<hbm>>
      %dma_wait3A_97 = arith.constant 0 : i32
      %dma_wait3A_98 = tpu.memref_slice %arg4[%arg0, %mul3A_86, %dma_wait3A_97] : memref<2x10112x16xf32, #tpu.memory_space<hbm>> -> memref<1x632x16xf32, #tpu.memory_space<hbm>>
      %dma_wait3A_99 = tpu.memref_squeeze %dma_wait3A_98 : memref<1x632x16xf32, #tpu.memory_space<hbm>> -> memref<632x16xf32, #tpu.memory_space<hbm>>
      tpu.wait_dma2 semaphore(%run_scoped3A_87 : memref<!tpu.dma_semaphore, #tpu.memory_space<semaphore_mem>>) src(%arg17 : memref<632x16xf32, #tpu.memory_space<vmem>>) dst(%dma_wait3A_99 : memref<632x16xf32, #tpu.memory_space<hbm>>)
      tpu.yield
    }) : () -> ()
    return
  }
}

#map = affine_map<(d0, d1) -> (0, 0)>
#map1 = affine_map<(d0, d1) -> (0, 0, 0, 0)>
#map2 = affine_map<(d0, d1) -> (0, 0, 0)>
module attributes {stable_mosaic.version = 14 : i64} {
  func.func @agg_kernel(%arg0: i32, %arg1: i32, %arg2: memref<10112x16xf32, #tpu.memory_space<hbm>>, %arg3: memref<2x32x80x125xi32, #tpu.memory_space<hbm>>, %arg4: memref<2x10112x16xf32, #tpu.memory_space<hbm>>, %arg5: memref<80x125xi32, #tpu.memory_space<vmem>>, %arg6: memref<80x125xi32, #tpu.memory_space<vmem>>, %arg7: memref<125x16xf32, #tpu.memory_space<vmem>>, %arg8: memref<125x16xf32, #tpu.memory_space<vmem>>, %arg9: memref<125x16xf32, #tpu.memory_space<vmem>>, %arg10: memref<125x16xf32, #tpu.memory_space<vmem>>, %arg11: memref<125x16xf32, #tpu.memory_space<vmem>>, %arg12: memref<125x16xf32, #tpu.memory_space<vmem>>, %arg13: memref<125x16xf32, #tpu.memory_space<vmem>>, %arg14: memref<125x16xf32, #tpu.memory_space<vmem>>, %arg15: memref<125x16xf32, #tpu.memory_space<vmem>>, %arg16: memref<125x16xf32, #tpu.memory_space<vmem>>, %arg17: memref<632x16xf32, #tpu.memory_space<vmem>>, %arg18: memref<10112x16xf32, #tpu.memory_space<vmem_shared>>, %arg19: memref<!tpu.dma_semaphore, #tpu.memory_space<semaphore_mem>>, %arg20: memref<!tpu.dma_semaphore, #tpu.memory_space<semaphore_mem>>, %arg21: memref<!tpu.dma_semaphore, #tpu.memory_space<semaphore_mem>>, %arg22: memref<!tpu.dma_semaphore, #tpu.memory_space<semaphore_mem>>, %arg23: memref<!tpu.dma_semaphore, #tpu.memory_space<semaphore_mem>>, %arg24: memref<!tpu.dma_semaphore, #tpu.memory_space<semaphore_mem>>, %arg25: memref<!tpu.dma_semaphore, #tpu.memory_space<semaphore_mem>>, %arg26: memref<!tpu.dma_semaphore, #tpu.memory_space<semaphore_mem>>, %arg27: memref<!tpu.dma_semaphore, #tpu.memory_space<semaphore_mem>>, %arg28: memref<!tpu.dma_semaphore, #tpu.memory_space<semaphore_mem>>, %arg29: memref<!tpu.dma_semaphore, #tpu.memory_space<semaphore_mem>>, %arg30: memref<!tpu.dma_semaphore, #tpu.memory_space<semaphore_mem>>, %arg31: memref<!tpu.dma_semaphore, #tpu.memory_space<semaphore_mem>>, %arg32: memref<!tpu.dma_semaphore, #tpu.memory_space<semaphore_mem>>, %arg33: memref<!tpu.dma_semaphore, #tpu.memory_space<semaphore_mem>>, %arg34: memref<!tpu.dma_semaphore, #tpu.memory_space<semaphore_mem>>, %arg35: memref<!tpu.dma_semaphore, #tpu.memory_space<semaphore_mem>>, %arg36: memref<!tpu.dma_semaphore, #tpu.memory_space<semaphore_mem>>, %arg37: memref<!tpu.dma_semaphore, #tpu.memory_space<semaphore_mem>>, %arg38: memref<!tpu.dma_semaphore, #tpu.memory_space<semaphore_mem>>) attributes {dimension_semantics = [#tpu.dimension_semantics<core_parallel>, #tpu.dimension_semantics<subcore_parallel>], iteration_bounds = array<i64: 2, 16>, scalar_prefetch = 0 : i64, scratch_operands = 34 : i64, tpu.core_type = #tpu.core_type<sc_vector_subcore>, window_params = [{transform_indices = #map}, {transform_indices = #map1}, {transform_indices = #map2}]} {
    %mul3A = arith.constant 2 : i32
    %mul3A_0 = arith.muli %arg1, %mul3A : i32
    %add3A = arith.addi %mul3A_0, %arg0 : i32
    %run_scoped3A = arith.constant 0 : i32
    "tpu.region"() ({
      %run_scoped3A_87 = tpu.sem_alloc : memref<!tpu.dma_semaphore, #tpu.memory_space<semaphore_mem>>
      %dma_start3A_88 = arith.constant 0 : i32
      %dma_start3A_89 = arith.constant 0 : i32
      %dma_start3A_90 = tpu.memref_slice %arg3[%run_scoped3A, %add3A, %dma_start3A_88, %dma_start3A_89] : memref<2x32x80x125xi32, #tpu.memory_space<hbm>> -> memref<1x1x80x125xi32, #tpu.memory_space<hbm>>
      %dma_start3A_91 = tpu.memref_squeeze %dma_start3A_90 : memref<1x1x80x125xi32, #tpu.memory_space<hbm>> -> memref<80x125xi32, #tpu.memory_space<hbm>>
      %dma_start3A_92 = arith.constant 0 : i32
      %dma_start3A_93 = arith.constant 0 : i32
      %dma_start3A_94 = tpu.memref_slice %arg3[%run_scoped3A, %add3A, %dma_start3A_92, %dma_start3A_93] : memref<2x32x80x125xi32, #tpu.memory_space<hbm>> -> memref<1x1x80x125xi32, #tpu.memory_space<hbm>>
      %dma_start3A_95 = tpu.memref_squeeze %dma_start3A_94 : memref<1x1x80x125xi32, #tpu.memory_space<hbm>> -> memref<80x125xi32, #tpu.memory_space<hbm>>
      tpu.enqueue_dma source(%dma_start3A_95 : memref<80x125xi32, #tpu.memory_space<hbm>>) target(%arg5 : memref<80x125xi32, #tpu.memory_space<vmem>>) target_semaphore(%run_scoped3A_87 : memref<!tpu.dma_semaphore, #tpu.memory_space<semaphore_mem>>)
      %dma_wait3A_96 = arith.constant 0 : i32
      %dma_wait3A_97 = arith.constant 0 : i32
      %dma_wait3A_98 = tpu.memref_slice %arg3[%run_scoped3A, %add3A, %dma_wait3A_96, %dma_wait3A_97] : memref<2x32x80x125xi32, #tpu.memory_space<hbm>> -> memref<1x1x80x125xi32, #tpu.memory_space<hbm>>
      %dma_wait3A_99 = tpu.memref_squeeze %dma_wait3A_98 : memref<1x1x80x125xi32, #tpu.memory_space<hbm>> -> memref<80x125xi32, #tpu.memory_space<hbm>>
      %dma_wait3A_100 = arith.constant 0 : i32
      %dma_wait3A_101 = arith.constant 0 : i32
      %dma_wait3A_102 = tpu.memref_slice %arg3[%run_scoped3A, %add3A, %dma_wait3A_100, %dma_wait3A_101] : memref<2x32x80x125xi32, #tpu.memory_space<hbm>> -> memref<1x1x80x125xi32, #tpu.memory_space<hbm>>
      %dma_wait3A_103 = tpu.memref_squeeze %dma_wait3A_102 : memref<1x1x80x125xi32, #tpu.memory_space<hbm>> -> memref<80x125xi32, #tpu.memory_space<hbm>>
      tpu.wait_dma2 semaphore(%run_scoped3A_87 : memref<!tpu.dma_semaphore, #tpu.memory_space<semaphore_mem>>) src(%dma_wait3A_103 : memref<80x125xi32, #tpu.memory_space<hbm>>) dst(%arg5 : memref<80x125xi32, #tpu.memory_space<vmem>>)
      tpu.yield
    }) : () -> ()
    %run_scoped3A_1 = arith.constant 1 : i32
    "tpu.region"() ({
      %run_scoped3A_87 = tpu.sem_alloc : memref<!tpu.dma_semaphore, #tpu.memory_space<semaphore_mem>>
      %dma_start3A_88 = arith.constant 0 : i32
      %dma_start3A_89 = arith.constant 0 : i32
      %dma_start3A_90 = tpu.memref_slice %arg3[%run_scoped3A_1, %add3A, %dma_start3A_88, %dma_start3A_89] : memref<2x32x80x125xi32, #tpu.memory_space<hbm>> -> memref<1x1x80x125xi32, #tpu.memory_space<hbm>>
      %dma_start3A_91 = tpu.memref_squeeze %dma_start3A_90 : memref<1x1x80x125xi32, #tpu.memory_space<hbm>> -> memref<80x125xi32, #tpu.memory_space<hbm>>
      %dma_start3A_92 = arith.constant 0 : i32
      %dma_start3A_93 = arith.constant 0 : i32
      %dma_start3A_94 = tpu.memref_slice %arg3[%run_scoped3A_1, %add3A, %dma_start3A_92, %dma_start3A_93] : memref<2x32x80x125xi32, #tpu.memory_space<hbm>> -> memref<1x1x80x125xi32, #tpu.memory_space<hbm>>
      %dma_start3A_95 = tpu.memref_squeeze %dma_start3A_94 : memref<1x1x80x125xi32, #tpu.memory_space<hbm>> -> memref<80x125xi32, #tpu.memory_space<hbm>>
      tpu.enqueue_dma source(%dma_start3A_95 : memref<80x125xi32, #tpu.memory_space<hbm>>) target(%arg6 : memref<80x125xi32, #tpu.memory_space<vmem>>) target_semaphore(%run_scoped3A_87 : memref<!tpu.dma_semaphore, #tpu.memory_space<semaphore_mem>>)
      %dma_wait3A_96 = arith.constant 0 : i32
      %dma_wait3A_97 = arith.constant 0 : i32
      %dma_wait3A_98 = tpu.memref_slice %arg3[%run_scoped3A_1, %add3A, %dma_wait3A_96, %dma_wait3A_97] : memref<2x32x80x125xi32, #tpu.memory_space<hbm>> -> memref<1x1x80x125xi32, #tpu.memory_space<hbm>>
      %dma_wait3A_99 = tpu.memref_squeeze %dma_wait3A_98 : memref<1x1x80x125xi32, #tpu.memory_space<hbm>> -> memref<80x125xi32, #tpu.memory_space<hbm>>
      %dma_wait3A_100 = arith.constant 0 : i32
      %dma_wait3A_101 = arith.constant 0 : i32
      %dma_wait3A_102 = tpu.memref_slice %arg3[%run_scoped3A_1, %add3A, %dma_wait3A_100, %dma_wait3A_101] : memref<2x32x80x125xi32, #tpu.memory_space<hbm>> -> memref<1x1x80x125xi32, #tpu.memory_space<hbm>>
      %dma_wait3A_103 = tpu.memref_squeeze %dma_wait3A_102 : memref<1x1x80x125xi32, #tpu.memory_space<hbm>> -> memref<80x125xi32, #tpu.memory_space<hbm>>
      tpu.wait_dma2 semaphore(%run_scoped3A_87 : memref<!tpu.dma_semaphore, #tpu.memory_space<semaphore_mem>>) src(%dma_wait3A_103 : memref<80x125xi32, #tpu.memory_space<hbm>>) dst(%arg6 : memref<80x125xi32, #tpu.memory_space<vmem>>)
      tpu.yield
    }) : () -> ()
    %broadcast_in_dim3A = arith.constant 0.000000e+00 : f32
    %broadcast_in_dim3A_2 = vector.broadcast %broadcast_in_dim3A : f32 to vector<16xf32>
    %scan3A = arith.constant 0 : i32
    %scan3A_3 = arith.constant 632 : i32
    %scan3A_4 = arith.addi %scan3A, %scan3A_3 : i32
    %scan3A_5 = arith.constant 1 : i32
    scf.for %scan3A_87 = %scan3A to %scan3A_4 step %scan3A_5  : i32 {
      %mul3A_88 = arith.constant 1 : i32
      %mul3A_89 = arith.muli %scan3A_87, %mul3A_88 : i32
      %add3A_90 = arith.constant 0 : i32
      %add3A_91 = arith.addi %add3A_90, %mul3A_89 : i32
      %swap3A = arith.index_cast %add3A_91 : i32 to index
      %swap3A_92 = arith.constant 0 : index
      %swap3A_93 = tpu.vector_load %arg17[%swap3A, %swap3A_92] {strides = array<i32>} : memref<632x16xf32, #tpu.memory_space<vmem>>, vector<1x16xf32>,
      %swap3A_94 = vector.shape_cast %swap3A_93 : vector<1x16xf32> to vector<16xf32>
      %swap3A_95 = vector.shape_cast %broadcast_in_dim3A_2 : vector<16xf32> to vector<1x16xf32>
      tpu.vector_store %arg17[%swap3A, %swap3A_92], %swap3A_95 {strides = array<i32>} : memref<632x16xf32, #tpu.memory_space<vmem>>, vector<1x16xf32>,
    }
    %scan3A_6 = arith.constant 632 : i32
    %mul3A_7 = arith.constant 632 : i32
    %mul3A_8 = arith.muli %arg1, %mul3A_7 : i32
    "tpu.region"() ({
      %run_scoped3A_87 = tpu.sem_alloc : memref<!tpu.dma_semaphore, #tpu.memory_space<semaphore_mem>>
      %dma_start3A_88 = arith.constant 0 : i32
      %dma_start3A_89 = tpu.memref_slice %arg18[%mul3A_8, %dma_start3A_88] : memref<10112x16xf32, #tpu.memory_space<vmem_shared>> -> memref<632x16xf32, #tpu.memory_space<vmem_shared>>
      %dma_start3A_90 = arith.constant 0 : i32
      %dma_start3A_91 = tpu.memref_slice %arg18[%mul3A_8, %dma_start3A_90] : memref<10112x16xf32, #tpu.memory_space<vmem_shared>> -> memref<632x16xf32, #tpu.memory_space<vmem_shared>>
      tpu.enqueue_dma source(%arg17 : memref<632x16xf32, #tpu.memory_space<vmem>>) target(%dma_start3A_91 : memref<632x16xf32, #tpu.memory_space<vmem_shared>>) target_semaphore(%run_scoped3A_87 : memref<!tpu.dma_semaphore, #tpu.memory_space<semaphore_mem>>)
      %dma_wait3A_92 = arith.constant 0 : i32
      %dma_wait3A_93 = tpu.memref_slice %arg18[%mul3A_8, %dma_wait3A_92] : memref<10112x16xf32, #tpu.memory_space<vmem_shared>> -> memref<632x16xf32, #tpu.memory_space<vmem_shared>>
      %dma_wait3A_94 = arith.constant 0 : i32
      %dma_wait3A_95 = tpu.memref_slice %arg18[%mul3A_8, %dma_wait3A_94] : memref<10112x16xf32, #tpu.memory_space<vmem_shared>> -> memref<632x16xf32, #tpu.memory_space<vmem_shared>>
      tpu.wait_dma2 semaphore(%run_scoped3A_87 : memref<!tpu.dma_semaphore, #tpu.memory_space<semaphore_mem>>) src(%arg17 : memref<632x16xf32, #tpu.memory_space<vmem>>) dst(%dma_wait3A_95 : memref<632x16xf32, #tpu.memory_space<vmem_shared>>)
      tpu.yield
    }) : () -> ()
    %barrier3A = arith.constant 0 : index
    tpu.barrier barrier_id(%barrier3A)
    %dma_start3A = arith.constant 0 : i32
    %dma_start3A_9 = arith.constant 0 : i32
    %dma_start3A_10 = tpu.memref_slice %arg5[%dma_start3A, %dma_start3A_9] : memref<80x125xi32, #tpu.memory_space<vmem>> -> memref<1x125xi32, #tpu.memory_space<vmem>>
    %dma_start3A_11 = tpu.memref_squeeze %dma_start3A_10 : memref<1x125xi32, #tpu.memory_space<vmem>> -> memref<125xi32, #tpu.memory_space<vmem>>
    %dma_start3A_12 = arith.constant 0 : i32
    %dma_start3A_13 = arith.constant 0 : i32
    %dma_start3A_14 = tpu.memref_slice %arg2[%dma_start3A_12, %dma_start3A_13] : memref<10112x16xf32, #tpu.memory_space<hbm>> -> memref<10112x16xf32, #tpu.memory_space<hbm>>
    tpu.enqueue_indirect_dma source(%dma_start3A_14 : memref<10112x16xf32, #tpu.memory_space<hbm>>) target(%arg7 : memref<125x16xf32, #tpu.memory_space<vmem>>) offsets(%dma_start3A_11 : memref<125xi32, #tpu.memory_space<vmem>>) semaphore(%arg19 : memref<!tpu.dma_semaphore, #tpu.memory_space<semaphore_mem>>)
    %dma_start3A_15 = arith.constant 1 : i32
    %dma_start3A_16 = arith.constant 0 : i32
    %dma_start3A_17 = tpu.memref_slice %arg5[%dma_start3A_15, %dma_start3A_16] : memref<80x125xi32, #tpu.memory_space<vmem>> -> memref<1x125xi32, #tpu.memory_space<vmem>>
    %dma_start3A_18 = tpu.memref_squeeze %dma_start3A_17 : memref<1x125xi32, #tpu.memory_space<vmem>> -> memref<125xi32, #tpu.memory_space<vmem>>
    %dma_start3A_19 = arith.constant 0 : i32
    %dma_start3A_20 = arith.constant 0 : i32
    %dma_start3A_21 = tpu.memref_slice %arg2[%dma_start3A_19, %dma_start3A_20] : memref<10112x16xf32, #tpu.memory_space<hbm>> -> memref<10112x16xf32, #tpu.memory_space<hbm>>
    tpu.enqueue_indirect_dma source(%dma_start3A_21 : memref<10112x16xf32, #tpu.memory_space<hbm>>) target(%arg8 : memref<125x16xf32, #tpu.memory_space<vmem>>) offsets(%dma_start3A_18 : memref<125xi32, #tpu.memory_space<vmem>>) semaphore(%arg20 : memref<!tpu.dma_semaphore, #tpu.memory_space<semaphore_mem>>)
    %dma_start3A_22 = arith.constant 2 : i32
    %dma_start3A_23 = arith.constant 0 : i32
    %dma_start3A_24 = tpu.memref_slice %arg5[%dma_start3A_22, %dma_start3A_23] : memref<80x125xi32, #tpu.memory_space<vmem>> -> memref<1x125xi32, #tpu.memory_space<vmem>>
    %dma_start3A_25 = tpu.memref_squeeze %dma_start3A_24 : memref<1x125xi32, #tpu.memory_space<vmem>> -> memref<125xi32, #tpu.memory_space<vmem>>
    %dma_start3A_26 = arith.constant 0 : i32
    %dma_start3A_27 = arith.constant 0 : i32
    %dma_start3A_28 = tpu.memref_slice %arg2[%dma_start3A_26, %dma_start3A_27] : memref<10112x16xf32, #tpu.memory_space<hbm>> -> memref<10112x16xf32, #tpu.memory_space<hbm>>
    tpu.enqueue_indirect_dma source(%dma_start3A_28 : memref<10112x16xf32, #tpu.memory_space<hbm>>) target(%arg9 : memref<125x16xf32, #tpu.memory_space<vmem>>) offsets(%dma_start3A_25 : memref<125xi32, #tpu.memory_space<vmem>>) semaphore(%arg21 : memref<!tpu.dma_semaphore, #tpu.memory_space<semaphore_mem>>)
    %dma_start3A_29 = arith.constant 3 : i32
    %dma_start3A_30 = arith.constant 0 : i32
    %dma_start3A_31 = tpu.memref_slice %arg5[%dma_start3A_29, %dma_start3A_30] : memref<80x125xi32, #tpu.memory_space<vmem>> -> memref<1x125xi32, #tpu.memory_space<vmem>>
    %dma_start3A_32 = tpu.memref_squeeze %dma_start3A_31 : memref<1x125xi32, #tpu.memory_space<vmem>> -> memref<125xi32, #tpu.memory_space<vmem>>
    %dma_start3A_33 = arith.constant 0 : i32
    %dma_start3A_34 = arith.constant 0 : i32
    %dma_start3A_35 = tpu.memref_slice %arg2[%dma_start3A_33, %dma_start3A_34] : memref<10112x16xf32, #tpu.memory_space<hbm>> -> memref<10112x16xf32, #tpu.memory_space<hbm>>
    tpu.enqueue_indirect_dma source(%dma_start3A_35 : memref<10112x16xf32, #tpu.memory_space<hbm>>) target(%arg10 : memref<125x16xf32, #tpu.memory_space<vmem>>) offsets(%dma_start3A_32 : memref<125xi32, #tpu.memory_space<vmem>>) semaphore(%arg22 : memref<!tpu.dma_semaphore, #tpu.memory_space<semaphore_mem>>)
    %dma_start3A_36 = arith.constant 4 : i32
    %dma_start3A_37 = arith.constant 0 : i32
    %dma_start3A_38 = tpu.memref_slice %arg5[%dma_start3A_36, %dma_start3A_37] : memref<80x125xi32, #tpu.memory_space<vmem>> -> memref<1x125xi32, #tpu.memory_space<vmem>>
    %dma_start3A_39 = tpu.memref_squeeze %dma_start3A_38 : memref<1x125xi32, #tpu.memory_space<vmem>> -> memref<125xi32, #tpu.memory_space<vmem>>
    %dma_start3A_40 = arith.constant 0 : i32
    %dma_start3A_41 = arith.constant 0 : i32
    %dma_start3A_42 = tpu.memref_slice %arg2[%dma_start3A_40, %dma_start3A_41] : memref<10112x16xf32, #tpu.memory_space<hbm>> -> memref<10112x16xf32, #tpu.memory_space<hbm>>
    tpu.enqueue_indirect_dma source(%dma_start3A_42 : memref<10112x16xf32, #tpu.memory_space<hbm>>) target(%arg11 : memref<125x16xf32, #tpu.memory_space<vmem>>) offsets(%dma_start3A_39 : memref<125xi32, #tpu.memory_space<vmem>>) semaphore(%arg23 : memref<!tpu.dma_semaphore, #tpu.memory_space<semaphore_mem>>)
    %dma_start3A_43 = arith.constant 5 : i32
    %dma_start3A_44 = arith.constant 0 : i32
    %dma_start3A_45 = tpu.memref_slice %arg5[%dma_start3A_43, %dma_start3A_44] : memref<80x125xi32, #tpu.memory_space<vmem>> -> memref<1x125xi32, #tpu.memory_space<vmem>>
    %dma_start3A_46 = tpu.memref_squeeze %dma_start3A_45 : memref<1x125xi32, #tpu.memory_space<vmem>> -> memref<125xi32, #tpu.memory_space<vmem>>
    %dma_start3A_47 = arith.constant 0 : i32
    %dma_start3A_48 = arith.constant 0 : i32
    %dma_start3A_49 = tpu.memref_slice %arg2[%dma_start3A_47, %dma_start3A_48] : memref<10112x16xf32, #tpu.memory_space<hbm>> -> memref<10112x16xf32, #tpu.memory_space<hbm>>
    tpu.enqueue_indirect_dma source(%dma_start3A_49 : memref<10112x16xf32, #tpu.memory_space<hbm>>) target(%arg12 : memref<125x16xf32, #tpu.memory_space<vmem>>) offsets(%dma_start3A_46 : memref<125xi32, #tpu.memory_space<vmem>>) semaphore(%arg24 : memref<!tpu.dma_semaphore, #tpu.memory_space<semaphore_mem>>)
    %dma_start3A_50 = arith.constant 6 : i32
    %dma_start3A_51 = arith.constant 0 : i32
    %dma_start3A_52 = tpu.memref_slice %arg5[%dma_start3A_50, %dma_start3A_51] : memref<80x125xi32, #tpu.memory_space<vmem>> -> memref<1x125xi32, #tpu.memory_space<vmem>>
    %dma_start3A_53 = tpu.memref_squeeze %dma_start3A_52 : memref<1x125xi32, #tpu.memory_space<vmem>> -> memref<125xi32, #tpu.memory_space<vmem>>
    %dma_start3A_54 = arith.constant 0 : i32
    %dma_start3A_55 = arith.constant 0 : i32
    %dma_start3A_56 = tpu.memref_slice %arg2[%dma_start3A_54, %dma_start3A_55] : memref<10112x16xf32, #tpu.memory_space<hbm>> -> memref<10112x16xf32, #tpu.memory_space<hbm>>
    tpu.enqueue_indirect_dma source(%dma_start3A_56 : memref<10112x16xf32, #tpu.memory_space<hbm>>) target(%arg13 : memref<125x16xf32, #tpu.memory_space<vmem>>) offsets(%dma_start3A_53 : memref<125xi32, #tpu.memory_space<vmem>>) semaphore(%arg25 : memref<!tpu.dma_semaphore, #tpu.memory_space<semaphore_mem>>)
    %scan3A_57 = arith.constant 0 : i32
    %scan3A_58 = arith.constant 8 : i32
    %scan3A_59 = arith.addi %scan3A_57, %scan3A_58 : i32
    %scan3A_60 = arith.constant 1 : i32
    scf.for %scan3A_87 = %scan3A_57 to %scan3A_59 step %scan3A_60  : i32 {
      %mul3A_88 = arith.constant 1 : i32
      %mul3A_89 = arith.muli %scan3A_87, %mul3A_88 : i32
      %add3A_90 = arith.constant 0 : i32
      %add3A_91 = arith.addi %add3A_90, %mul3A_89 : i32
      %mul3A_92 = arith.constant 10 : i32
      %mul3A_93 = arith.muli %add3A_91, %mul3A_92 : i32
      %add3A_94 = arith.constant 0 : i32
      %add3A_95 = arith.addi %mul3A_93, %add3A_94 : i32
      %dma_wait3A_96 = arith.constant 0 : i32
      %dma_wait3A_97 = tpu.memref_slice %arg5[%add3A_95, %dma_wait3A_96] : memref<80x125xi32, #tpu.memory_space<vmem>> -> memref<1x125xi32, #tpu.memory_space<vmem>>
      %dma_wait3A_98 = tpu.memref_squeeze %dma_wait3A_97 : memref<1x125xi32, #tpu.memory_space<vmem>> -> memref<125xi32, #tpu.memory_space<vmem>>
      %dma_wait3A_99 = arith.constant 0 : i32
      %dma_wait3A_100 = arith.constant 0 : i32
      %dma_wait3A_101 = tpu.memref_slice %arg2[%dma_wait3A_99, %dma_wait3A_100] : memref<10112x16xf32, #tpu.memory_space<hbm>> -> memref<10112x16xf32, #tpu.memory_space<hbm>>
      tpu.wait_indirect_dma semaphore(%arg19 : memref<!tpu.dma_semaphore, #tpu.memory_space<semaphore_mem>>) src(%dma_wait3A_101 : memref<10112x16xf32, #tpu.memory_space<hbm>>) dst(%arg7 : memref<125x16xf32, #tpu.memory_space<vmem>>)
      %dma_start3A_102 = arith.constant 0 : i32
      %dma_start3A_103 = tpu.memref_slice %arg6[%add3A_95, %dma_start3A_102] : memref<80x125xi32, #tpu.memory_space<vmem>> -> memref<1x125xi32, #tpu.memory_space<vmem>>
      %dma_start3A_104 = tpu.memref_squeeze %dma_start3A_103 : memref<1x125xi32, #tpu.memory_space<vmem>> -> memref<125xi32, #tpu.memory_space<vmem>>
      %dma_start3A_105 = arith.constant 0 : i32
      %dma_start3A_106 = arith.constant 0 : i32
      %dma_start3A_107 = tpu.memref_slice %arg18[%dma_start3A_105, %dma_start3A_106] : memref<10112x16xf32, #tpu.memory_space<vmem_shared>> -> memref<10112x16xf32, #tpu.memory_space<vmem_shared>>
      tpu.enqueue_indirect_dma source(%arg7 : memref<125x16xf32, #tpu.memory_space<vmem>>) target(%dma_start3A_107 : memref<10112x16xf32, #tpu.memory_space<vmem_shared>>) offsets(%dma_start3A_104 : memref<125xi32, #tpu.memory_space<vmem>>) semaphore(%arg29 : memref<!tpu.dma_semaphore, #tpu.memory_space<semaphore_mem>>) {add = true}
      %ge3A = arith.constant 3 : i32
      %ge3A_108 = arith.cmpi sge, %add3A_95, %ge3A : i32
      %convert_element_type3A = arith.extui %ge3A_108 : i1 to i32
      %cond3A = arith.constant 0 : i32
      %cond3A_109 = arith.cmpi ne, %convert_element_type3A, %cond3A : i32
      scf.if %cond3A_109 {
        %dma_wait3A_348 = arith.constant 0 : i32
        %dma_wait3A_349 = tpu.memref_slice %arg6[%add3A_95, %dma_wait3A_348] : memref<80x125xi32, #tpu.memory_space<vmem>> -> memref<1x125xi32, #tpu.memory_space<vmem>>
        %dma_wait3A_350 = tpu.memref_squeeze %dma_wait3A_349 : memref<1x125xi32, #tpu.memory_space<vmem>> -> memref<125xi32, #tpu.memory_space<vmem>>
        %dma_wait3A_351 = arith.constant 0 : i32
        %dma_wait3A_352 = arith.constant 0 : i32
        %dma_wait3A_353 = tpu.memref_slice %arg18[%dma_wait3A_351, %dma_wait3A_352] : memref<10112x16xf32, #tpu.memory_space<vmem_shared>> -> memref<10112x16xf32, #tpu.memory_space<vmem_shared>>
        tpu.wait_indirect_dma semaphore(%arg36 : memref<!tpu.dma_semaphore, #tpu.memory_space<semaphore_mem>>) src(%arg14 : memref<125x16xf32, #tpu.memory_space<vmem>>) dst(%dma_wait3A_353 : memref<10112x16xf32, #tpu.memory_space<vmem_shared>>)
      } else {
      }
      %lt3A = arith.constant 73 : i32
      %lt3A_110 = arith.cmpi slt, %add3A_95, %lt3A : i32
      %convert_element_type3A_111 = arith.extui %lt3A_110 : i1 to i32
      %cond3A_112 = arith.constant 0 : i32
      %cond3A_113 = arith.cmpi ne, %convert_element_type3A_111, %cond3A_112 : i32
      scf.if %cond3A_113 {
        %add3A_348 = arith.constant 7 : i32
        %add3A_349 = arith.addi %add3A_95, %add3A_348 : i32
        %dma_start3A_350 = arith.constant 0 : i32
        %dma_start3A_351 = tpu.memref_slice %arg5[%add3A_349, %dma_start3A_350] : memref<80x125xi32, #tpu.memory_space<vmem>> -> memref<1x125xi32, #tpu.memory_space<vmem>>
        %dma_start3A_352 = tpu.memref_squeeze %dma_start3A_351 : memref<1x125xi32, #tpu.memory_space<vmem>> -> memref<125xi32, #tpu.memory_space<vmem>>
        %dma_start3A_353 = arith.constant 0 : i32
        %dma_start3A_354 = arith.constant 0 : i32
        %dma_start3A_355 = tpu.memref_slice %arg2[%dma_start3A_353, %dma_start3A_354] : memref<10112x16xf32, #tpu.memory_space<hbm>> -> memref<10112x16xf32, #tpu.memory_space<hbm>>
        tpu.enqueue_indirect_dma source(%dma_start3A_355 : memref<10112x16xf32, #tpu.memory_space<hbm>>) target(%arg14 : memref<125x16xf32, #tpu.memory_space<vmem>>) offsets(%dma_start3A_352 : memref<125xi32, #tpu.memory_space<vmem>>) semaphore(%arg26 : memref<!tpu.dma_semaphore, #tpu.memory_space<semaphore_mem>>)
      } else {
      }
      %mul3A_114 = arith.constant 10 : i32
      %mul3A_115 = arith.muli %add3A_91, %mul3A_114 : i32
      %add3A_116 = arith.constant 1 : i32
      %add3A_117 = arith.addi %mul3A_115, %add3A_116 : i32
      %dma_wait3A_118 = arith.constant 0 : i32
      %dma_wait3A_119 = tpu.memref_slice %arg5[%add3A_117, %dma_wait3A_118] : memref<80x125xi32, #tpu.memory_space<vmem>> -> memref<1x125xi32, #tpu.memory_space<vmem>>
      %dma_wait3A_120 = tpu.memref_squeeze %dma_wait3A_119 : memref<1x125xi32, #tpu.memory_space<vmem>> -> memref<125xi32, #tpu.memory_space<vmem>>
      %dma_wait3A_121 = arith.constant 0 : i32
      %dma_wait3A_122 = arith.constant 0 : i32
      %dma_wait3A_123 = tpu.memref_slice %arg2[%dma_wait3A_121, %dma_wait3A_122] : memref<10112x16xf32, #tpu.memory_space<hbm>> -> memref<10112x16xf32, #tpu.memory_space<hbm>>
      tpu.wait_indirect_dma semaphore(%arg20 : memref<!tpu.dma_semaphore, #tpu.memory_space<semaphore_mem>>) src(%dma_wait3A_123 : memref<10112x16xf32, #tpu.memory_space<hbm>>) dst(%arg8 : memref<125x16xf32, #tpu.memory_space<vmem>>)
      %dma_start3A_124 = arith.constant 0 : i32
      %dma_start3A_125 = tpu.memref_slice %arg6[%add3A_117, %dma_start3A_124] : memref<80x125xi32, #tpu.memory_space<vmem>> -> memref<1x125xi32, #tpu.memory_space<vmem>>
      %dma_start3A_126 = tpu.memref_squeeze %dma_start3A_125 : memref<1x125xi32, #tpu.memory_space<vmem>> -> memref<125xi32, #tpu.memory_space<vmem>>
      %dma_start3A_127 = arith.constant 0 : i32
      %dma_start3A_128 = arith.constant 0 : i32
      %dma_start3A_129 = tpu.memref_slice %arg18[%dma_start3A_127, %dma_start3A_128] : memref<10112x16xf32, #tpu.memory_space<vmem_shared>> -> memref<10112x16xf32, #tpu.memory_space<vmem_shared>>
      tpu.enqueue_indirect_dma source(%arg8 : memref<125x16xf32, #tpu.memory_space<vmem>>) target(%dma_start3A_129 : memref<10112x16xf32, #tpu.memory_space<vmem_shared>>) offsets(%dma_start3A_126 : memref<125xi32, #tpu.memory_space<vmem>>) semaphore(%arg30 : memref<!tpu.dma_semaphore, #tpu.memory_space<semaphore_mem>>) {add = true}
      %ge3A_130 = arith.constant 3 : i32
      %ge3A_131 = arith.cmpi sge, %add3A_117, %ge3A_130 : i32
      %convert_element_type3A_132 = arith.extui %ge3A_131 : i1 to i32
      %cond3A_133 = arith.constant 0 : i32
      %cond3A_134 = arith.cmpi ne, %convert_element_type3A_132, %cond3A_133 : i32
      scf.if %cond3A_134 {
        %dma_wait3A_348 = arith.constant 0 : i32
        %dma_wait3A_349 = tpu.memref_slice %arg6[%add3A_117, %dma_wait3A_348] : memref<80x125xi32, #tpu.memory_space<vmem>> -> memref<1x125xi32, #tpu.memory_space<vmem>>
        %dma_wait3A_350 = tpu.memref_squeeze %dma_wait3A_349 : memref<1x125xi32, #tpu.memory_space<vmem>> -> memref<125xi32, #tpu.memory_space<vmem>>
        %dma_wait3A_351 = arith.constant 0 : i32
        %dma_wait3A_352 = arith.constant 0 : i32
        %dma_wait3A_353 = tpu.memref_slice %arg18[%dma_wait3A_351, %dma_wait3A_352] : memref<10112x16xf32, #tpu.memory_space<vmem_shared>> -> memref<10112x16xf32, #tpu.memory_space<vmem_shared>>
        tpu.wait_indirect_dma semaphore(%arg37 : memref<!tpu.dma_semaphore, #tpu.memory_space<semaphore_mem>>) src(%arg15 : memref<125x16xf32, #tpu.memory_space<vmem>>) dst(%dma_wait3A_353 : memref<10112x16xf32, #tpu.memory_space<vmem_shared>>)
      } else {
      }
      %lt3A_135 = arith.constant 73 : i32
      %lt3A_136 = arith.cmpi slt, %add3A_117, %lt3A_135 : i32
      %convert_element_type3A_137 = arith.extui %lt3A_136 : i1 to i32
      %cond3A_138 = arith.constant 0 : i32
      %cond3A_139 = arith.cmpi ne, %convert_element_type3A_137, %cond3A_138 : i32
      scf.if %cond3A_139 {
        %add3A_348 = arith.constant 7 : i32
        %add3A_349 = arith.addi %add3A_117, %add3A_348 : i32
        %dma_start3A_350 = arith.constant 0 : i32
        %dma_start3A_351 = tpu.memref_slice %arg5[%add3A_349, %dma_start3A_350] : memref<80x125xi32, #tpu.memory_space<vmem>> -> memref<1x125xi32, #tpu.memory_space<vmem>>
        %dma_start3A_352 = tpu.memref_squeeze %dma_start3A_351 : memref<1x125xi32, #tpu.memory_space<vmem>> -> memref<125xi32, #tpu.memory_space<vmem>>
        %dma_start3A_353 = arith.constant 0 : i32
        %dma_start3A_354 = arith.constant 0 : i32
        %dma_start3A_355 = tpu.memref_slice %arg2[%dma_start3A_353, %dma_start3A_354] : memref<10112x16xf32, #tpu.memory_space<hbm>> -> memref<10112x16xf32, #tpu.memory_space<hbm>>
        tpu.enqueue_indirect_dma source(%dma_start3A_355 : memref<10112x16xf32, #tpu.memory_space<hbm>>) target(%arg15 : memref<125x16xf32, #tpu.memory_space<vmem>>) offsets(%dma_start3A_352 : memref<125xi32, #tpu.memory_space<vmem>>) semaphore(%arg27 : memref<!tpu.dma_semaphore, #tpu.memory_space<semaphore_mem>>)
      } else {
      }
      %mul3A_140 = arith.constant 10 : i32
      %mul3A_141 = arith.muli %add3A_91, %mul3A_140 : i32
      %add3A_142 = arith.constant 2 : i32
      %add3A_143 = arith.addi %mul3A_141, %add3A_142 : i32
      %dma_wait3A_144 = arith.constant 0 : i32
      %dma_wait3A_145 = tpu.memref_slice %arg5[%add3A_143, %dma_wait3A_144] : memref<80x125xi32, #tpu.memory_space<vmem>> -> memref<1x125xi32, #tpu.memory_space<vmem>>
      %dma_wait3A_146 = tpu.memref_squeeze %dma_wait3A_145 : memref<1x125xi32, #tpu.memory_space<vmem>> -> memref<125xi32, #tpu.memory_space<vmem>>
      %dma_wait3A_147 = arith.constant 0 : i32
      %dma_wait3A_148 = arith.constant 0 : i32
      %dma_wait3A_149 = tpu.memref_slice %arg2[%dma_wait3A_147, %dma_wait3A_148] : memref<10112x16xf32, #tpu.memory_space<hbm>> -> memref<10112x16xf32, #tpu.memory_space<hbm>>
      tpu.wait_indirect_dma semaphore(%arg21 : memref<!tpu.dma_semaphore, #tpu.memory_space<semaphore_mem>>) src(%dma_wait3A_149 : memref<10112x16xf32, #tpu.memory_space<hbm>>) dst(%arg9 : memref<125x16xf32, #tpu.memory_space<vmem>>)
      %dma_start3A_150 = arith.constant 0 : i32
      %dma_start3A_151 = tpu.memref_slice %arg6[%add3A_143, %dma_start3A_150] : memref<80x125xi32, #tpu.memory_space<vmem>> -> memref<1x125xi32, #tpu.memory_space<vmem>>
      %dma_start3A_152 = tpu.memref_squeeze %dma_start3A_151 : memref<1x125xi32, #tpu.memory_space<vmem>> -> memref<125xi32, #tpu.memory_space<vmem>>
      %dma_start3A_153 = arith.constant 0 : i32
      %dma_start3A_154 = arith.constant 0 : i32
      %dma_start3A_155 = tpu.memref_slice %arg18[%dma_start3A_153, %dma_start3A_154] : memref<10112x16xf32, #tpu.memory_space<vmem_shared>> -> memref<10112x16xf32, #tpu.memory_space<vmem_shared>>
      tpu.enqueue_indirect_dma source(%arg9 : memref<125x16xf32, #tpu.memory_space<vmem>>) target(%dma_start3A_155 : memref<10112x16xf32, #tpu.memory_space<vmem_shared>>) offsets(%dma_start3A_152 : memref<125xi32, #tpu.memory_space<vmem>>) semaphore(%arg31 : memref<!tpu.dma_semaphore, #tpu.memory_space<semaphore_mem>>) {add = true}
      %ge3A_156 = arith.constant 3 : i32
      %ge3A_157 = arith.cmpi sge, %add3A_143, %ge3A_156 : i32
      %convert_element_type3A_158 = arith.extui %ge3A_157 : i1 to i32
      %cond3A_159 = arith.constant 0 : i32
      %cond3A_160 = arith.cmpi ne, %convert_element_type3A_158, %cond3A_159 : i32
      scf.if %cond3A_160 {
        %dma_wait3A_348 = arith.constant 0 : i32
        %dma_wait3A_349 = tpu.memref_slice %arg6[%add3A_143, %dma_wait3A_348] : memref<80x125xi32, #tpu.memory_space<vmem>> -> memref<1x125xi32, #tpu.memory_space<vmem>>
        %dma_wait3A_350 = tpu.memref_squeeze %dma_wait3A_349 : memref<1x125xi32, #tpu.memory_space<vmem>> -> memref<125xi32, #tpu.memory_space<vmem>>
        %dma_wait3A_351 = arith.constant 0 : i32
        %dma_wait3A_352 = arith.constant 0 : i32
        %dma_wait3A_353 = tpu.memref_slice %arg18[%dma_wait3A_351, %dma_wait3A_352] : memref<10112x16xf32, #tpu.memory_space<vmem_shared>> -> memref<10112x16xf32, #tpu.memory_space<vmem_shared>>
        tpu.wait_indirect_dma semaphore(%arg38 : memref<!tpu.dma_semaphore, #tpu.memory_space<semaphore_mem>>) src(%arg16 : memref<125x16xf32, #tpu.memory_space<vmem>>) dst(%dma_wait3A_353 : memref<10112x16xf32, #tpu.memory_space<vmem_shared>>)
      } else {
      }
      %lt3A_161 = arith.constant 73 : i32
      %lt3A_162 = arith.cmpi slt, %add3A_143, %lt3A_161 : i32
      %convert_element_type3A_163 = arith.extui %lt3A_162 : i1 to i32
      %cond3A_164 = arith.constant 0 : i32
      %cond3A_165 = arith.cmpi ne, %convert_element_type3A_163, %cond3A_164 : i32
      scf.if %cond3A_165 {
        %add3A_348 = arith.constant 7 : i32
        %add3A_349 = arith.addi %add3A_143, %add3A_348 : i32
        %dma_start3A_350 = arith.constant 0 : i32
        %dma_start3A_351 = tpu.memref_slice %arg5[%add3A_349, %dma_start3A_350] : memref<80x125xi32, #tpu.memory_space<vmem>> -> memref<1x125xi32, #tpu.memory_space<vmem>>
        %dma_start3A_352 = tpu.memref_squeeze %dma_start3A_351 : memref<1x125xi32, #tpu.memory_space<vmem>> -> memref<125xi32, #tpu.memory_space<vmem>>
        %dma_start3A_353 = arith.constant 0 : i32
        %dma_start3A_354 = arith.constant 0 : i32
        %dma_start3A_355 = tpu.memref_slice %arg2[%dma_start3A_353, %dma_start3A_354] : memref<10112x16xf32, #tpu.memory_space<hbm>> -> memref<10112x16xf32, #tpu.memory_space<hbm>>
        tpu.enqueue_indirect_dma source(%dma_start3A_355 : memref<10112x16xf32, #tpu.memory_space<hbm>>) target(%arg16 : memref<125x16xf32, #tpu.memory_space<vmem>>) offsets(%dma_start3A_352 : memref<125xi32, #tpu.memory_space<vmem>>) semaphore(%arg28 : memref<!tpu.dma_semaphore, #tpu.memory_space<semaphore_mem>>)
      } else {
      }
      %mul3A_166 = arith.constant 10 : i32
      %mul3A_167 = arith.muli %add3A_91, %mul3A_166 : i32
      %add3A_168 = arith.constant 3 : i32
      %add3A_169 = arith.addi %mul3A_167, %add3A_168 : i32
      %dma_wait3A_170 = arith.constant 0 : i32
      %dma_wait3A_171 = tpu.memref_slice %arg5[%add3A_169, %dma_wait3A_170] : memref<80x125xi32, #tpu.memory_space<vmem>> -> memref<1x125xi32, #tpu.memory_space<vmem>>
      %dma_wait3A_172 = tpu.memref_squeeze %dma_wait3A_171 : memref<1x125xi32, #tpu.memory_space<vmem>> -> memref<125xi32, #tpu.memory_space<vmem>>
      %dma_wait3A_173 = arith.constant 0 : i32
      %dma_wait3A_174 = arith.constant 0 : i32
      %dma_wait3A_175 = tpu.memref_slice %arg2[%dma_wait3A_173, %dma_wait3A_174] : memref<10112x16xf32, #tpu.memory_space<hbm>> -> memref<10112x16xf32, #tpu.memory_space<hbm>>
      tpu.wait_indirect_dma semaphore(%arg22 : memref<!tpu.dma_semaphore, #tpu.memory_space<semaphore_mem>>) src(%dma_wait3A_175 : memref<10112x16xf32, #tpu.memory_space<hbm>>) dst(%arg10 : memref<125x16xf32, #tpu.memory_space<vmem>>)
      %dma_start3A_176 = arith.constant 0 : i32
      %dma_start3A_177 = tpu.memref_slice %arg6[%add3A_169, %dma_start3A_176] : memref<80x125xi32, #tpu.memory_space<vmem>> -> memref<1x125xi32, #tpu.memory_space<vmem>>
      %dma_start3A_178 = tpu.memref_squeeze %dma_start3A_177 : memref<1x125xi32, #tpu.memory_space<vmem>> -> memref<125xi32, #tpu.memory_space<vmem>>
      %dma_start3A_179 = arith.constant 0 : i32
      %dma_start3A_180 = arith.constant 0 : i32
      %dma_start3A_181 = tpu.memref_slice %arg18[%dma_start3A_179, %dma_start3A_180] : memref<10112x16xf32, #tpu.memory_space<vmem_shared>> -> memref<10112x16xf32, #tpu.memory_space<vmem_shared>>
      tpu.enqueue_indirect_dma source(%arg10 : memref<125x16xf32, #tpu.memory_space<vmem>>) target(%dma_start3A_181 : memref<10112x16xf32, #tpu.memory_space<vmem_shared>>) offsets(%dma_start3A_178 : memref<125xi32, #tpu.memory_space<vmem>>) semaphore(%arg32 : memref<!tpu.dma_semaphore, #tpu.memory_space<semaphore_mem>>) {add = true}
      %ge3A_182 = arith.constant 3 : i32
      %ge3A_183 = arith.cmpi sge, %add3A_169, %ge3A_182 : i32
      %convert_element_type3A_184 = arith.extui %ge3A_183 : i1 to i32
      %cond3A_185 = arith.constant 0 : i32
      %cond3A_186 = arith.cmpi ne, %convert_element_type3A_184, %cond3A_185 : i32
      scf.if %cond3A_186 {
        %dma_wait3A_348 = arith.constant 0 : i32
        %dma_wait3A_349 = tpu.memref_slice %arg6[%add3A_169, %dma_wait3A_348] : memref<80x125xi32, #tpu.memory_space<vmem>> -> memref<1x125xi32, #tpu.memory_space<vmem>>
        %dma_wait3A_350 = tpu.memref_squeeze %dma_wait3A_349 : memref<1x125xi32, #tpu.memory_space<vmem>> -> memref<125xi32, #tpu.memory_space<vmem>>
        %dma_wait3A_351 = arith.constant 0 : i32
        %dma_wait3A_352 = arith.constant 0 : i32
        %dma_wait3A_353 = tpu.memref_slice %arg18[%dma_wait3A_351, %dma_wait3A_352] : memref<10112x16xf32, #tpu.memory_space<vmem_shared>> -> memref<10112x16xf32, #tpu.memory_space<vmem_shared>>
        tpu.wait_indirect_dma semaphore(%arg29 : memref<!tpu.dma_semaphore, #tpu.memory_space<semaphore_mem>>) src(%arg7 : memref<125x16xf32, #tpu.memory_space<vmem>>) dst(%dma_wait3A_353 : memref<10112x16xf32, #tpu.memory_space<vmem_shared>>)
      } else {
      }
      %lt3A_187 = arith.constant 73 : i32
      %lt3A_188 = arith.cmpi slt, %add3A_169, %lt3A_187 : i32
      %convert_element_type3A_189 = arith.extui %lt3A_188 : i1 to i32
      %cond3A_190 = arith.constant 0 : i32
      %cond3A_191 = arith.cmpi ne, %convert_element_type3A_189, %cond3A_190 : i32
      scf.if %cond3A_191 {
        %add3A_348 = arith.constant 7 : i32
        %add3A_349 = arith.addi %add3A_169, %add3A_348 : i32
        %dma_start3A_350 = arith.constant 0 : i32
        %dma_start3A_351 = tpu.memref_slice %arg5[%add3A_349, %dma_start3A_350] : memref<80x125xi32, #tpu.memory_space<vmem>> -> memref<1x125xi32, #tpu.memory_space<vmem>>
        %dma_start3A_352 = tpu.memref_squeeze %dma_start3A_351 : memref<1x125xi32, #tpu.memory_space<vmem>> -> memref<125xi32, #tpu.memory_space<vmem>>
        %dma_start3A_353 = arith.constant 0 : i32
        %dma_start3A_354 = arith.constant 0 : i32
        %dma_start3A_355 = tpu.memref_slice %arg2[%dma_start3A_353, %dma_start3A_354] : memref<10112x16xf32, #tpu.memory_space<hbm>> -> memref<10112x16xf32, #tpu.memory_space<hbm>>
        tpu.enqueue_indirect_dma source(%dma_start3A_355 : memref<10112x16xf32, #tpu.memory_space<hbm>>) target(%arg7 : memref<125x16xf32, #tpu.memory_space<vmem>>) offsets(%dma_start3A_352 : memref<125xi32, #tpu.memory_space<vmem>>) semaphore(%arg19 : memref<!tpu.dma_semaphore, #tpu.memory_space<semaphore_mem>>)
      } else {
      }
      %mul3A_192 = arith.constant 10 : i32
      %mul3A_193 = arith.muli %add3A_91, %mul3A_192 : i32
      %add3A_194 = arith.constant 4 : i32
      %add3A_195 = arith.addi %mul3A_193, %add3A_194 : i32
      %dma_wait3A_196 = arith.constant 0 : i32
      %dma_wait3A_197 = tpu.memref_slice %arg5[%add3A_195, %dma_wait3A_196] : memref<80x125xi32, #tpu.memory_space<vmem>> -> memref<1x125xi32, #tpu.memory_space<vmem>>
      %dma_wait3A_198 = tpu.memref_squeeze %dma_wait3A_197 : memref<1x125xi32, #tpu.memory_space<vmem>> -> memref<125xi32, #tpu.memory_space<vmem>>
      %dma_wait3A_199 = arith.constant 0 : i32
      %dma_wait3A_200 = arith.constant 0 : i32
      %dma_wait3A_201 = tpu.memref_slice %arg2[%dma_wait3A_199, %dma_wait3A_200] : memref<10112x16xf32, #tpu.memory_space<hbm>> -> memref<10112x16xf32, #tpu.memory_space<hbm>>
      tpu.wait_indirect_dma semaphore(%arg23 : memref<!tpu.dma_semaphore, #tpu.memory_space<semaphore_mem>>) src(%dma_wait3A_201 : memref<10112x16xf32, #tpu.memory_space<hbm>>) dst(%arg11 : memref<125x16xf32, #tpu.memory_space<vmem>>)
      %dma_start3A_202 = arith.constant 0 : i32
      %dma_start3A_203 = tpu.memref_slice %arg6[%add3A_195, %dma_start3A_202] : memref<80x125xi32, #tpu.memory_space<vmem>> -> memref<1x125xi32, #tpu.memory_space<vmem>>
      %dma_start3A_204 = tpu.memref_squeeze %dma_start3A_203 : memref<1x125xi32, #tpu.memory_space<vmem>> -> memref<125xi32, #tpu.memory_space<vmem>>
      %dma_start3A_205 = arith.constant 0 : i32
      %dma_start3A_206 = arith.constant 0 : i32
      %dma_start3A_207 = tpu.memref_slice %arg18[%dma_start3A_205, %dma_start3A_206] : memref<10112x16xf32, #tpu.memory_space<vmem_shared>> -> memref<10112x16xf32, #tpu.memory_space<vmem_shared>>
      tpu.enqueue_indirect_dma source(%arg11 : memref<125x16xf32, #tpu.memory_space<vmem>>) target(%dma_start3A_207 : memref<10112x16xf32, #tpu.memory_space<vmem_shared>>) offsets(%dma_start3A_204 : memref<125xi32, #tpu.memory_space<vmem>>) semaphore(%arg33 : memref<!tpu.dma_semaphore, #tpu.memory_space<semaphore_mem>>) {add = true}
      %ge3A_208 = arith.constant 3 : i32
      %ge3A_209 = arith.cmpi sge, %add3A_195, %ge3A_208 : i32
      %convert_element_type3A_210 = arith.extui %ge3A_209 : i1 to i32
      %cond3A_211 = arith.constant 0 : i32
      %cond3A_212 = arith.cmpi ne, %convert_element_type3A_210, %cond3A_211 : i32
      scf.if %cond3A_212 {
        %dma_wait3A_348 = arith.constant 0 : i32
        %dma_wait3A_349 = tpu.memref_slice %arg6[%add3A_195, %dma_wait3A_348] : memref<80x125xi32, #tpu.memory_space<vmem>> -> memref<1x125xi32, #tpu.memory_space<vmem>>
        %dma_wait3A_350 = tpu.memref_squeeze %dma_wait3A_349 : memref<1x125xi32, #tpu.memory_space<vmem>> -> memref<125xi32, #tpu.memory_space<vmem>>
        %dma_wait3A_351 = arith.constant 0 : i32
        %dma_wait3A_352 = arith.constant 0 : i32
        %dma_wait3A_353 = tpu.memref_slice %arg18[%dma_wait3A_351, %dma_wait3A_352] : memref<10112x16xf32, #tpu.memory_space<vmem_shared>> -> memref<10112x16xf32, #tpu.memory_space<vmem_shared>>
        tpu.wait_indirect_dma semaphore(%arg30 : memref<!tpu.dma_semaphore, #tpu.memory_space<semaphore_mem>>) src(%arg8 : memref<125x16xf32, #tpu.memory_space<vmem>>) dst(%dma_wait3A_353 : memref<10112x16xf32, #tpu.memory_space<vmem_shared>>)
      } else {
      }
      %lt3A_213 = arith.constant 73 : i32
      %lt3A_214 = arith.cmpi slt, %add3A_195, %lt3A_213 : i32
      %convert_element_type3A_215 = arith.extui %lt3A_214 : i1 to i32
      %cond3A_216 = arith.constant 0 : i32
      %cond3A_217 = arith.cmpi ne, %convert_element_type3A_215, %cond3A_216 : i32
      scf.if %cond3A_217 {
        %add3A_348 = arith.constant 7 : i32
        %add3A_349 = arith.addi %add3A_195, %add3A_348 : i32
        %dma_start3A_350 = arith.constant 0 : i32
        %dma_start3A_351 = tpu.memref_slice %arg5[%add3A_349, %dma_start3A_350] : memref<80x125xi32, #tpu.memory_space<vmem>> -> memref<1x125xi32, #tpu.memory_space<vmem>>
        %dma_start3A_352 = tpu.memref_squeeze %dma_start3A_351 : memref<1x125xi32, #tpu.memory_space<vmem>> -> memref<125xi32, #tpu.memory_space<vmem>>
        %dma_start3A_353 = arith.constant 0 : i32
        %dma_start3A_354 = arith.constant 0 : i32
        %dma_start3A_355 = tpu.memref_slice %arg2[%dma_start3A_353, %dma_start3A_354] : memref<10112x16xf32, #tpu.memory_space<hbm>> -> memref<10112x16xf32, #tpu.memory_space<hbm>>
        tpu.enqueue_indirect_dma source(%dma_start3A_355 : memref<10112x16xf32, #tpu.memory_space<hbm>>) target(%arg8 : memref<125x16xf32, #tpu.memory_space<vmem>>) offsets(%dma_start3A_352 : memref<125xi32, #tpu.memory_space<vmem>>) semaphore(%arg20 : memref<!tpu.dma_semaphore, #tpu.memory_space<semaphore_mem>>)
      } else {
      }
      %mul3A_218 = arith.constant 10 : i32
      %mul3A_219 = arith.muli %add3A_91, %mul3A_218 : i32
      %add3A_220 = arith.constant 5 : i32
      %add3A_221 = arith.addi %mul3A_219, %add3A_220 : i32
      %dma_wait3A_222 = arith.constant 0 : i32
      %dma_wait3A_223 = tpu.memref_slice %arg5[%add3A_221, %dma_wait3A_222] : memref<80x125xi32, #tpu.memory_space<vmem>> -> memref<1x125xi32, #tpu.memory_space<vmem>>
      %dma_wait3A_224 = tpu.memref_squeeze %dma_wait3A_223 : memref<1x125xi32, #tpu.memory_space<vmem>> -> memref<125xi32, #tpu.memory_space<vmem>>
      %dma_wait3A_225 = arith.constant 0 : i32
      %dma_wait3A_226 = arith.constant 0 : i32
      %dma_wait3A_227 = tpu.memref_slice %arg2[%dma_wait3A_225, %dma_wait3A_226] : memref<10112x16xf32, #tpu.memory_space<hbm>> -> memref<10112x16xf32, #tpu.memory_space<hbm>>
      tpu.wait_indirect_dma semaphore(%arg24 : memref<!tpu.dma_semaphore, #tpu.memory_space<semaphore_mem>>) src(%dma_wait3A_227 : memref<10112x16xf32, #tpu.memory_space<hbm>>) dst(%arg12 : memref<125x16xf32, #tpu.memory_space<vmem>>)
      %dma_start3A_228 = arith.constant 0 : i32
      %dma_start3A_229 = tpu.memref_slice %arg6[%add3A_221, %dma_start3A_228] : memref<80x125xi32, #tpu.memory_space<vmem>> -> memref<1x125xi32, #tpu.memory_space<vmem>>
      %dma_start3A_230 = tpu.memref_squeeze %dma_start3A_229 : memref<1x125xi32, #tpu.memory_space<vmem>> -> memref<125xi32, #tpu.memory_space<vmem>>
      %dma_start3A_231 = arith.constant 0 : i32
      %dma_start3A_232 = arith.constant 0 : i32
      %dma_start3A_233 = tpu.memref_slice %arg18[%dma_start3A_231, %dma_start3A_232] : memref<10112x16xf32, #tpu.memory_space<vmem_shared>> -> memref<10112x16xf32, #tpu.memory_space<vmem_shared>>
      tpu.enqueue_indirect_dma source(%arg12 : memref<125x16xf32, #tpu.memory_space<vmem>>) target(%dma_start3A_233 : memref<10112x16xf32, #tpu.memory_space<vmem_shared>>) offsets(%dma_start3A_230 : memref<125xi32, #tpu.memory_space<vmem>>) semaphore(%arg34 : memref<!tpu.dma_semaphore, #tpu.memory_space<semaphore_mem>>) {add = true}
      %ge3A_234 = arith.constant 3 : i32
      %ge3A_235 = arith.cmpi sge, %add3A_221, %ge3A_234 : i32
      %convert_element_type3A_236 = arith.extui %ge3A_235 : i1 to i32
      %cond3A_237 = arith.constant 0 : i32
      %cond3A_238 = arith.cmpi ne, %convert_element_type3A_236, %cond3A_237 : i32
      scf.if %cond3A_238 {
        %dma_wait3A_348 = arith.constant 0 : i32
        %dma_wait3A_349 = tpu.memref_slice %arg6[%add3A_221, %dma_wait3A_348] : memref<80x125xi32, #tpu.memory_space<vmem>> -> memref<1x125xi32, #tpu.memory_space<vmem>>
        %dma_wait3A_350 = tpu.memref_squeeze %dma_wait3A_349 : memref<1x125xi32, #tpu.memory_space<vmem>> -> memref<125xi32, #tpu.memory_space<vmem>>
        %dma_wait3A_351 = arith.constant 0 : i32
        %dma_wait3A_352 = arith.constant 0 : i32
        %dma_wait3A_353 = tpu.memref_slice %arg18[%dma_wait3A_351, %dma_wait3A_352] : memref<10112x16xf32, #tpu.memory_space<vmem_shared>> -> memref<10112x16xf32, #tpu.memory_space<vmem_shared>>
        tpu.wait_indirect_dma semaphore(%arg31 : memref<!tpu.dma_semaphore, #tpu.memory_space<semaphore_mem>>) src(%arg9 : memref<125x16xf32, #tpu.memory_space<vmem>>) dst(%dma_wait3A_353 : memref<10112x16xf32, #tpu.memory_space<vmem_shared>>)
      } else {
      }
      %lt3A_239 = arith.constant 73 : i32
      %lt3A_240 = arith.cmpi slt, %add3A_221, %lt3A_239 : i32
      %convert_element_type3A_241 = arith.extui %lt3A_240 : i1 to i32
      %cond3A_242 = arith.constant 0 : i32
      %cond3A_243 = arith.cmpi ne, %convert_element_type3A_241, %cond3A_242 : i32
      scf.if %cond3A_243 {
        %add3A_348 = arith.constant 7 : i32
        %add3A_349 = arith.addi %add3A_221, %add3A_348 : i32
        %dma_start3A_350 = arith.constant 0 : i32
        %dma_start3A_351 = tpu.memref_slice %arg5[%add3A_349, %dma_start3A_350] : memref<80x125xi32, #tpu.memory_space<vmem>> -> memref<1x125xi32, #tpu.memory_space<vmem>>
        %dma_start3A_352 = tpu.memref_squeeze %dma_start3A_351 : memref<1x125xi32, #tpu.memory_space<vmem>> -> memref<125xi32, #tpu.memory_space<vmem>>
        %dma_start3A_353 = arith.constant 0 : i32
        %dma_start3A_354 = arith.constant 0 : i32
        %dma_start3A_355 = tpu.memref_slice %arg2[%dma_start3A_353, %dma_start3A_354] : memref<10112x16xf32, #tpu.memory_space<hbm>> -> memref<10112x16xf32, #tpu.memory_space<hbm>>
        tpu.enqueue_indirect_dma source(%dma_start3A_355 : memref<10112x16xf32, #tpu.memory_space<hbm>>) target(%arg9 : memref<125x16xf32, #tpu.memory_space<vmem>>) offsets(%dma_start3A_352 : memref<125xi32, #tpu.memory_space<vmem>>) semaphore(%arg21 : memref<!tpu.dma_semaphore, #tpu.memory_space<semaphore_mem>>)
      } else {
      }
      %mul3A_244 = arith.constant 10 : i32
      %mul3A_245 = arith.muli %add3A_91, %mul3A_244 : i32
      %add3A_246 = arith.constant 6 : i32
      %add3A_247 = arith.addi %mul3A_245, %add3A_246 : i32
      %dma_wait3A_248 = arith.constant 0 : i32
      %dma_wait3A_249 = tpu.memref_slice %arg5[%add3A_247, %dma_wait3A_248] : memref<80x125xi32, #tpu.memory_space<vmem>> -> memref<1x125xi32, #tpu.memory_space<vmem>>
      %dma_wait3A_250 = tpu.memref_squeeze %dma_wait3A_249 : memref<1x125xi32, #tpu.memory_space<vmem>> -> memref<125xi32, #tpu.memory_space<vmem>>
      %dma_wait3A_251 = arith.constant 0 : i32
      %dma_wait3A_252 = arith.constant 0 : i32
      %dma_wait3A_253 = tpu.memref_slice %arg2[%dma_wait3A_251, %dma_wait3A_252] : memref<10112x16xf32, #tpu.memory_space<hbm>> -> memref<10112x16xf32, #tpu.memory_space<hbm>>
      tpu.wait_indirect_dma semaphore(%arg25 : memref<!tpu.dma_semaphore, #tpu.memory_space<semaphore_mem>>) src(%dma_wait3A_253 : memref<10112x16xf32, #tpu.memory_space<hbm>>) dst(%arg13 : memref<125x16xf32, #tpu.memory_space<vmem>>)
      %dma_start3A_254 = arith.constant 0 : i32
      %dma_start3A_255 = tpu.memref_slice %arg6[%add3A_247, %dma_start3A_254] : memref<80x125xi32, #tpu.memory_space<vmem>> -> memref<1x125xi32, #tpu.memory_space<vmem>>
      %dma_start3A_256 = tpu.memref_squeeze %dma_start3A_255 : memref<1x125xi32, #tpu.memory_space<vmem>> -> memref<125xi32, #tpu.memory_space<vmem>>
      %dma_start3A_257 = arith.constant 0 : i32
      %dma_start3A_258 = arith.constant 0 : i32
      %dma_start3A_259 = tpu.memref_slice %arg18[%dma_start3A_257, %dma_start3A_258] : memref<10112x16xf32, #tpu.memory_space<vmem_shared>> -> memref<10112x16xf32, #tpu.memory_space<vmem_shared>>
      tpu.enqueue_indirect_dma source(%arg13 : memref<125x16xf32, #tpu.memory_space<vmem>>) target(%dma_start3A_259 : memref<10112x16xf32, #tpu.memory_space<vmem_shared>>) offsets(%dma_start3A_256 : memref<125xi32, #tpu.memory_space<vmem>>) semaphore(%arg35 : memref<!tpu.dma_semaphore, #tpu.memory_space<semaphore_mem>>) {add = true}
      %ge3A_260 = arith.constant 3 : i32
      %ge3A_261 = arith.cmpi sge, %add3A_247, %ge3A_260 : i32
      %convert_element_type3A_262 = arith.extui %ge3A_261 : i1 to i32
      %cond3A_263 = arith.constant 0 : i32
      %cond3A_264 = arith.cmpi ne, %convert_element_type3A_262, %cond3A_263 : i32
      scf.if %cond3A_264 {
        %dma_wait3A_348 = arith.constant 0 : i32
        %dma_wait3A_349 = tpu.memref_slice %arg6[%add3A_247, %dma_wait3A_348] : memref<80x125xi32, #tpu.memory_space<vmem>> -> memref<1x125xi32, #tpu.memory_space<vmem>>
        %dma_wait3A_350 = tpu.memref_squeeze %dma_wait3A_349 : memref<1x125xi32, #tpu.memory_space<vmem>> -> memref<125xi32, #tpu.memory_space<vmem>>
        %dma_wait3A_351 = arith.constant 0 : i32
        %dma_wait3A_352 = arith.constant 0 : i32
        %dma_wait3A_353 = tpu.memref_slice %arg18[%dma_wait3A_351, %dma_wait3A_352] : memref<10112x16xf32, #tpu.memory_space<vmem_shared>> -> memref<10112x16xf32, #tpu.memory_space<vmem_shared>>
        tpu.wait_indirect_dma semaphore(%arg32 : memref<!tpu.dma_semaphore, #tpu.memory_space<semaphore_mem>>) src(%arg10 : memref<125x16xf32, #tpu.memory_space<vmem>>) dst(%dma_wait3A_353 : memref<10112x16xf32, #tpu.memory_space<vmem_shared>>)
      } else {
      }
      %lt3A_265 = arith.constant 73 : i32
      %lt3A_266 = arith.cmpi slt, %add3A_247, %lt3A_265 : i32
      %convert_element_type3A_267 = arith.extui %lt3A_266 : i1 to i32
      %cond3A_268 = arith.constant 0 : i32
      %cond3A_269 = arith.cmpi ne, %convert_element_type3A_267, %cond3A_268 : i32
      scf.if %cond3A_269 {
        %add3A_348 = arith.constant 7 : i32
        %add3A_349 = arith.addi %add3A_247, %add3A_348 : i32
        %dma_start3A_350 = arith.constant 0 : i32
        %dma_start3A_351 = tpu.memref_slice %arg5[%add3A_349, %dma_start3A_350] : memref<80x125xi32, #tpu.memory_space<vmem>> -> memref<1x125xi32, #tpu.memory_space<vmem>>
        %dma_start3A_352 = tpu.memref_squeeze %dma_start3A_351 : memref<1x125xi32, #tpu.memory_space<vmem>> -> memref<125xi32, #tpu.memory_space<vmem>>
        %dma_start3A_353 = arith.constant 0 : i32
        %dma_start3A_354 = arith.constant 0 : i32
        %dma_start3A_355 = tpu.memref_slice %arg2[%dma_start3A_353, %dma_start3A_354] : memref<10112x16xf32, #tpu.memory_space<hbm>> -> memref<10112x16xf32, #tpu.memory_space<hbm>>
        tpu.enqueue_indirect_dma source(%dma_start3A_355 : memref<10112x16xf32, #tpu.memory_space<hbm>>) target(%arg10 : memref<125x16xf32, #tpu.memory_space<vmem>>) offsets(%dma_start3A_352 : memref<125xi32, #tpu.memory_space<vmem>>) semaphore(%arg22 : memref<!tpu.dma_semaphore, #tpu.memory_space<semaphore_mem>>)
      } else {
      }
      %mul3A_270 = arith.constant 10 : i32
      %mul3A_271 = arith.muli %add3A_91, %mul3A_270 : i32
      %add3A_272 = arith.constant 7 : i32
      %add3A_273 = arith.addi %mul3A_271, %add3A_272 : i32
      %dma_wait3A_274 = arith.constant 0 : i32
      %dma_wait3A_275 = tpu.memref_slice %arg5[%add3A_273, %dma_wait3A_274] : memref<80x125xi32, #tpu.memory_space<vmem>> -> memref<1x125xi32, #tpu.memory_space<vmem>>
      %dma_wait3A_276 = tpu.memref_squeeze %dma_wait3A_275 : memref<1x125xi32, #tpu.memory_space<vmem>> -> memref<125xi32, #tpu.memory_space<vmem>>
      %dma_wait3A_277 = arith.constant 0 : i32
      %dma_wait3A_278 = arith.constant 0 : i32
      %dma_wait3A_279 = tpu.memref_slice %arg2[%dma_wait3A_277, %dma_wait3A_278] : memref<10112x16xf32, #tpu.memory_space<hbm>> -> memref<10112x16xf32, #tpu.memory_space<hbm>>
      tpu.wait_indirect_dma semaphore(%arg26 : memref<!tpu.dma_semaphore, #tpu.memory_space<semaphore_mem>>) src(%dma_wait3A_279 : memref<10112x16xf32, #tpu.memory_space<hbm>>) dst(%arg14 : memref<125x16xf32, #tpu.memory_space<vmem>>)
      %dma_start3A_280 = arith.constant 0 : i32
      %dma_start3A_281 = tpu.memref_slice %arg6[%add3A_273, %dma_start3A_280] : memref<80x125xi32, #tpu.memory_space<vmem>> -> memref<1x125xi32, #tpu.memory_space<vmem>>
      %dma_start3A_282 = tpu.memref_squeeze %dma_start3A_281 : memref<1x125xi32, #tpu.memory_space<vmem>> -> memref<125xi32, #tpu.memory_space<vmem>>
      %dma_start3A_283 = arith.constant 0 : i32
      %dma_start3A_284 = arith.constant 0 : i32
      %dma_start3A_285 = tpu.memref_slice %arg18[%dma_start3A_283, %dma_start3A_284] : memref<10112x16xf32, #tpu.memory_space<vmem_shared>> -> memref<10112x16xf32, #tpu.memory_space<vmem_shared>>
      tpu.enqueue_indirect_dma source(%arg14 : memref<125x16xf32, #tpu.memory_space<vmem>>) target(%dma_start3A_285 : memref<10112x16xf32, #tpu.memory_space<vmem_shared>>) offsets(%dma_start3A_282 : memref<125xi32, #tpu.memory_space<vmem>>) semaphore(%arg36 : memref<!tpu.dma_semaphore, #tpu.memory_space<semaphore_mem>>) {add = true}
      %ge3A_286 = arith.constant 3 : i32
      %ge3A_287 = arith.cmpi sge, %add3A_273, %ge3A_286 : i32
      %convert_element_type3A_288 = arith.extui %ge3A_287 : i1 to i32
      %cond3A_289 = arith.constant 0 : i32
      %cond3A_290 = arith.cmpi ne, %convert_element_type3A_288, %cond3A_289 : i32
      scf.if %cond3A_290 {
        %dma_wait3A_348 = arith.constant 0 : i32
        %dma_wait3A_349 = tpu.memref_slice %arg6[%add3A_273, %dma_wait3A_348] : memref<80x125xi32, #tpu.memory_space<vmem>> -> memref<1x125xi32, #tpu.memory_space<vmem>>
        %dma_wait3A_350 = tpu.memref_squeeze %dma_wait3A_349 : memref<1x125xi32, #tpu.memory_space<vmem>> -> memref<125xi32, #tpu.memory_space<vmem>>
        %dma_wait3A_351 = arith.constant 0 : i32
        %dma_wait3A_352 = arith.constant 0 : i32
        %dma_wait3A_353 = tpu.memref_slice %arg18[%dma_wait3A_351, %dma_wait3A_352] : memref<10112x16xf32, #tpu.memory_space<vmem_shared>> -> memref<10112x16xf32, #tpu.memory_space<vmem_shared>>
        tpu.wait_indirect_dma semaphore(%arg33 : memref<!tpu.dma_semaphore, #tpu.memory_space<semaphore_mem>>) src(%arg11 : memref<125x16xf32, #tpu.memory_space<vmem>>) dst(%dma_wait3A_353 : memref<10112x16xf32, #tpu.memory_space<vmem_shared>>)
      } else {
      }
      %lt3A_291 = arith.constant 73 : i32
      %lt3A_292 = arith.cmpi slt, %add3A_273, %lt3A_291 : i32
      %convert_element_type3A_293 = arith.extui %lt3A_292 : i1 to i32
      %cond3A_294 = arith.constant 0 : i32
      %cond3A_295 = arith.cmpi ne, %convert_element_type3A_293, %cond3A_294 : i32
      scf.if %cond3A_295 {
        %add3A_348 = arith.constant 7 : i32
        %add3A_349 = arith.addi %add3A_273, %add3A_348 : i32
        %dma_start3A_350 = arith.constant 0 : i32
        %dma_start3A_351 = tpu.memref_slice %arg5[%add3A_349, %dma_start3A_350] : memref<80x125xi32, #tpu.memory_space<vmem>> -> memref<1x125xi32, #tpu.memory_space<vmem>>
        %dma_start3A_352 = tpu.memref_squeeze %dma_start3A_351 : memref<1x125xi32, #tpu.memory_space<vmem>> -> memref<125xi32, #tpu.memory_space<vmem>>
        %dma_start3A_353 = arith.constant 0 : i32
        %dma_start3A_354 = arith.constant 0 : i32
        %dma_start3A_355 = tpu.memref_slice %arg2[%dma_start3A_353, %dma_start3A_354] : memref<10112x16xf32, #tpu.memory_space<hbm>> -> memref<10112x16xf32, #tpu.memory_space<hbm>>
        tpu.enqueue_indirect_dma source(%dma_start3A_355 : memref<10112x16xf32, #tpu.memory_space<hbm>>) target(%arg11 : memref<125x16xf32, #tpu.memory_space<vmem>>) offsets(%dma_start3A_352 : memref<125xi32, #tpu.memory_space<vmem>>) semaphore(%arg23 : memref<!tpu.dma_semaphore, #tpu.memory_space<semaphore_mem>>)
      } else {
      }
      %mul3A_296 = arith.constant 10 : i32
      %mul3A_297 = arith.muli %add3A_91, %mul3A_296 : i32
      %add3A_298 = arith.constant 8 : i32
      %add3A_299 = arith.addi %mul3A_297, %add3A_298 : i32
      %dma_wait3A_300 = arith.constant 0 : i32
      %dma_wait3A_301 = tpu.memref_slice %arg5[%add3A_299, %dma_wait3A_300] : memref<80x125xi32, #tpu.memory_space<vmem>> -> memref<1x125xi32, #tpu.memory_space<vmem>>
      %dma_wait3A_302 = tpu.memref_squeeze %dma_wait3A_301 : memref<1x125xi32, #tpu.memory_space<vmem>> -> memref<125xi32, #tpu.memory_space<vmem>>
      %dma_wait3A_303 = arith.constant 0 : i32
      %dma_wait3A_304 = arith.constant 0 : i32
      %dma_wait3A_305 = tpu.memref_slice %arg2[%dma_wait3A_303, %dma_wait3A_304] : memref<10112x16xf32, #tpu.memory_space<hbm>> -> memref<10112x16xf32, #tpu.memory_space<hbm>>
      tpu.wait_indirect_dma semaphore(%arg27 : memref<!tpu.dma_semaphore, #tpu.memory_space<semaphore_mem>>) src(%dma_wait3A_305 : memref<10112x16xf32, #tpu.memory_space<hbm>>) dst(%arg15 : memref<125x16xf32, #tpu.memory_space<vmem>>)
      %dma_start3A_306 = arith.constant 0 : i32
      %dma_start3A_307 = tpu.memref_slice %arg6[%add3A_299, %dma_start3A_306] : memref<80x125xi32, #tpu.memory_space<vmem>> -> memref<1x125xi32, #tpu.memory_space<vmem>>
      %dma_start3A_308 = tpu.memref_squeeze %dma_start3A_307 : memref<1x125xi32, #tpu.memory_space<vmem>> -> memref<125xi32, #tpu.memory_space<vmem>>
      %dma_start3A_309 = arith.constant 0 : i32
      %dma_start3A_310 = arith.constant 0 : i32
      %dma_start3A_311 = tpu.memref_slice %arg18[%dma_start3A_309, %dma_start3A_310] : memref<10112x16xf32, #tpu.memory_space<vmem_shared>> -> memref<10112x16xf32, #tpu.memory_space<vmem_shared>>
      tpu.enqueue_indirect_dma source(%arg15 : memref<125x16xf32, #tpu.memory_space<vmem>>) target(%dma_start3A_311 : memref<10112x16xf32, #tpu.memory_space<vmem_shared>>) offsets(%dma_start3A_308 : memref<125xi32, #tpu.memory_space<vmem>>) semaphore(%arg37 : memref<!tpu.dma_semaphore, #tpu.memory_space<semaphore_mem>>) {add = true}
      %ge3A_312 = arith.constant 3 : i32
      %ge3A_313 = arith.cmpi sge, %add3A_299, %ge3A_312 : i32
      %convert_element_type3A_314 = arith.extui %ge3A_313 : i1 to i32
      %cond3A_315 = arith.constant 0 : i32
      %cond3A_316 = arith.cmpi ne, %convert_element_type3A_314, %cond3A_315 : i32
      scf.if %cond3A_316 {
        %dma_wait3A_348 = arith.constant 0 : i32
        %dma_wait3A_349 = tpu.memref_slice %arg6[%add3A_299, %dma_wait3A_348] : memref<80x125xi32, #tpu.memory_space<vmem>> -> memref<1x125xi32, #tpu.memory_space<vmem>>
        %dma_wait3A_350 = tpu.memref_squeeze %dma_wait3A_349 : memref<1x125xi32, #tpu.memory_space<vmem>> -> memref<125xi32, #tpu.memory_space<vmem>>
        %dma_wait3A_351 = arith.constant 0 : i32
        %dma_wait3A_352 = arith.constant 0 : i32
        %dma_wait3A_353 = tpu.memref_slice %arg18[%dma_wait3A_351, %dma_wait3A_352] : memref<10112x16xf32, #tpu.memory_space<vmem_shared>> -> memref<10112x16xf32, #tpu.memory_space<vmem_shared>>
        tpu.wait_indirect_dma semaphore(%arg34 : memref<!tpu.dma_semaphore, #tpu.memory_space<semaphore_mem>>) src(%arg12 : memref<125x16xf32, #tpu.memory_space<vmem>>) dst(%dma_wait3A_353 : memref<10112x16xf32, #tpu.memory_space<vmem_shared>>)
      } else {
      }
      %lt3A_317 = arith.constant 73 : i32
      %lt3A_318 = arith.cmpi slt, %add3A_299, %lt3A_317 : i32
      %convert_element_type3A_319 = arith.extui %lt3A_318 : i1 to i32
      %cond3A_320 = arith.constant 0 : i32
      %cond3A_321 = arith.cmpi ne, %convert_element_type3A_319, %cond3A_320 : i32
      scf.if %cond3A_321 {
        %add3A_348 = arith.constant 7 : i32
        %add3A_349 = arith.addi %add3A_299, %add3A_348 : i32
        %dma_start3A_350 = arith.constant 0 : i32
        %dma_start3A_351 = tpu.memref_slice %arg5[%add3A_349, %dma_start3A_350] : memref<80x125xi32, #tpu.memory_space<vmem>> -> memref<1x125xi32, #tpu.memory_space<vmem>>
        %dma_start3A_352 = tpu.memref_squeeze %dma_start3A_351 : memref<1x125xi32, #tpu.memory_space<vmem>> -> memref<125xi32, #tpu.memory_space<vmem>>
        %dma_start3A_353 = arith.constant 0 : i32
        %dma_start3A_354 = arith.constant 0 : i32
        %dma_start3A_355 = tpu.memref_slice %arg2[%dma_start3A_353, %dma_start3A_354] : memref<10112x16xf32, #tpu.memory_space<hbm>> -> memref<10112x16xf32, #tpu.memory_space<hbm>>
        tpu.enqueue_indirect_dma source(%dma_start3A_355 : memref<10112x16xf32, #tpu.memory_space<hbm>>) target(%arg12 : memref<125x16xf32, #tpu.memory_space<vmem>>) offsets(%dma_start3A_352 : memref<125xi32, #tpu.memory_space<vmem>>) semaphore(%arg24 : memref<!tpu.dma_semaphore, #tpu.memory_space<semaphore_mem>>)
      } else {
      }
      %mul3A_322 = arith.constant 10 : i32
      %mul3A_323 = arith.muli %add3A_91, %mul3A_322 : i32
      %add3A_324 = arith.constant 9 : i32
      %add3A_325 = arith.addi %mul3A_323, %add3A_324 : i32
      %dma_wait3A_326 = arith.constant 0 : i32
      %dma_wait3A_327 = tpu.memref_slice %arg5[%add3A_325, %dma_wait3A_326] : memref<80x125xi32, #tpu.memory_space<vmem>> -> memref<1x125xi32, #tpu.memory_space<vmem>>
      %dma_wait3A_328 = tpu.memref_squeeze %dma_wait3A_327 : memref<1x125xi32, #tpu.memory_space<vmem>> -> memref<125xi32, #tpu.memory_space<vmem>>
      %dma_wait3A_329 = arith.constant 0 : i32
      %dma_wait3A_330 = arith.constant 0 : i32
      %dma_wait3A_331 = tpu.memref_slice %arg2[%dma_wait3A_329, %dma_wait3A_330] : memref<10112x16xf32, #tpu.memory_space<hbm>> -> memref<10112x16xf32, #tpu.memory_space<hbm>>
      tpu.wait_indirect_dma semaphore(%arg28 : memref<!tpu.dma_semaphore, #tpu.memory_space<semaphore_mem>>) src(%dma_wait3A_331 : memref<10112x16xf32, #tpu.memory_space<hbm>>) dst(%arg16 : memref<125x16xf32, #tpu.memory_space<vmem>>)
      %dma_start3A_332 = arith.constant 0 : i32
      %dma_start3A_333 = tpu.memref_slice %arg6[%add3A_325, %dma_start3A_332] : memref<80x125xi32, #tpu.memory_space<vmem>> -> memref<1x125xi32, #tpu.memory_space<vmem>>
      %dma_start3A_334 = tpu.memref_squeeze %dma_start3A_333 : memref<1x125xi32, #tpu.memory_space<vmem>> -> memref<125xi32, #tpu.memory_space<vmem>>
      %dma_start3A_335 = arith.constant 0 : i32
      %dma_start3A_336 = arith.constant 0 : i32
      %dma_start3A_337 = tpu.memref_slice %arg18[%dma_start3A_335, %dma_start3A_336] : memref<10112x16xf32, #tpu.memory_space<vmem_shared>> -> memref<10112x16xf32, #tpu.memory_space<vmem_shared>>
      tpu.enqueue_indirect_dma source(%arg16 : memref<125x16xf32, #tpu.memory_space<vmem>>) target(%dma_start3A_337 : memref<10112x16xf32, #tpu.memory_space<vmem_shared>>) offsets(%dma_start3A_334 : memref<125xi32, #tpu.memory_space<vmem>>) semaphore(%arg38 : memref<!tpu.dma_semaphore, #tpu.memory_space<semaphore_mem>>) {add = true}
      %ge3A_338 = arith.constant 3 : i32
      %ge3A_339 = arith.cmpi sge, %add3A_325, %ge3A_338 : i32
      %convert_element_type3A_340 = arith.extui %ge3A_339 : i1 to i32
      %cond3A_341 = arith.constant 0 : i32
      %cond3A_342 = arith.cmpi ne, %convert_element_type3A_340, %cond3A_341 : i32
      scf.if %cond3A_342 {
        %dma_wait3A_348 = arith.constant 0 : i32
        %dma_wait3A_349 = tpu.memref_slice %arg6[%add3A_325, %dma_wait3A_348] : memref<80x125xi32, #tpu.memory_space<vmem>> -> memref<1x125xi32, #tpu.memory_space<vmem>>
        %dma_wait3A_350 = tpu.memref_squeeze %dma_wait3A_349 : memref<1x125xi32, #tpu.memory_space<vmem>> -> memref<125xi32, #tpu.memory_space<vmem>>
        %dma_wait3A_351 = arith.constant 0 : i32
        %dma_wait3A_352 = arith.constant 0 : i32
        %dma_wait3A_353 = tpu.memref_slice %arg18[%dma_wait3A_351, %dma_wait3A_352] : memref<10112x16xf32, #tpu.memory_space<vmem_shared>> -> memref<10112x16xf32, #tpu.memory_space<vmem_shared>>
        tpu.wait_indirect_dma semaphore(%arg35 : memref<!tpu.dma_semaphore, #tpu.memory_space<semaphore_mem>>) src(%arg13 : memref<125x16xf32, #tpu.memory_space<vmem>>) dst(%dma_wait3A_353 : memref<10112x16xf32, #tpu.memory_space<vmem_shared>>)
      } else {
      }
      %lt3A_343 = arith.constant 73 : i32
      %lt3A_344 = arith.cmpi slt, %add3A_325, %lt3A_343 : i32
      %convert_element_type3A_345 = arith.extui %lt3A_344 : i1 to i32
      %cond3A_346 = arith.constant 0 : i32
      %cond3A_347 = arith.cmpi ne, %convert_element_type3A_345, %cond3A_346 : i32
      scf.if %cond3A_347 {
        %add3A_348 = arith.constant 7 : i32
        %add3A_349 = arith.addi %add3A_325, %add3A_348 : i32
        %dma_start3A_350 = arith.constant 0 : i32
        %dma_start3A_351 = tpu.memref_slice %arg5[%add3A_349, %dma_start3A_350] : memref<80x125xi32, #tpu.memory_space<vmem>> -> memref<1x125xi32, #tpu.memory_space<vmem>>
        %dma_start3A_352 = tpu.memref_squeeze %dma_start3A_351 : memref<1x125xi32, #tpu.memory_space<vmem>> -> memref<125xi32, #tpu.memory_space<vmem>>
        %dma_start3A_353 = arith.constant 0 : i32
        %dma_start3A_354 = arith.constant 0 : i32
        %dma_start3A_355 = tpu.memref_slice %arg2[%dma_start3A_353, %dma_start3A_354] : memref<10112x16xf32, #tpu.memory_space<hbm>> -> memref<10112x16xf32, #tpu.memory_space<hbm>>
        tpu.enqueue_indirect_dma source(%dma_start3A_355 : memref<10112x16xf32, #tpu.memory_space<hbm>>) target(%arg13 : memref<125x16xf32, #tpu.memory_space<vmem>>) offsets(%dma_start3A_352 : memref<125xi32, #tpu.memory_space<vmem>>) semaphore(%arg25 : memref<!tpu.dma_semaphore, #tpu.memory_space<semaphore_mem>>)
      } else {
      }
    }
    %scan3A_61 = arith.constant 8 : i32
    %dma_wait3A = arith.constant 0 : i32
    %dma_wait3A_62 = arith.constant 0 : i32
    %dma_wait3A_63 = tpu.memref_slice %arg6[%dma_wait3A, %dma_wait3A_62] : memref<80x125xi32, #tpu.memory_space<vmem>> -> memref<1x125xi32, #tpu.memory_space<vmem>>
    %dma_wait3A_64 = tpu.memref_squeeze %dma_wait3A_63 : memref<1x125xi32, #tpu.memory_space<vmem>> -> memref<125xi32, #tpu.memory_space<vmem>>
    %dma_wait3A_65 = arith.constant 0 : i32
    %dma_wait3A_66 = arith.constant 0 : i32
    %dma_wait3A_67 = tpu.memref_slice %arg18[%dma_wait3A_65, %dma_wait3A_66] : memref<10112x16xf32, #tpu.memory_space<vmem_shared>> -> memref<10112x16xf32, #tpu.memory_space<vmem_shared>>
    tpu.wait_indirect_dma semaphore(%arg36 : memref<!tpu.dma_semaphore, #tpu.memory_space<semaphore_mem>>) src(%arg14 : memref<125x16xf32, #tpu.memory_space<vmem>>) dst(%dma_wait3A_67 : memref<10112x16xf32, #tpu.memory_space<vmem_shared>>)
    %dma_wait3A_68 = arith.constant 0 : i32
    %dma_wait3A_69 = arith.constant 0 : i32
    %dma_wait3A_70 = tpu.memref_slice %arg6[%dma_wait3A_68, %dma_wait3A_69] : memref<80x125xi32, #tpu.memory_space<vmem>> -> memref<1x125xi32, #tpu.memory_space<vmem>>
    %dma_wait3A_71 = tpu.memref_squeeze %dma_wait3A_70 : memref<1x125xi32, #tpu.memory_space<vmem>> -> memref<125xi32, #tpu.memory_space<vmem>>
    %dma_wait3A_72 = arith.constant 0 : i32
    %dma_wait3A_73 = arith.constant 0 : i32
    %dma_wait3A_74 = tpu.memref_slice %arg18[%dma_wait3A_72, %dma_wait3A_73] : memref<10112x16xf32, #tpu.memory_space<vmem_shared>> -> memref<10112x16xf32, #tpu.memory_space<vmem_shared>>
    tpu.wait_indirect_dma semaphore(%arg37 : memref<!tpu.dma_semaphore, #tpu.memory_space<semaphore_mem>>) src(%arg15 : memref<125x16xf32, #tpu.memory_space<vmem>>) dst(%dma_wait3A_74 : memref<10112x16xf32, #tpu.memory_space<vmem_shared>>)
    %dma_wait3A_75 = arith.constant 0 : i32
    %dma_wait3A_76 = arith.constant 0 : i32
    %dma_wait3A_77 = tpu.memref_slice %arg6[%dma_wait3A_75, %dma_wait3A_76] : memref<80x125xi32, #tpu.memory_space<vmem>> -> memref<1x125xi32, #tpu.memory_space<vmem>>
    %dma_wait3A_78 = tpu.memref_squeeze %dma_wait3A_77 : memref<1x125xi32, #tpu.memory_space<vmem>> -> memref<125xi32, #tpu.memory_space<vmem>>
    %dma_wait3A_79 = arith.constant 0 : i32
    %dma_wait3A_80 = arith.constant 0 : i32
    %dma_wait3A_81 = tpu.memref_slice %arg18[%dma_wait3A_79, %dma_wait3A_80] : memref<10112x16xf32, #tpu.memory_space<vmem_shared>> -> memref<10112x16xf32, #tpu.memory_space<vmem_shared>>
    tpu.wait_indirect_dma semaphore(%arg38 : memref<!tpu.dma_semaphore, #tpu.memory_space<semaphore_mem>>) src(%arg16 : memref<125x16xf32, #tpu.memory_space<vmem>>) dst(%dma_wait3A_81 : memref<10112x16xf32, #tpu.memory_space<vmem_shared>>)
    %barrier3A_82 = arith.constant 0 : index
    tpu.barrier barrier_id(%barrier3A_82)
    %mul3A_83 = arith.constant 632 : i32
    %mul3A_84 = arith.muli %arg1, %mul3A_83 : i32
    "tpu.region"() ({
      %run_scoped3A_87 = tpu.sem_alloc : memref<!tpu.dma_semaphore, #tpu.memory_space<semaphore_mem>>
      %dma_start3A_88 = arith.constant 0 : i32
      %dma_start3A_89 = tpu.memref_slice %arg18[%mul3A_84, %dma_start3A_88] : memref<10112x16xf32, #tpu.memory_space<vmem_shared>> -> memref<632x16xf32, #tpu.memory_space<vmem_shared>>
      %dma_start3A_90 = arith.constant 0 : i32
      %dma_start3A_91 = tpu.memref_slice %arg18[%mul3A_84, %dma_start3A_90] : memref<10112x16xf32, #tpu.memory_space<vmem_shared>> -> memref<632x16xf32, #tpu.memory_space<vmem_shared>>
      tpu.enqueue_dma source(%dma_start3A_91 : memref<632x16xf32, #tpu.memory_space<vmem_shared>>) target(%arg17 : memref<632x16xf32, #tpu.memory_space<vmem>>) target_semaphore(%run_scoped3A_87 : memref<!tpu.dma_semaphore, #tpu.memory_space<semaphore_mem>>)
      %dma_wait3A_92 = arith.constant 0 : i32
      %dma_wait3A_93 = tpu.memref_slice %arg18[%mul3A_84, %dma_wait3A_92] : memref<10112x16xf32, #tpu.memory_space<vmem_shared>> -> memref<632x16xf32, #tpu.memory_space<vmem_shared>>
      %dma_wait3A_94 = arith.constant 0 : i32
      %dma_wait3A_95 = tpu.memref_slice %arg18[%mul3A_84, %dma_wait3A_94] : memref<10112x16xf32, #tpu.memory_space<vmem_shared>> -> memref<632x16xf32, #tpu.memory_space<vmem_shared>>
      tpu.wait_dma2 semaphore(%run_scoped3A_87 : memref<!tpu.dma_semaphore, #tpu.memory_space<semaphore_mem>>) src(%dma_wait3A_95 : memref<632x16xf32, #tpu.memory_space<vmem_shared>>) dst(%arg17 : memref<632x16xf32, #tpu.memory_space<vmem>>)
      tpu.yield
    }) : () -> ()
    %mul3A_85 = arith.constant 632 : i32
    %mul3A_86 = arith.muli %arg1, %mul3A_85 : i32
    "tpu.region"() ({
      %run_scoped3A_87 = tpu.sem_alloc : memref<!tpu.dma_semaphore, #tpu.memory_space<semaphore_mem>>
      %dma_start3A_88 = arith.constant 0 : i32
      %dma_start3A_89 = tpu.memref_slice %arg4[%arg0, %mul3A_86, %dma_start3A_88] : memref<2x10112x16xf32, #tpu.memory_space<hbm>> -> memref<1x632x16xf32, #tpu.memory_space<hbm>>
      %dma_start3A_90 = tpu.memref_squeeze %dma_start3A_89 : memref<1x632x16xf32, #tpu.memory_space<hbm>> -> memref<632x16xf32, #tpu.memory_space<hbm>>
      %dma_start3A_91 = arith.constant 0 : i32
      %dma_start3A_92 = tpu.memref_slice %arg4[%arg0, %mul3A_86, %dma_start3A_91] : memref<2x10112x16xf32, #tpu.memory_space<hbm>> -> memref<1x632x16xf32, #tpu.memory_space<hbm>>
      %dma_start3A_93 = tpu.memref_squeeze %dma_start3A_92 : memref<1x632x16xf32, #tpu.memory_space<hbm>> -> memref<632x16xf32, #tpu.memory_space<hbm>>
      tpu.enqueue_dma source(%arg17 : memref<632x16xf32, #tpu.memory_space<vmem>>) target(%dma_start3A_93 : memref<632x16xf32, #tpu.memory_space<hbm>>) target_semaphore(%run_scoped3A_87 : memref<!tpu.dma_semaphore, #tpu.memory_space<semaphore_mem>>)
      %dma_wait3A_94 = arith.constant 0 : i32
      %dma_wait3A_95 = tpu.memref_slice %arg4[%arg0, %mul3A_86, %dma_wait3A_94] : memref<2x10112x16xf32, #tpu.memory_space<hbm>> -> memref<1x632x16xf32, #tpu.memory_space<hbm>>
      %dma_wait3A_96 = tpu.memref_squeeze %dma_wait3A_95 : memref<1x632x16xf32, #tpu.memory_space<hbm>> -> memref<632x16xf32, #tpu.memory_space<hbm>>
      %dma_wait3A_97 = arith.constant 0 : i32
      %dma_wait3A_98 = tpu.memref_slice %arg4[%arg0, %mul3A_86, %dma_wait3A_97] : memref<2x10112x16xf32, #tpu.memory_space<hbm>> -> memref<1x632x16xf32, #tpu.memory_space<hbm>>
      %dma_wait3A_99 = tpu.memref_squeeze %dma_wait3A_98 : memref<1x632x16xf32, #tpu.memory_space<hbm>> -> memref<632x16xf32, #tpu.memory_space<hbm>>
      tpu.wait_dma2 semaphore(%run_scoped3A_87 : memref<!tpu.dma_semaphore, #tpu.memory_space<semaphore_mem>>) src(%arg17 : memref<632x16xf32, #tpu.memory_space<vmem>>) dst(%dma_wait3A_99 : memref<632x16xf32, #tpu.memory_space<hbm>>)
      tpu.yield
    }) : () -> ()
    return
  }
}

#map = affine_map<(d0, d1) -> (0, 0, 0, 0)>
#map1 = affine_map<(d0, d1) -> (0, 0)>
module attributes {stable_mosaic.version = 14 : i64} {
  func.func @deg_kernel(%arg0: i32, %arg1: i32, %arg2: memref<2x32x80x125xi32, #tpu.memory_space<hbm>>, %arg3: memref<32x10112xf32, #tpu.memory_space<hbm>>, %arg4: memref<80x125xi32, #tpu.memory_space<vmem>>, %arg5: memref<10112xf32, #tpu.memory_space<vmem>>) attributes {dimension_semantics = [#tpu.dimension_semantics<core_parallel>, #tpu.dimension_semantics<subcore_parallel>], iteration_bounds = array<i64: 2, 16>, scalar_prefetch = 0 : i64, scratch_operands = 2 : i64, tpu.core_type = #tpu.core_type<sc_vector_subcore>, window_params = [{transform_indices = #map}, {transform_indices = #map1}]} {
    %mul3A = arith.constant 2 : i32
    %mul3A_0 = arith.muli %arg1, %mul3A : i32
    %add3A = arith.addi %mul3A_0, %arg0 : i32
    %run_scoped3A = arith.constant 1 : i32
    "tpu.region"() ({
      %run_scoped3A_15 = tpu.sem_alloc : memref<!tpu.dma_semaphore, #tpu.memory_space<semaphore_mem>>
      %dma_start3A = arith.constant 0 : i32
      %dma_start3A_16 = arith.constant 0 : i32
      %dma_start3A_17 = tpu.memref_slice %arg2[%run_scoped3A, %add3A, %dma_start3A, %dma_start3A_16] : memref<2x32x80x125xi32, #tpu.memory_space<hbm>> -> memref<1x1x80x125xi32, #tpu.memory_space<hbm>>
      %dma_start3A_18 = tpu.memref_squeeze %dma_start3A_17 : memref<1x1x80x125xi32, #tpu.memory_space<hbm>> -> memref<80x125xi32, #tpu.memory_space<hbm>>
      %dma_start3A_19 = arith.constant 0 : i32
      %dma_start3A_20 = arith.constant 0 : i32
      %dma_start3A_21 = tpu.memref_slice %arg2[%run_scoped3A, %add3A, %dma_start3A_19, %dma_start3A_20] : memref<2x32x80x125xi32, #tpu.memory_space<hbm>> -> memref<1x1x80x125xi32, #tpu.memory_space<hbm>>
      %dma_start3A_22 = tpu.memref_squeeze %dma_start3A_21 : memref<1x1x80x125xi32, #tpu.memory_space<hbm>> -> memref<80x125xi32, #tpu.memory_space<hbm>>
      tpu.enqueue_dma source(%dma_start3A_22 : memref<80x125xi32, #tpu.memory_space<hbm>>) target(%arg4 : memref<80x125xi32, #tpu.memory_space<vmem>>) target_semaphore(%run_scoped3A_15 : memref<!tpu.dma_semaphore, #tpu.memory_space<semaphore_mem>>)
      %dma_wait3A = arith.constant 0 : i32
      %dma_wait3A_23 = arith.constant 0 : i32
      %dma_wait3A_24 = tpu.memref_slice %arg2[%run_scoped3A, %add3A, %dma_wait3A, %dma_wait3A_23] : memref<2x32x80x125xi32, #tpu.memory_space<hbm>> -> memref<1x1x80x125xi32, #tpu.memory_space<hbm>>
      %dma_wait3A_25 = tpu.memref_squeeze %dma_wait3A_24 : memref<1x1x80x125xi32, #tpu.memory_space<hbm>> -> memref<80x125xi32, #tpu.memory_space<hbm>>
      %dma_wait3A_26 = arith.constant 0 : i32
      %dma_wait3A_27 = arith.constant 0 : i32
      %dma_wait3A_28 = tpu.memref_slice %arg2[%run_scoped3A, %add3A, %dma_wait3A_26, %dma_wait3A_27] : memref<2x32x80x125xi32, #tpu.memory_space<hbm>> -> memref<1x1x80x125xi32, #tpu.memory_space<hbm>>
      %dma_wait3A_29 = tpu.memref_squeeze %dma_wait3A_28 : memref<1x1x80x125xi32, #tpu.memory_space<hbm>> -> memref<80x125xi32, #tpu.memory_space<hbm>>
      tpu.wait_dma2 semaphore(%run_scoped3A_15 : memref<!tpu.dma_semaphore, #tpu.memory_space<semaphore_mem>>) src(%dma_wait3A_29 : memref<80x125xi32, #tpu.memory_space<hbm>>) dst(%arg4 : memref<80x125xi32, #tpu.memory_space<vmem>>)
      tpu.yield
    }) : () -> ()
    %broadcast_in_dim3A = arith.constant 0.000000e+00 : f32
    %broadcast_in_dim3A_1 = vector.broadcast %broadcast_in_dim3A : f32 to vector<16xf32>
    %scan3A = arith.constant 0 : i32
    %scan3A_2 = arith.constant 632 : i32
    %scan3A_3 = arith.addi %scan3A, %scan3A_2 : i32
    %scan3A_4 = arith.constant 1 : i32
    scf.for %scan3A_15 = %scan3A to %scan3A_3 step %scan3A_4  : i32 {
      %mul3A_16 = arith.constant 1 : i32
      %mul3A_17 = arith.muli %scan3A_15, %mul3A_16 : i32
      %add3A_18 = arith.constant 0 : i32
      %add3A_19 = arith.addi %add3A_18, %mul3A_17 : i32
      %mul3A_20 = arith.constant 16 : i32
      %mul3A_21 = arith.muli %add3A_19, %mul3A_20 : i32
      %swap3A = arith.index_cast %mul3A_21 : i32 to index
      %swap3A_22 = tpu.vector_load %arg5[%swap3A] {strides = array<i32>} : memref<10112xf32, #tpu.memory_space<vmem>>, vector<16xf32>,
      tpu.vector_store %arg5[%swap3A], %broadcast_in_dim3A_1 {strides = array<i32>} : memref<10112xf32, #tpu.memory_space<vmem>>, vector<16xf32>,
    }
    %scan3A_5 = arith.constant 632 : i32
    %broadcast_in_dim3A_6 = arith.constant 1.000000e+00 : f32
    %broadcast_in_dim3A_7 = vector.broadcast %broadcast_in_dim3A_6 : f32 to vector<16xf32>
    %iota3A = tpu.iota {dimensions = array<i32: 0>} : vector<16xi32>
    %ge3A = arith.constant 3 : i32
    %ge3A_8 = vector.broadcast %ge3A : i32 to vector<16xi32>
    %ge3A_9 = arith.cmpi sge, %iota3A, %ge3A_8 : vector<16xi32>
    %scan3A_10 = arith.constant 0 : i32
    %scan3A_11 = arith.constant 80 : i32
    %scan3A_12 = arith.addi %scan3A_10, %scan3A_11 : i32
    %scan3A_13 = arith.constant 1 : i32
    scf.for %scan3A_15 = %scan3A_10 to %scan3A_12 step %scan3A_13  : i32 {
      %mul3A_16 = arith.constant 1 : i32
      %mul3A_17 = arith.muli %scan3A_15, %mul3A_16 : i32
      %add3A_18 = arith.constant 0 : i32
      %add3A_19 = arith.addi %add3A_18, %mul3A_17 : i32
      %get3A = arith.index_cast %add3A_19 : i32 to index
      %get3A_20 = arith.constant 0 : index
      %get3A_21 = tpu.vector_load %arg4[%get3A, %get3A_20] {strides = array<i32>} : memref<80x125xi32, #tpu.memory_space<vmem>>, vector<16xi32>,
      tpu.vector_store_idx %arg5[%get3A_21], %broadcast_in_dim3A_7 {add = true} : memref<10112xf32, #tpu.memory_space<vmem>>[vector<16xi32>], vector<16xf32>,
      %get3A_22 = arith.index_cast %add3A_19 : i32 to index
      %get3A_23 = arith.constant 16 : index
      %get3A_24 = tpu.vector_load %arg4[%get3A_22, %get3A_23] {strides = array<i32>} : memref<80x125xi32, #tpu.memory_space<vmem>>, vector<16xi32>,
      tpu.vector_store_idx %arg5[%get3A_24], %broadcast_in_dim3A_7 {add = true} : memref<10112xf32, #tpu.memory_space<vmem>>[vector<16xi32>], vector<16xf32>,
      %get3A_25 = arith.index_cast %add3A_19 : i32 to index
      %get3A_26 = arith.constant 32 : index
      %get3A_27 = tpu.vector_load %arg4[%get3A_25, %get3A_26] {strides = array<i32>} : memref<80x125xi32, #tpu.memory_space<vmem>>, vector<16xi32>,
      tpu.vector_store_idx %arg5[%get3A_27], %broadcast_in_dim3A_7 {add = true} : memref<10112xf32, #tpu.memory_space<vmem>>[vector<16xi32>], vector<16xf32>,
      %get3A_28 = arith.index_cast %add3A_19 : i32 to index
      %get3A_29 = arith.constant 48 : index
      %get3A_30 = tpu.vector_load %arg4[%get3A_28, %get3A_29] {strides = array<i32>} : memref<80x125xi32, #tpu.memory_space<vmem>>, vector<16xi32>,
      tpu.vector_store_idx %arg5[%get3A_30], %broadcast_in_dim3A_7 {add = true} : memref<10112xf32, #tpu.memory_space<vmem>>[vector<16xi32>], vector<16xf32>,
      %get3A_31 = arith.index_cast %add3A_19 : i32 to index
      %get3A_32 = arith.constant 64 : index
      %get3A_33 = tpu.vector_load %arg4[%get3A_31, %get3A_32] {strides = array<i32>} : memref<80x125xi32, #tpu.memory_space<vmem>>, vector<16xi32>,
      tpu.vector_store_idx %arg5[%get3A_33], %broadcast_in_dim3A_7 {add = true} : memref<10112xf32, #tpu.memory_space<vmem>>[vector<16xi32>], vector<16xf32>,
      %get3A_34 = arith.index_cast %add3A_19 : i32 to index
      %get3A_35 = arith.constant 80 : index
      %get3A_36 = tpu.vector_load %arg4[%get3A_34, %get3A_35] {strides = array<i32>} : memref<80x125xi32, #tpu.memory_space<vmem>>, vector<16xi32>,
      tpu.vector_store_idx %arg5[%get3A_36], %broadcast_in_dim3A_7 {add = true} : memref<10112xf32, #tpu.memory_space<vmem>>[vector<16xi32>], vector<16xf32>,
      %get3A_37 = arith.index_cast %add3A_19 : i32 to index
      %get3A_38 = arith.constant 96 : index
      %get3A_39 = tpu.vector_load %arg4[%get3A_37, %get3A_38] {strides = array<i32>} : memref<80x125xi32, #tpu.memory_space<vmem>>, vector<16xi32>,
      tpu.vector_store_idx %arg5[%get3A_39], %broadcast_in_dim3A_7 {add = true} : memref<10112xf32, #tpu.memory_space<vmem>>[vector<16xi32>], vector<16xf32>,
      %get3A_40 = arith.index_cast %add3A_19 : i32 to index
      %get3A_41 = arith.constant 109 : index
      %get3A_42 = tpu.vector_load %arg4[%get3A_40, %get3A_41] {strides = array<i32>} : memref<80x125xi32, #tpu.memory_space<vmem>>, vector<16xi32>,
      tpu.vector_store_idx %arg5[%get3A_42], %broadcast_in_dim3A_7 masked %ge3A_9 {add = true} : memref<10112xf32, #tpu.memory_space<vmem>>[vector<16xi32>], vector<16xf32>, vector<16xi1>
    }
    %scan3A_14 = arith.constant 80 : i32
    "tpu.region"() ({
      %run_scoped3A_15 = tpu.sem_alloc : memref<!tpu.dma_semaphore, #tpu.memory_space<semaphore_mem>>
      %dma_start3A = arith.constant 0 : i32
      %dma_start3A_16 = tpu.memref_slice %arg3[%add3A, %dma_start3A] : memref<32x10112xf32, #tpu.memory_space<hbm>> -> memref<1x10112xf32, #tpu.memory_space<hbm>>
      %dma_start3A_17 = tpu.memref_squeeze %dma_start3A_16 : memref<1x10112xf32, #tpu.memory_space<hbm>> -> memref<10112xf32, #tpu.memory_space<hbm>>
      %dma_start3A_18 = arith.constant 0 : i32
      %dma_start3A_19 = tpu.memref_slice %arg3[%add3A, %dma_start3A_18] : memref<32x10112xf32, #tpu.memory_space<hbm>> -> memref<1x10112xf32, #tpu.memory_space<hbm>>
      %dma_start3A_20 = tpu.memref_squeeze %dma_start3A_19 : memref<1x10112xf32, #tpu.memory_space<hbm>> -> memref<10112xf32, #tpu.memory_space<hbm>>
      tpu.enqueue_dma source(%arg5 : memref<10112xf32, #tpu.memory_space<vmem>>) target(%dma_start3A_20 : memref<10112xf32, #tpu.memory_space<hbm>>) target_semaphore(%run_scoped3A_15 : memref<!tpu.dma_semaphore, #tpu.memory_space<semaphore_mem>>)
      %dma_wait3A = arith.constant 0 : i32
      %dma_wait3A_21 = tpu.memref_slice %arg3[%add3A, %dma_wait3A] : memref<32x10112xf32, #tpu.memory_space<hbm>> -> memref<1x10112xf32, #tpu.memory_space<hbm>>
      %dma_wait3A_22 = tpu.memref_squeeze %dma_wait3A_21 : memref<1x10112xf32, #tpu.memory_space<hbm>> -> memref<10112xf32, #tpu.memory_space<hbm>>
      %dma_wait3A_23 = arith.constant 0 : i32
      %dma_wait3A_24 = tpu.memref_slice %arg3[%add3A, %dma_wait3A_23] : memref<32x10112xf32, #tpu.memory_space<hbm>> -> memref<1x10112xf32, #tpu.memory_space<hbm>>
      %dma_wait3A_25 = tpu.memref_squeeze %dma_wait3A_24 : memref<1x10112xf32, #tpu.memory_space<hbm>> -> memref<10112xf32, #tpu.memory_space<hbm>>
      tpu.wait_dma2 semaphore(%run_scoped3A_15 : memref<!tpu.dma_semaphore, #tpu.memory_space<semaphore_mem>>) src(%arg5 : memref<10112xf32, #tpu.memory_space<vmem>>) dst(%dma_wait3A_25 : memref<10112xf32, #tpu.memory_space<hbm>>)
      tpu.yield
    }) : () -> ()
    return
  }
}

module attributes {stable_mosaic.version = 14 : i64} {
  func.func @body(%arg0: memref<1250x1024xf32, #tpu.memory_space<vmem>>, %arg1: memref<1024x128xf32, #tpu.memory_space<vmem>>, %arg2: memref<1264x128xf32, #tpu.memory_space<vmem>>) attributes {dimension_semantics = [], scalar_prefetch = 0 : i64, scratch_operands = 0 : i64, tpu.core_type = #tpu.core_type<tc>} {
    %get3A = arith.constant 0 : index
    %get3A_0 = arith.constant 0 : index
    %get3A_1 = vector.load %arg0[%get3A, %get3A_0] : memref<1250x1024xf32, #tpu.memory_space<vmem>>, vector<1250x1024xf32>
    %get3A_2 = arith.constant 0 : index
    %get3A_3 = arith.constant 0 : index
    %get3A_4 = vector.load %arg1[%get3A_2, %get3A_3] : memref<1024x128xf32, #tpu.memory_space<vmem>>, vector<1024x128xf32>
    %dot_general3A = arith.constant dense<0.000000e+00> : vector<1250x128xf32>
    %dot_general3A_5 = tpu.matmul %get3A_1, %get3A_4, %dot_general3A {dimension_numbers = #tpu.dot_dimension_numbers<[1], [0], [0], [1], [0, 0, 1, 1], [], []>, transpose_lhs_hint = false} : vector<1250x1024xf32>, vector<1024x128xf32>, vector<1250x128xf32> -> vector<1250x128xf32>
    %swap3A = arith.constant 0 : index
    %swap3A_6 = arith.constant 0 : index
    %swap3A_7 = vector.load %arg2[%swap3A, %swap3A_6] : memref<1264x128xf32, #tpu.memory_space<vmem>>, vector<1250x128xf32>
    tpu.vector_store %arg2[%swap3A, %swap3A_6], %dot_general3A_5 {strides = array<i32>} : memref<1264x128xf32, #tpu.memory_space<vmem>>, vector<1250x128xf32>,
    %broadcast_in_dim3A = arith.constant 0.000000e+00 : f32
    %broadcast_in_dim3A_8 = vector.broadcast %broadcast_in_dim3A : f32 to vector<14x128xf32>
    %swap3A_9 = arith.constant 1250 : index
    %swap3A_10 = arith.constant 0 : index
    %swap3A_11 = vector.load %arg2[%swap3A_9, %swap3A_10] : memref<1264x128xf32, #tpu.memory_space<vmem>>, vector<14x128xf32>
    tpu.vector_store %arg2[%swap3A_9, %swap3A_10], %broadcast_in_dim3A_8 {strides = array<i32>} : memref<1264x128xf32, #tpu.memory_space<vmem>>, vector<14x128xf32>,
    return
  }
}

module attributes {stable_mosaic.version = 14 : i64} {
  func.func @body(%arg0: memref<2528x128xf32, #tpu.memory_space<vmem>>, %arg1: memref<80x128xf32, #tpu.memory_space<vmem>>) attributes {dimension_semantics = [], scalar_prefetch = 0 : i64, scratch_operands = 0 : i64, tpu.core_type = #tpu.core_type<tc>} {
    %get3A = arith.constant 0 : index
    %get3A_0 = arith.constant 0 : index
    %get3A_1 = vector.load %arg0[%get3A, %get3A_0] : memref<2528x128xf32, #tpu.memory_space<vmem>>, vector<79x128xf32>
    %get3A_2 = arith.constant 79 : index
    %get3A_3 = arith.constant 0 : index
    %get3A_4 = vector.load %arg0[%get3A_2, %get3A_3] : memref<2528x128xf32, #tpu.memory_space<vmem>>, vector<79x128xf32>
    %add3A = arith.addf %get3A_1, %get3A_4 : vector<79x128xf32>
    %get3A_5 = arith.constant 158 : index
    %get3A_6 = arith.constant 0 : index
    %get3A_7 = vector.load %arg0[%get3A_5, %get3A_6] : memref<2528x128xf32, #tpu.memory_space<vmem>>, vector<79x128xf32>
    %add3A_8 = arith.addf %add3A, %get3A_7 : vector<79x128xf32>
    %get3A_9 = arith.constant 237 : index
    %get3A_10 = arith.constant 0 : index
    %get3A_11 = vector.load %arg0[%get3A_9, %get3A_10] : memref<2528x128xf32, #tpu.memory_space<vmem>>, vector<79x128xf32>
    %add3A_12 = arith.addf %add3A_8, %get3A_11 : vector<79x128xf32>
    %get3A_13 = arith.constant 316 : index
    %get3A_14 = arith.constant 0 : index
    %get3A_15 = vector.load %arg0[%get3A_13, %get3A_14] : memref<2528x128xf32, #tpu.memory_space<vmem>>, vector<79x128xf32>
    %add3A_16 = arith.addf %add3A_12, %get3A_15 : vector<79x128xf32>
    %get3A_17 = arith.constant 395 : index
    %get3A_18 = arith.constant 0 : index
    %get3A_19 = vector.load %arg0[%get3A_17, %get3A_18] : memref<2528x128xf32, #tpu.memory_space<vmem>>, vector<79x128xf32>
    %add3A_20 = arith.addf %add3A_16, %get3A_19 : vector<79x128xf32>
    %get3A_21 = arith.constant 474 : index
    %get3A_22 = arith.constant 0 : index
    %get3A_23 = vector.load %arg0[%get3A_21, %get3A_22] : memref<2528x128xf32, #tpu.memory_space<vmem>>, vector<79x128xf32>
    %add3A_24 = arith.addf %add3A_20, %get3A_23 : vector<79x128xf32>
    %get3A_25 = arith.constant 553 : index
    %get3A_26 = arith.constant 0 : index
    %get3A_27 = vector.load %arg0[%get3A_25, %get3A_26] : memref<2528x128xf32, #tpu.memory_space<vmem>>, vector<79x128xf32>
    %add3A_28 = arith.addf %add3A_24, %get3A_27 : vector<79x128xf32>
    %get3A_29 = arith.constant 632 : index
    %get3A_30 = arith.constant 0 : index
    %get3A_31 = vector.load %arg0[%get3A_29, %get3A_30] : memref<2528x128xf32, #tpu.memory_space<vmem>>, vector<79x128xf32>
    %add3A_32 = arith.addf %add3A_28, %get3A_31 : vector<79x128xf32>
    %get3A_33 = arith.constant 711 : index
    %get3A_34 = arith.constant 0 : index
    %get3A_35 = vector.load %arg0[%get3A_33, %get3A_34] : memref<2528x128xf32, #tpu.memory_space<vmem>>, vector<79x128xf32>
    %add3A_36 = arith.addf %add3A_32, %get3A_35 : vector<79x128xf32>
    %get3A_37 = arith.constant 790 : index
    %get3A_38 = arith.constant 0 : index
    %get3A_39 = vector.load %arg0[%get3A_37, %get3A_38] : memref<2528x128xf32, #tpu.memory_space<vmem>>, vector<79x128xf32>
    %add3A_40 = arith.addf %add3A_36, %get3A_39 : vector<79x128xf32>
    %get3A_41 = arith.constant 869 : index
    %get3A_42 = arith.constant 0 : index
    %get3A_43 = vector.load %arg0[%get3A_41, %get3A_42] : memref<2528x128xf32, #tpu.memory_space<vmem>>, vector<79x128xf32>
    %add3A_44 = arith.addf %add3A_40, %get3A_43 : vector<79x128xf32>
    %get3A_45 = arith.constant 948 : index
    %get3A_46 = arith.constant 0 : index
    %get3A_47 = vector.load %arg0[%get3A_45, %get3A_46] : memref<2528x128xf32, #tpu.memory_space<vmem>>, vector<79x128xf32>
    %add3A_48 = arith.addf %add3A_44, %get3A_47 : vector<79x128xf32>
    %get3A_49 = arith.constant 1027 : index
    %get3A_50 = arith.constant 0 : index
    %get3A_51 = vector.load %arg0[%get3A_49, %get3A_50] : memref<2528x128xf32, #tpu.memory_space<vmem>>, vector<79x128xf32>
    %add3A_52 = arith.addf %add3A_48, %get3A_51 : vector<79x128xf32>
    %get3A_53 = arith.constant 1106 : index
    %get3A_54 = arith.constant 0 : index
    %get3A_55 = vector.load %arg0[%get3A_53, %get3A_54] : memref<2528x128xf32, #tpu.memory_space<vmem>>, vector<79x128xf32>
    %add3A_56 = arith.addf %add3A_52, %get3A_55 : vector<79x128xf32>
    %get3A_57 = arith.constant 1185 : index
    %get3A_58 = arith.constant 0 : index
    %get3A_59 = vector.load %arg0[%get3A_57, %get3A_58] : memref<2528x128xf32, #tpu.memory_space<vmem>>, vector<79x128xf32>
    %add3A_60 = arith.addf %add3A_56, %get3A_59 : vector<79x128xf32>
    %get3A_61 = arith.constant 1264 : index
    %get3A_62 = arith.constant 0 : index
    %get3A_63 = vector.load %arg0[%get3A_61, %get3A_62] : memref<2528x128xf32, #tpu.memory_space<vmem>>, vector<79x128xf32>
    %add3A_64 = arith.addf %add3A_60, %get3A_63 : vector<79x128xf32>
    %get3A_65 = arith.constant 1343 : index
    %get3A_66 = arith.constant 0 : index
    %get3A_67 = vector.load %arg0[%get3A_65, %get3A_66] : memref<2528x128xf32, #tpu.memory_space<vmem>>, vector<79x128xf32>
    %add3A_68 = arith.addf %add3A_64, %get3A_67 : vector<79x128xf32>
    %get3A_69 = arith.constant 1422 : index
    %get3A_70 = arith.constant 0 : index
    %get3A_71 = vector.load %arg0[%get3A_69, %get3A_70] : memref<2528x128xf32, #tpu.memory_space<vmem>>, vector<79x128xf32>
    %add3A_72 = arith.addf %add3A_68, %get3A_71 : vector<79x128xf32>
    %get3A_73 = arith.constant 1501 : index
    %get3A_74 = arith.constant 0 : index
    %get3A_75 = vector.load %arg0[%get3A_73, %get3A_74] : memref<2528x128xf32, #tpu.memory_space<vmem>>, vector<79x128xf32>
    %add3A_76 = arith.addf %add3A_72, %get3A_75 : vector<79x128xf32>
    %get3A_77 = arith.constant 1580 : index
    %get3A_78 = arith.constant 0 : index
    %get3A_79 = vector.load %arg0[%get3A_77, %get3A_78] : memref<2528x128xf32, #tpu.memory_space<vmem>>, vector<79x128xf32>
    %add3A_80 = arith.addf %add3A_76, %get3A_79 : vector<79x128xf32>
    %get3A_81 = arith.constant 1659 : index
    %get3A_82 = arith.constant 0 : index
    %get3A_83 = vector.load %arg0[%get3A_81, %get3A_82] : memref<2528x128xf32, #tpu.memory_space<vmem>>, vector<79x128xf32>
    %add3A_84 = arith.addf %add3A_80, %get3A_83 : vector<79x128xf32>
    %get3A_85 = arith.constant 1738 : index
    %get3A_86 = arith.constant 0 : index
    %get3A_87 = vector.load %arg0[%get3A_85, %get3A_86] : memref<2528x128xf32, #tpu.memory_space<vmem>>, vector<79x128xf32>
    %add3A_88 = arith.addf %add3A_84, %get3A_87 : vector<79x128xf32>
    %get3A_89 = arith.constant 1817 : index
    %get3A_90 = arith.constant 0 : index
    %get3A_91 = vector.load %arg0[%get3A_89, %get3A_90] : memref<2528x128xf32, #tpu.memory_space<vmem>>, vector<79x128xf32>
    %add3A_92 = arith.addf %add3A_88, %get3A_91 : vector<79x128xf32>
    %get3A_93 = arith.constant 1896 : index
    %get3A_94 = arith.constant 0 : index
    %get3A_95 = vector.load %arg0[%get3A_93, %get3A_94] : memref<2528x128xf32, #tpu.memory_space<vmem>>, vector<79x128xf32>
    %add3A_96 = arith.addf %add3A_92, %get3A_95 : vector<79x128xf32>
    %get3A_97 = arith.constant 1975 : index
    %get3A_98 = arith.constant 0 : index
    %get3A_99 = vector.load %arg0[%get3A_97, %get3A_98] : memref<2528x128xf32, #tpu.memory_space<vmem>>, vector<79x128xf32>
    %add3A_100 = arith.addf %add3A_96, %get3A_99 : vector<79x128xf32>
    %get3A_101 = arith.constant 2054 : index
    %get3A_102 = arith.constant 0 : index
    %get3A_103 = vector.load %arg0[%get3A_101, %get3A_102] : memref<2528x128xf32, #tpu.memory_space<vmem>>, vector<79x128xf32>
    %add3A_104 = arith.addf %add3A_100, %get3A_103 : vector<79x128xf32>
    %get3A_105 = arith.constant 2133 : index
    %get3A_106 = arith.constant 0 : index
    %get3A_107 = vector.load %arg0[%get3A_105, %get3A_106] : memref<2528x128xf32, #tpu.memory_space<vmem>>, vector<79x128xf32>
    %add3A_108 = arith.addf %add3A_104, %get3A_107 : vector<79x128xf32>
    %get3A_109 = arith.constant 2212 : index
    %get3A_110 = arith.constant 0 : index
    %get3A_111 = vector.load %arg0[%get3A_109, %get3A_110] : memref<2528x128xf32, #tpu.memory_space<vmem>>, vector<79x128xf32>
    %add3A_112 = arith.addf %add3A_108, %get3A_111 : vector<79x128xf32>
    %get3A_113 = arith.constant 2291 : index
    %get3A_114 = arith.constant 0 : index
    %get3A_115 = vector.load %arg0[%get3A_113, %get3A_114] : memref<2528x128xf32, #tpu.memory_space<vmem>>, vector<79x128xf32>
    %add3A_116 = arith.addf %add3A_112, %get3A_115 : vector<79x128xf32>
    %get3A_117 = arith.constant 2370 : index
    %get3A_118 = arith.constant 0 : index
    %get3A_119 = vector.load %arg0[%get3A_117, %get3A_118] : memref<2528x128xf32, #tpu.memory_space<vmem>>, vector<79x128xf32>
    %add3A_120 = arith.addf %add3A_116, %get3A_119 : vector<79x128xf32>
    %get3A_121 = arith.constant 2449 : index
    %get3A_122 = arith.constant 0 : index
    %get3A_123 = vector.load %arg0[%get3A_121, %get3A_122] : memref<2528x128xf32, #tpu.memory_space<vmem>>, vector<79x128xf32>
    %add3A_124 = arith.addf %add3A_120, %get3A_123 : vector<79x128xf32>
    %add3A_125 = arith.constant 1.000000e+00 : f32
    %add3A_126 = vector.broadcast %add3A_125 : f32 to vector<79x128xf32>
    %add3A_127 = arith.addf %add3A_124, %add3A_126 : vector<79x128xf32>
    %rsqrt3A = math.rsqrt %add3A_127 : vector<79x128xf32>
    %swap3A = arith.constant 0 : index
    %swap3A_128 = arith.constant 0 : index
    %swap3A_129 = vector.load %arg1[%swap3A, %swap3A_128] : memref<80x128xf32, #tpu.memory_space<vmem>>, vector<79x128xf32>
    tpu.vector_store %arg1[%swap3A, %swap3A_128], %rsqrt3A {strides = array<i32>} : memref<80x128xf32, #tpu.memory_space<vmem>>, vector<79x128xf32>,
    %broadcast_in_dim3A = arith.constant 1.000000e+00 : f32
    %broadcast_in_dim3A_130 = vector.broadcast %broadcast_in_dim3A : f32 to vector<1x128xf32>
    %swap3A_131 = arith.constant 79 : index
    %swap3A_132 = arith.constant 0 : index
    %swap3A_133 = vector.load %arg1[%swap3A_131, %swap3A_132] : memref<80x128xf32, #tpu.memory_space<vmem>>, vector<1x128xf32>
    tpu.vector_store %arg1[%swap3A_131, %swap3A_132], %broadcast_in_dim3A_130 {strides = array<i32>} : memref<80x128xf32, #tpu.memory_space<vmem>>, vector<1x128xf32>,
    return
  }
}

module attributes {stable_mosaic.version = 14 : i64} {
  func.func @body(%arg0: memref<2x1264x128xf32, #tpu.memory_space<vmem>>, %arg1: memref<1264x128xf32, #tpu.memory_space<vmem>>, %arg2: memref<1264x128xf32, #tpu.memory_space<vmem>>, %arg3: memref<1x128xf32, #tpu.memory_space<vmem>>, %arg4: memref<128x128xf32, #tpu.memory_space<vmem>>, %arg5: memref<1264x128xf32, #tpu.memory_space<vmem>>) attributes {dimension_semantics = [], scalar_prefetch = 0 : i64, scratch_operands = 0 : i64, tpu.core_type = #tpu.core_type<tc>} {
    %get3A = arith.constant 0 : index
    %get3A_0 = arith.constant 0 : index
    %get3A_1 = vector.load %arg2[%get3A, %get3A_0] : memref<1264x128xf32, #tpu.memory_space<vmem>>, vector<1264x128xf32>
    %get3A_2 = arith.constant 0 : index
    %get3A_3 = arith.constant 0 : index
    %get3A_4 = arith.constant 0 : index
    %get3A_5 = vector.load %arg0[%get3A_2, %get3A_3, %get3A_4] : memref<2x1264x128xf32, #tpu.memory_space<vmem>>, vector<1x1264x128xf32>
    %get3A_6 = vector.shape_cast %get3A_5 : vector<1x1264x128xf32> to vector<1264x128xf32>
    %get3A_7 = arith.constant 1 : index
    %get3A_8 = arith.constant 0 : index
    %get3A_9 = arith.constant 0 : index
    %get3A_10 = vector.load %arg0[%get3A_7, %get3A_8, %get3A_9] : memref<2x1264x128xf32, #tpu.memory_space<vmem>>, vector<1x1264x128xf32>
    %get3A_11 = vector.shape_cast %get3A_10 : vector<1x1264x128xf32> to vector<1264x128xf32>
    %add3A = arith.addf %get3A_6, %get3A_11 : vector<1264x128xf32>
    %get3A_12 = arith.constant 0 : index
    %get3A_13 = arith.constant 0 : index
    %get3A_14 = vector.load %arg1[%get3A_12, %get3A_13] : memref<1264x128xf32, #tpu.memory_space<vmem>>, vector<1264x128xf32>
    %add3A_15 = arith.addf %add3A, %get3A_14 : vector<1264x128xf32>
    %mul3A = arith.mulf %get3A_1, %add3A_15 : vector<1264x128xf32>
    %get3A_16 = arith.constant 0 : index
    %get3A_17 = arith.constant 0 : index
    %get3A_18 = vector.load %arg3[%get3A_16, %get3A_17] : memref<1x128xf32, #tpu.memory_space<vmem>>, vector<1x128xf32>
    %add3A_19 = vector.broadcast %get3A_18 : vector<1x128xf32> to vector<1264x128xf32>
    %add3A_20 = arith.addf %mul3A, %add3A_19 : vector<1264x128xf32>
    %max3A = arith.constant 0.000000e+00 : f32
    %max3A_21 = vector.broadcast %max3A : f32 to vector<1264x128xf32>
    %max3A_22 = arith.maximumf %add3A_20, %max3A_21 : vector<1264x128xf32>
    %get3A_23 = arith.constant 0 : index
    %get3A_24 = arith.constant 0 : index
    %get3A_25 = vector.load %arg4[%get3A_23, %get3A_24] : memref<128x128xf32, #tpu.memory_space<vmem>>, vector<128x128xf32>
    %dot_general3A = arith.constant dense<0.000000e+00> : vector<1264x128xf32>
    %dot_general3A_26 = tpu.matmul %max3A_22, %get3A_25, %dot_general3A {dimension_numbers = #tpu.dot_dimension_numbers<[1], [0], [0], [1], [0, 0, 1, 1], [], []>, transpose_lhs_hint = false} : vector<1264x128xf32>, vector<128x128xf32>, vector<1264x128xf32> -> vector<1264x128xf32>
    %mul3A_27 = arith.mulf %dot_general3A_26, %get3A_1 : vector<1264x128xf32>
    %swap3A = arith.constant 0 : index
    %swap3A_28 = arith.constant 0 : index
    %swap3A_29 = vector.load %arg5[%swap3A, %swap3A_28] : memref<1264x128xf32, #tpu.memory_space<vmem>>, vector<1264x128xf32>
    tpu.vector_store %arg5[%swap3A, %swap3A_28], %mul3A_27 {strides = array<i32>} : memref<1264x128xf32, #tpu.memory_space<vmem>>, vector<1264x128xf32>,
    return
  }
}

module attributes {stable_mosaic.version = 14 : i64} {
  func.func @body(%arg0: memref<2x1264x128xf32, #tpu.memory_space<vmem>>, %arg1: memref<1264x128xf32, #tpu.memory_space<vmem>>, %arg2: memref<1264x128xf32, #tpu.memory_space<vmem>>, %arg3: memref<1x128xf32, #tpu.memory_space<vmem>>, %arg4: memref<8x128xf32, #tpu.memory_space<vmem>>, %arg5: memref<1250x128xf32, #tpu.memory_space<vmem>>) attributes {dimension_semantics = [], scalar_prefetch = 0 : i64, scratch_operands = 0 : i64, tpu.core_type = #tpu.core_type<tc>} {
    %get3A = arith.constant 0 : index
    %get3A_0 = arith.constant 0 : index
    %get3A_1 = vector.load %arg2[%get3A, %get3A_0] : memref<1264x128xf32, #tpu.memory_space<vmem>>, vector<1264x128xf32>
    %get3A_2 = arith.constant 0 : index
    %get3A_3 = arith.constant 0 : index
    %get3A_4 = arith.constant 0 : index
    %get3A_5 = vector.load %arg0[%get3A_2, %get3A_3, %get3A_4] : memref<2x1264x128xf32, #tpu.memory_space<vmem>>, vector<1x1264x128xf32>
    %get3A_6 = vector.shape_cast %get3A_5 : vector<1x1264x128xf32> to vector<1264x128xf32>
    %get3A_7 = arith.constant 1 : index
    %get3A_8 = arith.constant 0 : index
    %get3A_9 = arith.constant 0 : index
    %get3A_10 = vector.load %arg0[%get3A_7, %get3A_8, %get3A_9] : memref<2x1264x128xf32, #tpu.memory_space<vmem>>, vector<1x1264x128xf32>
    %get3A_11 = vector.shape_cast %get3A_10 : vector<1x1264x128xf32> to vector<1264x128xf32>
    %add3A = arith.addf %get3A_6, %get3A_11 : vector<1264x128xf32>
    %get3A_12 = arith.constant 0 : index
    %get3A_13 = arith.constant 0 : index
    %get3A_14 = vector.load %arg1[%get3A_12, %get3A_13] : memref<1264x128xf32, #tpu.memory_space<vmem>>, vector<1264x128xf32>
    %add3A_15 = arith.addf %add3A, %get3A_14 : vector<1264x128xf32>
    %mul3A = arith.mulf %get3A_1, %add3A_15 : vector<1264x128xf32>
    %get3A_16 = arith.constant 0 : index
    %get3A_17 = arith.constant 0 : index
    %get3A_18 = vector.load %arg3[%get3A_16, %get3A_17] : memref<1x128xf32, #tpu.memory_space<vmem>>, vector<1x128xf32>
    %add3A_19 = vector.broadcast %get3A_18 : vector<1x128xf32> to vector<1264x128xf32>
    %add3A_20 = arith.addf %mul3A, %add3A_19 : vector<1264x128xf32>
    %reduce_max3A = vector.shape_cast %add3A_20 : vector<1264x128xf32> to vector<1x1264x128xf32>
    %reduce_max3A_21 = arith.constant dense<0xFF800000> : vector<1xf32>
    %reduce_max3A_22 = vector.multi_reduction <maximumf>, %reduce_max3A, %reduce_max3A_21 [1, 2] : vector<1x1264x128xf32> to vector<1xf32>
    %reduce_max3A_23 = vector.shape_cast %reduce_max3A_22 : vector<1xf32> to vector<1x1x1xf32>
    %reduce_max3A_24 = vector.extract %reduce_max3A_23[0, 0, 0] : f32 from vector<1x1x1xf32>
    %sub3A = vector.broadcast %reduce_max3A_24 : f32 to vector<1264x128xf32>
    %sub3A_25 = arith.subf %add3A_20, %sub3A : vector<1264x128xf32>
    %exp3A = math.exp %sub3A_25 : vector<1264x128xf32>
    %get3A_26 = arith.constant 0 : index
    %get3A_27 = arith.constant 0 : index
    %get3A_28 = vector.load %arg4[%get3A_26, %get3A_27] : memref<8x128xf32, #tpu.memory_space<vmem>>, vector<8x128xf32>
    %dot_general3A = arith.constant dense<0.000000e+00> : vector<1264x8xf32>
    %dot_general3A_29 = tpu.matmul %exp3A, %get3A_28, %dot_general3A {dimension_numbers = #tpu.dot_dimension_numbers<[1], [1], [0], [0], [0, 0, 1, 0], [], []>, transpose_lhs_hint = false} : vector<1264x128xf32>, vector<8x128xf32>, vector<1264x8xf32> -> vector<1264x8xf32>
    %log3A = math.log %dot_general3A_29 : vector<1264x8xf32>
    %dot_general3A_30 = arith.constant dense<0.000000e+00> : vector<1264x128xf32>
    %dot_general3A_31 = tpu.matmul %log3A, %get3A_28, %dot_general3A_30 {dimension_numbers = #tpu.dot_dimension_numbers<[1], [0], [0], [1], [0, 0, 1, 1], [], []>, transpose_lhs_hint = false} : vector<1264x8xf32>, vector<8x128xf32>, vector<1264x128xf32> -> vector<1264x128xf32>
    %sub3A_32 = arith.subf %sub3A_25, %dot_general3A_31 : vector<1264x128xf32>
    %slice3A = vector.extract_strided_slice %sub3A_32 {offsets = [0, 0], sizes = [1250, 128], strides = [1, 1]} : vector<1264x128xf32> to vector<1250x128xf32>
    %swap3A = arith.constant 0 : index
    %swap3A_33 = arith.constant 0 : index
    %swap3A_34 = vector.load %arg5[%swap3A, %swap3A_33] : memref<1250x128xf32, #tpu.memory_space<vmem>>, vector<1250x128xf32>
    tpu.vector_store %arg5[%swap3A, %swap3A_33], %slice3A {strides = array<i32>} : memref<1250x128xf32, #tpu.memory_space<vmem>>, vector<1250x128xf32>,
    return
  }
}

</mosaic_0001>

<sc_bundles>
// kernel: kernel.12.cloned.1.call-start
scs
__scs_entry_jumppad:
0x0: {  	(pc) =	sbr.rel $0x88, $3  }
0x1: {  	(tag) =	ssettag $0x0;
	lr =	simm.s32 $0x1  }
0x2: {  	[smem:$0x3F9B] =	sst lr;
	_ =	strace $0xD0000000  }
0x3: {  	_ = 	snop  }
0x4: {  	_ = 	snop  }
0x5: {  	_ = 	snop  }
0x6: {  	_ = 	snop  }
0x7: {  	_ = 	snop  }
__scs_overlays_trampoline_lowered:
0x8: {  	[smem:$0x3FAA] =	sst s0  }
0x9: {  	[smem:$0x3FAB] =	sst s1  }
0xa: {  	[smem:$0x3FAC] =	sst s2  }
0xb: {  	[smem:$0x3FAD] =	sst s3  }
0xc: {  	[smem:$0x3FAE] =	sst s4  }
0xd: {  	[smem:$0x3FAF] =	sst s5  }
0xe: {  	[smem:$0x3FB0] =	sst s6  }
0xf: {  	[smem:$0x3FB1] =	sst s7  }
0x10: {  	[smem:$0x3FB2] =	sst s8  }
0x11: {  	[smem:$0x3FB3] =	sst s9;
	s0 =	simm.s32 @!p0 $0x0  }
0x12: {  	s1 =	sld [smem:$0x3F99];
	s0 =	simm.s32 @p0 $0x1  }
0x13: {  	[smem:$0x3FB4] =	sst s0;
	s0 =	simm.s32 @!p1 $0x0  }
0x14: {  	s2 =	sld [smem:$0x3F98];
	s0 =	simm.s32 @p1 $0x1  }
0x15: {  	[smem:$0x3FB5] =	sst s0;
	s0 =	simm.s32 @!p2 $0x0  }
0x16: {  	s3 =	sld [smem:$0x3FDB];
	s0 =	simm.s32 @p2 $0x1  }
0x17: {  	s4 =	simm.s32 $0x1BF5;
	[smem:$0x3FB7] =	sst s0  }
0x18: {  	s0 =	sld [smem:$0x3F9A];
	_ =	swait.ge [sflag:s4], $0x0  }
0x19: {  	s7 =	sld [smem:$0x3F9B]  }
0x1a: {  	s8 =	sadd.s32 $0xFFFFE003, lr  }
0x1b: {  	s9 =	sadd.s32 $0xFFFFFEF7, lr;
	s5 =	simm.s32 $0xFFFFFFFF;
	p2 =	slt.u32 s8, $0xFFFFF086  }
0x1c: {  	p1 =	slt.u32 s9, $0xF7A;
	s5 =	simm.s32 @!p2 $0x0  }
0x1d: {  	s5 =	simm.s32 @p1 $0x1;
	p0 =	seq.s32 s7, s2  }
0x1e: {  	s7 =	smul.u32 @!p0 $0xF7A, s2;
	p2 =	seq.s32 @!p0 s5, $0x0  }
0x1f: {  	s9 =	smul.u32 $0xF7A, s1;
	s8 =	simm.s32 @!p0 $0x1BF5;
	p2 =	por !p2, p0  }
0x20: {  	[sflag:s8] =	ssyncset.s32 @!p0 $0xFFFFF086;
	s6 =	sadd.s32 @!p0 s3, s7;
	s7 =	simm.s32 @!p0 $0x108  }
0x21: {  	s3 =	sadd.s32 s3, s9;
	s6 =	sadd.s32 @!p0 $0x88, s6;
	s7 =	simm.s32 @p2 $0x1082  }
0x22: {  	[simem:s7], [sflag:s8] =	dma.local @!p0 [hbm:s6], $0xF7A  }
0x23: {  	s9 =	sor.u32 $0xD0000000, s2;
	s6 =	simm.s32 $0x108;
	_ =	swait.ge @!p0 [sflag:s8], $0x0  }
0x24: {  	s3 =	sadd.s32 $0x88, s3;
	s6 =	simm.s32 @!p1 $0x1082;
	[sflag:s4] =	ssyncset.s32 $0xFFFFF086  }
0x25: {  	[simem:s6], [sflag:s4] =	dma.local [hbm:s3], $0xF7A  }
0x26: {  	[smem:$0x3F9B] =	sst s1;
	(tag) =	ssettag s2;
	_ =	strace s9  }
0x27: {  	s1 =	sld [smem:$0x3FAB]  }
0x28: {  	s2 =	sld [smem:$0x3FAC]  }
0x29: {  	s4 =	sld [smem:$0x3FAE]  }
0x2a: {  	p0 =	seq.s32 s5, $0x0;
	s5 =	sld [smem:$0x3FAF]  }
0x2b: {  	s6 =	sld [smem:$0x3FB0]  }
0x2c: {  	s7 =	sld [smem:$0x3FB1]  }
0x2d: {  	s3 =	simm.s32 $0x108;
	s8 =	sld [smem:$0x3FB2]  }
0x2e: {  	s3 =	simm.s32 @!p0 $0x1082;
	s9 =	sld [smem:$0x3FB3]  }
0x2f: {  	lr =	sadd.s32 s0, s3;
	s0 =	sld [smem:$0x3FAA]  }
0x30: {  	s3 =	sld [smem:$0x3FAD]  }
0x31: {  	[smem:$0x3FB6] =	sst s10  }
0x32: {  	s10 =	sld [smem:$0x3FB4];
	_ =	sdelay $0x3  }
0x33: {  	p0 =	seq.s32 s10, $0x1;
	s10 =	sld [smem:$0x3FB6];
	_ =	sdelay $0x3  }
0x34: {  	[smem:$0x3FB6] =	sst s10  }
0x35: {  	s10 =	sld [smem:$0x3FB5];
	_ =	sdelay $0x3  }
0x36: {  	p1 =	seq.s32 s10, $0x1;
	s10 =	sld [smem:$0x3FB6];
	_ =	sdelay $0x3  }
0x37: {  	[smem:$0x3FB6] =	sst s10  }
0x38: {  	s10 =	sld [smem:$0x3FB7]  }
0x39: {  	_ = 	snop;
	(pc) =	sbr.ind lr, $3  }
0x3a: {  	_ = 	snop  }
0x3b: {  	_ = 	snop  }
0x3c: {  	p2 =	seq.s32 s10, $0x1;
	s10 =	sld [smem:$0x3FB6]  }
0x3d: {  	_ =	shalt  }
0x3e: {  	_ =	shalt  }
0x3f: {  	_ =	shalt  }
0x40: {  	_ =	shalt  }
0x41: {  	_ =	shalt  }
0x42: {  	_ =	shalt  }
0x43: {  	_ =	shalt  }
0x44: {  	_ =	shalt  }
0x45: {  	_ =	shalt  }
0x46: {  	_ =	shalt  }
0x47: {  	_ =	shalt  }
0x48: {  	_ =	shalt  }
0x49: {  	_ =	shalt  }
0x4a: {  	_ =	shalt  }
0x4b: {  	_ =	shalt  }
0x4c: {  	_ =	shalt  }
0x4d: {  	_ =	shalt  }
0x4e: {  	_ =	shalt  }
0x4f: {  	_ =	shalt  }
0x50: {  	_ =	shalt  }
0x51: {  	_ =	shalt  }
0x52: {  	_ =	shalt  }
0x53: {  	_ =	shalt  }
0x54: {  	_ =	shalt  }
0x55: {  	_ =	shalt  }
0x56: {  	_ =	shalt  }
0x57: {  	_ =	shalt  }
0x58: {  	_ =	shalt  }
0x59: {  	_ =	shalt  }
0x5a: {  	_ =	shalt  }
0x5b: {  	_ =	shalt  }
0x5c: {  	_ =	shalt  }
0x5d: {  	_ =	shalt  }
0x5e: {  	_ =	shalt  }
0x5f: {  	_ =	shalt  }
0x60: {  	_ =	shalt  }
0x61: {  	_ =	shalt  }
0x62: {  	_ =	shalt  }
0x63: {  	_ =	shalt  }
0x64: {  	_ =	shalt  }
0x65: {  	_ =	shalt  }
0x66: {  	_ =	shalt  }
0x67: {  	_ =	shalt  }
0x68: {  	_ =	shalt  }
0x69: {  	_ =	shalt  }
0x6a: {  	_ =	shalt  }
0x6b: {  	_ =	shalt  }
0x6c: {  	_ =	shalt  }
0x6d: {  	_ =	shalt  }
0x6e: {  	_ =	shalt  }
0x6f: {  	_ =	shalt  }
0x70: {  	_ =	shalt  }
0x71: {  	_ =	shalt  }
0x72: {  	_ =	shalt  }
0x73: {  	_ =	shalt  }
0x74: {  	_ =	shalt  }
0x75: {  	_ =	shalt  }
0x76: {  	_ =	shalt  }
0x77: {  	_ =	shalt  }
0x78: {  	_ =	shalt  }
0x79: {  	_ =	shalt  }
0x7a: {  	_ =	shalt  }
0x7b: {  	_ =	shalt  }
0x7c: {  	_ =	shalt  }
0x7d: {  	_ =	shalt  }
0x7e: {  	_ =	shalt  }
0x7f: {  	_ =	shalt  }
0x80: {  	_ =	shalt  }
0x81: {  	_ =	shalt  }
0x82: {  	_ =	shalt  }
0x83: {  	_ =	shalt  }
0x84: {  	_ =	shalt  }
0x85: {  	_ =	shalt  }
0x86: {  	_ =	shalt  }
0x87: {  	_ =	shalt  }
.Lfunc_end0:
.L_simem_size_0:
called_computation.1_lowered:
.L_overlay_start_0:
0x88: {  	s2 =	sld [smem:$0x3FD9]  }
0x89: {  	s3 =	sld [smem:$0x3FFE];
	_ =	sdelay $0x1  }
0x8a: {  	s1 =	srdreg.scid  }
0x8b: {  	s0 =	sand.u32 $0x1, s1  }
0x8c: {  	s17 =	sshll.u32 s0, $0xA;
	s2 =	sadd.s32 s3, s2  }
0x8d: {  	s2 =	sadd.s32 s2, s17  }
0x8e: {  	[smem:$0x3FC2] =	sst s2  }
0x8f: {  	_ = 	snop  }
0x90: {  	s2 =	sld [smem:$0x3FD0];
	(tm) =	ssettm $0x1  }
0x91: {  	s18 =	sld [smem:$0x3FFB];
	_ =	sdelay $0x3  }
0x92: {  	_ =	strace s18  }
0x93: {  	s3 =	sld [smem:$0x3FFC];
	_ =	sdelay $0x3  }
0x94: {  	_ =	strace s3  }
0x95: {  	s3 =	sld [smem:$0x3FFD];
	_ =	sdelay $0x3  }
0x96: {  	_ =	strace s3  }
0x97: {  	_ =	strace $0x8FFFFFFF  }
0x98: {  	s19 =	sld [smem:$0x3FDB];
	_ =	sdelay $0x1  }
0x99: {  	s4 =	simm.s32 $_scs_section_size  }
0x9a: {  	s5 =	simm.s32 $_size__tile_overlayer_lowered;
	s6 =	simm.s32 $_tile_overlayer_lowered  }
0x9b: {  	s22 =	simm.s32 $0x1BFF;
	s21 =	sshll.u32 s6, $0x1;
	s3 =	sadd.s32 s4, s19  }
0x9c: {  	s7 =	simm.s32 $0x0;
	s20 =	sshll.u32 s5, $0x1;
	s5 =	sadd.s32 s21, s3  }
0x9d: {  	[timem:s7], [sflag:s22] =	dma.local [hbm:s5], s20  }
0x9e: {  	_ =	swait.ge [sflag:s22], s20  }
0x9f: {  	s4 =	ssub.s32 $0x0, s20;
	[sflag:s22] =	ssyncset.done $0x0  }
0xa0: {  	[sflag:s22] =	ssyncadd.s32 s4;
	_ =	sdelay $0x1  }
0xa1: {  	s23 =	simm.s32 $0x1B8B  }
0xa2: {  	_ =	swait.ge [sflag:s23], $0x1  }
0xa3: {  	[sflag:s23] =	ssyncset.done $0x0  }
0xa4: {  	s25 =	simm.s32 $0x1B8E;
	s24 =	sld [smem:$0x3FFE];
	[sflag:s23] =	ssyncadd.s32 $0xFFFFFFFF  }
0xa5: {  	s26 =	simm.s32 $execute0_lowered;
	[smem:$0x3FD2] =	sst s25  }
0xa6: {  	s5 =	sshll.u32 s26, $0x1;
	_ =	strace $0x80000049;
	[dreg:$0x1] =	wrdreg $0xFFFFFFFF  }
0xa7: {  	s28 =	simm.s32 $_size_execute0_lowered;
	s3 =	sadd.s32 s3, s5;
	[dreg:$0x0] =	wrdreg $0x0  }
0xa8: {  	s5 =	sshll.u32 s28, $0x1;
	[dreg:$0x2] =	wrdreg s3  }
0xa9: {  	[dreg:$0x3] =	wrdreg s5  }
0xaa: {  	[dreg:$0x4] =	wrdreg $0xC0  }
0xab: {  	_ =	task [dreg:s7], $0x5FFFF  }
0xac: {  	[dreg:$0x1] =	wrdreg $0xFFFFFFFF  }
0xad: {  	[dreg:$0x0] =	wrdreg $0x60  }
0xae: {  	[dreg:$0x2] =	wrdreg s2  }
0xaf: {  	[dreg:$0x3] =	wrdreg s24  }
0xb0: {  	[dreg:$0x4] =	wrdreg $0xC5A00  }
0xb1: {  	[dreg:$0x5] =	wrdreg $0x9  }
0xb2: {  	_ =	task.clear_ibuf [dreg:s7], $0x6FFFF;
	_ =	strace $0x90000049  }
0xb3: {  	s29 =	simm.s32 $0x9;
	_ =	strace $0x8000004B  }
0xb4: {  	_ =	swait.ge [sflag:s29], $0x1  }
0xb5: {  	[sflag:s29] =	ssyncadd.s32 $0xFFFFFFFF  }
0xb6: {  	_ =	strace $0x9000004B  }
0xb7: {  	_ =	sfence  }
0xb8: {  	s30 =	sld [smem:$0x0];
	_ =	sdelay $0x2  }
0xb9: {  	s31 =	sshll.u32 s1, $0xD;
	s1 =	sshrl.u32 s1, $0x2  }
0xba: {  	s3 =	sand.u32 $0x4000, s31;
	s1 =	sadd.s32 s1, s30  }
0xbb: {  	s0 =	sor.u32 s3, s0;
	s1 =	sshll.u32 s1, $0x11  }
0xbc: {  	s0 =	sor.u32 s1, s0  }
0xbd: {  	s0 =	sadd.s32 $0x8F2B, s0  }
0xbe: {  	[sflag:s0] =	ssyncadd.remote.s32 $0x1  }
0xbf: {  	_ =	sfence.sel $0xFFFF  }
0xc0: {  	[dreg:$0x0] =	wrdreg $0xFFFFFFFF;
	(pc) =	sbr.abs _section_cstart, $3  }
0xc1: {  	[dreg:$0x1] =	wrdreg $0xFFFFFFFF  }
0xc2: {  	_ =	task.clear_ibuf [dreg:s7], $0x2FFFF;
	_ =	strace $0x9FFFFFFF  }
0xc3: {  	(tm) =	ssettm $0x7FFFFFFF  }
tec
execute0_lowered:
.L_overlay_start_1:
0x0: {  	(tag) =	ssettag $0x1  }
0x1: {  	s1 =	rddreg [dreg:$0x0]  }
0x2: {  	s0 =	rddreg [dreg:$0x1]  }
0x3: {  	s3 =	rddreg [dreg:$0x2]  }
0x4: {  	s2 =	srdreg.scid;
	s5 =	stileid.u32;
	s7 =	simm.s32 $0x0  }
0x5: {  	s10 =	simm.s32 $0x15;
	s9 =	simm.s32 $0x9E20;
	s13 =	simm.s32 $0x7D  }
0x6: {  	s14 =	simm.s32 $0x5000;
	s16 =	simm.s32 $0x57D0;
	s20 =	simm.s32 $0x6770  }
0x7: {  	s28 =	simm.s32 $0x1;
	s29 =	simm.s32 $0x86B0;
	s30 =	simm.s32 $0x2  }
0x8: {  	s31 =	simm.s32 $0x9650;
	s11 =	simm.s32 $0x6;
	s15 =	simm.s32 $0xD  }
0x9: {  	s17 =	simm.s32 $0x8;
	s18 =	simm.s32 $0xF;
	s19 =	simm.s32 $0xA  }
0xa: {  	s21 =	simm.s32 $0x11;
	s2 =	sand.u32 $0x1, s2;
	s4 =	sshll.u32 s5, $0x1  }
0xb: {  	s5 =	smul.u32 $0x2780, s5;
	[smem:$0x7FF] =	sst s7;
	s4 =	sor.u32 s2, s4  }
0xc: {  	s6 =	smul.u32 $0x27800, s2;
	_ =	strace $0x8000004A;
	s2 =	ssub.s32 $0x2, s2  }
0xd: {  	s4 =	smul.u32 $0x2800, s4;
	s24 =	sshrl.u32 s2, $0x1;
	s8 =	sadd.s32 s5, s3  }
0xe: {  	s6 =	sadd.s32 s5, s6;
	s2 =	ssub.s32 s2, s24;
	s24 =	simm.s32 $0x7710  }
0xf: {  	s5 =	simm.s32 $0x0;
	[dreg:$0x6] =	wrdreg s8;
	s4 =	sshrl.u32 s4, $0x3  }
.Ltmp0:
0x10: {  	s26 =	smax.u32 s2, $0x1;
	s4 =	sadd.s32 s4, s0;
	(pc) =	sbr.rel .LBB2_1-.Ltmp0, $4  }
0x11: {  	s6 =	sshrl.u32 s6, $0x3;
	[dreg:$0x8] =	wrdreg s26;
	s25 =	sadd.s32 $0x2800, s4  }
0x12: {  	s0 =	sadd.s32 s6, s0;
	s4 =	sadd.s32 $0xC800, s4;
	[dreg:$0x4] =	wrdreg s25  }
0x13: {  	s2 =	simm.s32 $0xB;
	s0 =	sadd.s32 $0x16800, s0;
	[dreg:$0x5] =	wrdreg s4  }
0x14: {  	v0 =	vimm.f32 $0.0e+00;
	s26 =	simm.s32 $0x7EE0;
	[dreg:$0x7] =	wrdreg s0;
	s0 =	simm.s32 $0x4  }
.LBB2_6:
0x15: {  	s4 =	simm.s32 $0x12  }
0x16: {  	_ =	swait.ge [sflag:s4], $0x7D0  }
0x17: {  	[sflag:s4] =	ssyncset.done $0x0  }
0x18: {  	s12 =	simm.s32 $0x13;
	[sflag:s4] =	ssyncadd.s32 $0xFFFFF830  }
0x19: {  	_ =	swait.ge [sflag:s12], $0x7D0  }
0x1a: {  	[sflag:s12] =	ssyncset.done $0x0  }
0x1b: {  	s22 =	simm.s32 $0x14;
	[sflag:s12] =	ssyncadd.s32 $0xFFFFF830  }
0x1c: {  	_ =	swait.ge [sflag:s22], $0x7D0  }
0x1d: {  	[sflag:s22] =	ssyncset.done $0x0  }
0x1e: {  	[sflag:s22] =	ssyncadd.s32 $0xFFFFF830  }
0x1f: {  	[bflag:$0x0] =	sbarrier.arrive $0xFFFF  }
0x20: {  	s9 =	simm.s32 $0x9E20;
	s8 =	rddreg [dreg:$0x6]  }
0x21: {  	[tilespmem:s9], [sflag:$0x15] =	stream.linear.gather [spmem:s8], $0x2780, $0x38;
	[tilespmem:$0xED20] =	vst v63  }
0x22: {  	_ =	swait.ge [sflag:s10], $0x2780  }
0x23: {  	[sflag:s10] =	ssyncset.done $0x0  }
0x24: {  	s7 =	simm.s32 $0x0;
	s23 =	rddreg [dreg:$0x7];
	[sflag:s10] =	ssyncadd.s32 $0xFFFFD880  }
0x25: {  	[hbm4b:s23+s7] =	stream.linear.scatter [tilespmem:s9], [sflag:$0x15], $0x2780, $0x38;
	[tilespmem:$0xED20] =	vst v63  }
0x26: {  	_ =	swait.ge [sflag:s10], $0x2780  }
0x27: {  	s5 =	sadd.s32 $0x1, s5;
	s25 =	rddreg [dreg:$0x8]  }
0x28: {  	p0 =	sne.s32 s5, s25  }
.Ltmp1:
0x29: {  	_ = 	snop;
	(pc) =	sbr.rel @!p0 .LBB2_7-.Ltmp1, $3  }
0x2a: {  	_ =	sdelay $0x1  }
0x2b: {  	[sflag:s10] =	ssyncset.done $0x0  }
0x2c: {  	[sflag:s10] =	ssyncadd.s32 $0xFFFFD880  }
.LBB2_1:
0x2d: {  	s4 =	rddreg [dreg:$0x4]  }
0x2e: {  	[tilespmem:s7], [sflag:$0x15] =	stream.linear.gather [hbm4b:s4+s7], $0x2800, $0x38;
	[tilespmem:$0xED20] =	vst v63  }
0x2f: {  	_ =	swait.ge [sflag:s10], $0x2800  }
0x30: {  	[sflag:s10] =	ssyncset.done $0x0  }
0x31: {  	s6 =	simm.s32 $0x2800;
	s25 =	rddreg [dreg:$0x5];
	[sflag:s10] =	ssyncadd.s32 $0xFFFFD800  }
0x32: {  	[tilespmem:s6], [sflag:$0x15] =	stream.linear.gather [hbm4b:s25+s7], $0x2800, $0x38;
	[tilespmem:$0xED20] =	vst v63  }
0x33: {  	_ =	swait.ge [sflag:s10], $0x2800  }
0x34: {  	[sflag:s10] =	ssyncset.done $0x0  }
0x35: {  	s4 =	simm.s32 $0x40;
	s6 =	simm.s32 $0x0;
	[sflag:s10] =	ssyncadd.s32 $0xFFFFD800  }
.LBB2_2:
0x36: {  	p0 =	sne.s32 s4, $0x9DC0;
	[tilespmem:s6+$0x9E20] =	vst v0;
	s6 =	smov.u32 s4;
	s4 =	sadd.s32 $0x40, s4  }
.Ltmp2:
0x37: {  	(pc) =	sbr.rel @p0 .LBB2_2-.Ltmp2, $2  }
0x38: {  	_ =	sdelay $0x2  }
0x39: {  	s6 =	sshra.s32 s6, $0x2  }
0x3a: {  	[tilespmem:s6+$0x9E20] =	vst v0  }
0x3b: {  	[spmem:s8] =	stream.linear.scatter [tilespmem:s9], [sflag:$0x15], $0x2780, $0x38;
	[tilespmem:$0xED20] =	vst v63  }
0x3c: {  	_ =	swait.ge [sflag:s10], $0x2780  }
0x3d: {  	[sflag:s10] =	ssyncset.done $0x0  }
0x3e: {  	[sflag:s10] =	ssyncadd.s32 $0xFFFFD880  }
0x3f: {  	s6 =	simm.s32 $0x0;
	[bflag:$0x0] =	sbarrier.arrive $0xFFFF  }
0x40: {  	[tilespmem:s14], [sflag:$0x1] =	stream.indirect.gather [hbm4b:s1+s13], $0x10, s6, s13, $0xb8;
	[tilespmem:$0xED20] =	vst v63  }
0x41: {  	s4 =	simm.s32 $0x80  }
0x42: {  	[tilespmem:s16], [sflag:$0x2] =	stream.indirect.gather [hbm4b:s1+s13], $0x10, s4, s13, $0xb8;
	[tilespmem:$0xED20] =	vst v63  }
0x43: {  	s7 =	simm.s32 $0x5FA0;
	s8 =	simm.s32 $0x100  }
0x44: {  	[tilespmem:s7], [sflag:$0x3] =	stream.indirect.gather [hbm4b:s1+s13], $0x10, s8, s13, $0xb8;
	[tilespmem:$0xED20] =	vst v63  }
0x45: {  	s9 =	simm.s32 $0x180  }
0x46: {  	[tilespmem:s20], [sflag:$0x4] =	stream.indirect.gather [hbm4b:s1+s13], $0x10, s9, s13, $0xb8;
	[tilespmem:$0xED20] =	vst v63  }
0x47: {  	s12 =	simm.s32 $0x200;
	s22 =	simm.s32 $0x6F40  }
0x48: {  	[tilespmem:s22], [sflag:$0x5] =	stream.indirect.gather [hbm4b:s1+s13], $0x10, s12, s13, $0xb8;
	[tilespmem:$0xED20] =	vst v63  }
0x49: {  	s23 =	simm.s32 $0x280  }
0x4a: {  	[tilespmem:s24], [sflag:$0x6] =	stream.indirect.gather [hbm4b:s1+s13], $0x10, s23, s13, $0xb8;
	[tilespmem:$0xED20] =	vst v63  }
0x4b: {  	s25 =	simm.s32 $0x300  }
0x4c: {  	[tilespmem:s26], [sflag:$0x7] =	stream.indirect.gather [hbm4b:s1+s13], $0x10, s25, s13, $0xb8;
	[tilespmem:$0xED20] =	vst v63  }
.LBB2_4:
0x4d: {  	_ =	swait.ge [sflag:s28], $0x7D0  }
0x4e: {  	s8 =	sshra.s32 s6, $0x2;
	[sflag:s28] =	ssyncset.done $0x0  }
0x4f: {  	p0 =	seq.s32 s6, $0x0;
	s4 =	sadd.s32 $0x2800, s8;
	[sflag:s28] =	ssyncadd.s32 $0xFFFFF830  }
0x50: {  	[spmem:s3] =	stream.indirect.scatter.add.f32 [tilespmem:s14], [sflag:$0xB], $0x10, s4, s13, $0xb8;
	[tilespmem:$0xED20] =	vst v63  }
0x51: {  	s4 =	simm.s32 @!p0 $0x12  }
0x52: {  	_ =	swait.ge @!p0 [sflag:s4], $0x7D0  }
0x53: {  	[sflag:s4] =	ssyncset.done @!p0 $0x0  }
0x54: {  	s9 =	sadd.s32 $0x380, s8;
	[sflag:s4] =	ssyncadd.s32 @!p0 $0xFFFFF830  }
0x55: {  	[tilespmem:s29], [sflag:$0x8] =	stream.indirect.gather [hbm4b:s1+s13], $0x10, s9, s13, $0xb8;
	[tilespmem:$0xED20] =	vst v63  }
0x56: {  	_ =	swait.ge [sflag:s30], $0x7D0  }
0x57: {  	[sflag:s30] =	ssyncset.done $0x0  }
0x58: {  	s12 =	sadd.s32 $0x2880, s8;
	s4 =	sshra.s32 @p0 s6, $0x2;
	[sflag:s30] =	ssyncadd.s32 $0xFFFFF830  }
0x59: {  	[spmem:s3] =	stream.indirect.scatter.add.f32 [tilespmem:s16], [sflag:$0xC], $0x10, s12, s13, $0xb8;
	[tilespmem:$0xED20] =	vst v63  }
0x5a: {  	s22 =	simm.s32 @p0 $0x8E80;
	s9 =	sadd.s32 @p0 $0x400, s4;
	s12 =	simm.s32 @p0 $0x7D  }
0x5b: {  	[tilespmem:s22], [sflag:$0x9] =	stream.indirect.gather @p0 [hbm4b:s1+s12], $0x10, s9, s12, $0xb8;
	[tilespmem:$0xED20] =	vst v63  }
0x5c: {  	s9 =	simm.s32 @p0 $0x3  }
0x5d: {  	_ =	swait.ge @p0 [sflag:s9], $0x7D0  }
0x5e: {  	[sflag:s9] =	ssyncset.done @p0 $0x0  }
0x5f: {  	s4 =	sadd.s32 @p0 $0x2900, s4;
	[sflag:s9] =	ssyncadd.s32 @p0 $0xFFFFF830;
	s9 =	simm.s32 @p0 $0x5FA0  }
0x60: {  	[spmem:s3] =	stream.indirect.scatter.add.f32 @p0 [tilespmem:s9], [sflag:$0xD], $0x10, s4, s12, $0xb8;
	[tilespmem:$0xED20] =	vst v63  }
0x61: {  	s4 =	simm.s32 @!p0 $0x13  }
0x62: {  	_ =	swait.ge @!p0 [sflag:s4], $0x7D0  }
0x63: {  	[sflag:s4] =	ssyncset.done @!p0 $0x0  }
0x64: {  	[sflag:s4] =	ssyncadd.s32 @!p0 $0xFFFFF830;
	s4 =	sshra.s32 @!p0 s6, $0x2  }
0x65: {  	s22 =	simm.s32 @!p0 $0x8E80;
	s12 =	simm.s32 @!p0 $0x7D;
	s9 =	sadd.s32 @!p0 $0x400, s4  }
0x66: {  	[tilespmem:s22], [sflag:$0x9] =	stream.indirect.gather @!p0 [hbm4b:s1+s12], $0x10, s9, s12, $0xb8;
	[tilespmem:$0xED20] =	vst v63  }
0x67: {  	s9 =	simm.s32 @!p0 $0x3  }
0x68: {  	_ =	swait.ge @!p0 [sflag:s9], $0x7D0  }
0x69: {  	[sflag:s9] =	ssyncset.done @!p0 $0x0  }
0x6a: {  	s4 =	sadd.s32 @!p0 $0x2900, s4;
	[sflag:s9] =	ssyncadd.s32 @!p0 $0xFFFFF830;
	s9 =	simm.s32 @!p0 $0x5FA0  }
0x6b: {  	[spmem:s3] =	stream.indirect.scatter.add.f32 @!p0 [tilespmem:s9], [sflag:$0xD], $0x10, s4, s12, $0xb8;
	[tilespmem:$0xED20] =	vst v63  }
0x6c: {  	s4 =	simm.s32 @!p0 $0x14  }
0x6d: {  	_ =	swait.ge @!p0 [sflag:s4], $0x7D0  }
0x6e: {  	[sflag:s4] =	ssyncset.done @!p0 $0x0  }
0x6f: {  	s22 =	sadd.s32 $0x480, s8;
	[sflag:s4] =	ssyncadd.s32 @!p0 $0xFFFFF830  }
0x70: {  	[tilespmem:s31], [sflag:$0xA] =	stream.indirect.gather [hbm4b:s1+s13], $0x10, s22, s13, $0xb8;
	[tilespmem:$0xED20] =	vst v63  }
0x71: {  	_ =	swait.ge [sflag:s0], $0x7D0  }
0x72: {  	[sflag:s0] =	ssyncset.done $0x0  }
0x73: {  	s23 =	sadd.s32 $0x2980, s8;
	[sflag:s0] =	ssyncadd.s32 $0xFFFFF830  }
0x74: {  	[spmem:s3] =	stream.indirect.scatter.add.f32 [tilespmem:s20], [sflag:$0xE], $0x10, s23, s13, $0xb8;
	[tilespmem:$0xED20] =	vst v63  }
0x75: {  	_ =	swait.ge [sflag:s2], $0x7D0  }
0x76: {  	p0 =	seq.s32 s6, $0x8C00;
	[sflag:s2] =	ssyncset.done $0x0  }
0x77: {  	s4 =	simm.s32 @p0 $0x5;
	[sflag:s2] =	ssyncadd.s32 $0xFFFFF830  }
0x78: {  	_ =	swait.ge @p0 [sflag:s4], $0x7D0  }
0x79: {  	s12 =	sshra.s32 @p0 s6, $0x2;
	s22 =	simm.s32 @p0 $0x7D;
	[sflag:s4] =	ssyncset.done @p0 $0x0  }
0x7a: {  	s9 =	simm.s32 @p0 $0x6F40;
	[sflag:s4] =	ssyncadd.s32 @p0 $0xFFFFF830;
	s4 =	sadd.s32 @p0 $0x2A00, s12  }
0x7b: {  	[spmem:s3] =	stream.indirect.scatter.add.f32 @p0 [tilespmem:s9], [sflag:$0xF], $0x10, s4, s22, $0xb8;
	[tilespmem:$0xED20] =	vst v63  }
0x7c: {  	s4 =	simm.s32 @p0 $0xC  }
0x7d: {  	_ =	swait.ge @p0 [sflag:s4], $0x7D0  }
0x7e: {  	s25 =	simm.s32 @!p0 $0x5000;
	s9 =	sshra.s32 @!p0 s6, $0x2;
	[sflag:s4] =	ssyncset.done @p0 $0x0  }
0x7f: {  	s23 =	sadd.s32 @!p0 $0x500, s9;
	[sflag:s4] =	ssyncadd.s32 @p0 $0xFFFFF830;
	s4 =	simm.s32 @!p0 $0x7D  }
0x80: {  	[tilespmem:s25], [sflag:$0x1] =	stream.indirect.gather @!p0 [hbm4b:s1+s4], $0x10, s23, s4, $0xb8;
	[tilespmem:$0xED20] =	vst v63  }
0x81: {  	s23 =	simm.s32 @!p0 $0x5  }
0x82: {  	_ =	swait.ge @!p0 [sflag:s23], $0x7D0  }
0x83: {  	[sflag:s23] =	ssyncset.done @!p0 $0x0  }
0x84: {  	s25 =	sadd.s32 @!p0 $0x2A00, s9;
	[sflag:s23] =	ssyncadd.s32 @!p0 $0xFFFFF830;
	s23 =	simm.s32 @!p0 $0x6F40  }
0x85: {  	[spmem:s3] =	stream.indirect.scatter.add.f32 @!p0 [tilespmem:s23], [sflag:$0xF], $0x10, s25, s4, $0xb8;
	[tilespmem:$0xED20] =	vst v63  }
0x86: {  	s25 =	simm.s32 @!p0 $0xC  }
0x87: {  	_ =	swait.ge @!p0 [sflag:s25], $0x7D0  }
0x88: {  	[sflag:s25] =	ssyncset.done @!p0 $0x0  }
0x89: {  	s7 =	simm.s32 @!p0 $0x57D0;
	[sflag:s25] =	ssyncadd.s32 @!p0 $0xFFFFF830;
	s25 =	sadd.s32 @!p0 $0x580, s9  }
0x8a: {  	[tilespmem:s7], [sflag:$0x2] =	stream.indirect.gather @!p0 [hbm4b:s1+s4], $0x10, s25, s4, $0xb8;
	[tilespmem:$0xED20] =	vst v63  }
0x8b: {  	_ =	swait.ge [sflag:s11], $0x7D0  }
0x8c: {  	[sflag:s11] =	ssyncset.done $0x0  }
0x8d: {  	s25 =	sadd.s32 $0x2A80, s8;
	[sflag:s11] =	ssyncadd.s32 $0xFFFFF830  }
0x8e: {  	[spmem:s3] =	stream.indirect.scatter.add.f32 [tilespmem:s24], [sflag:$0x10], $0x10, s25, s13, $0xb8;
	[tilespmem:$0xED20] =	vst v63  }
0x8f: {  	_ =	swait.ge [sflag:s15], $0x7D0  }
0x90: {  	[sflag:s15] =	ssyncset.done $0x0  }
0x91: {  	s7 =	simm.s32 @p0 $0x7;
	[sflag:s15] =	ssyncadd.s32 $0xFFFFF830  }
0x92: {  	_ =	swait.ge @p0 [sflag:s7], $0x7D0  }
0x93: {  	[sflag:s7] =	ssyncset.done @p0 $0x0  }
0x94: {  	s25 =	simm.s32 @p0 $0x7EE0;
	[sflag:s7] =	ssyncadd.s32 @p0 $0xFFFFF830;
	s7 =	sadd.s32 @p0 $0x2B00, s12  }
0x95: {  	[spmem:s3] =	stream.indirect.scatter.add.f32 @p0 [tilespmem:s25], [sflag:$0x11], $0x10, s7, s22, $0xb8;
	[tilespmem:$0xED20] =	vst v63  }
0x96: {  	s7 =	simm.s32 @p0 $0xE  }
0x97: {  	_ =	swait.ge @p0 [sflag:s7], $0x7D0  }
0x98: {  	[sflag:s7] =	ssyncset.done @p0 $0x0  }
0x99: {  	s25 =	simm.s32 @!p0 $0x5FA0;
	[sflag:s7] =	ssyncadd.s32 @p0 $0xFFFFF830;
	s7 =	sadd.s32 @!p0 $0x600, s9  }
0x9a: {  	[tilespmem:s25], [sflag:$0x3] =	stream.indirect.gather @!p0 [hbm4b:s1+s4], $0x10, s7, s4, $0xb8;
	[tilespmem:$0xED20] =	vst v63  }
0x9b: {  	s7 =	simm.s32 @!p0 $0x7  }
0x9c: {  	_ =	swait.ge @!p0 [sflag:s7], $0x7D0  }
0x9d: {  	[sflag:s7] =	ssyncset.done @!p0 $0x0  }
0x9e: {  	s25 =	simm.s32 @!p0 $0x7EE0;
	[sflag:s7] =	ssyncadd.s32 @!p0 $0xFFFFF830;
	s7 =	sadd.s32 @!p0 $0x2B00, s9  }
0x9f: {  	[spmem:s3] =	stream.indirect.scatter.add.f32 @!p0 [tilespmem:s25], [sflag:$0x11], $0x10, s7, s4, $0xb8;
	[tilespmem:$0xED20] =	vst v63  }
0xa0: {  	s7 =	simm.s32 @!p0 $0xE  }
0xa1: {  	_ =	swait.ge @!p0 [sflag:s7], $0x7D0  }
0xa2: {  	[sflag:s7] =	ssyncset.done @!p0 $0x0  }
0xa3: {  	s25 =	simm.s32 @!p0 $0x6770;
	[sflag:s7] =	ssyncadd.s32 @!p0 $0xFFFFF830;
	s7 =	sadd.s32 @!p0 $0x680, s9  }
0xa4: {  	[tilespmem:s25], [sflag:$0x4] =	stream.indirect.gather @!p0 [hbm4b:s1+s4], $0x10, s7, s4, $0xb8;
	[tilespmem:$0xED20] =	vst v63  }
0xa5: {  	_ =	swait.ge [sflag:s17], $0x7D0  }
0xa6: {  	[sflag:s17] =	ssyncset.done $0x0  }
0xa7: {  	s25 =	sadd.s32 $0x2B80, s8;
	[sflag:s17] =	ssyncadd.s32 $0xFFFFF830  }
0xa8: {  	[spmem:s3] =	stream.indirect.scatter.add.f32 [tilespmem:s29], [sflag:$0x12], $0x10, s25, s13, $0xb8;
	[tilespmem:$0xED20] =	vst v63  }
0xa9: {  	_ =	swait.ge [sflag:s18], $0x7D0  }
0xaa: {  	[sflag:s18] =	ssyncset.done $0x0  }
0xab: {  	s7 =	simm.s32 @p0 $0x9;
	[sflag:s18] =	ssyncadd.s32 $0xFFFFF830  }
0xac: {  	_ =	swait.ge @p0 [sflag:s7], $0x7D0  }
0xad: {  	[sflag:s7] =	ssyncset.done @p0 $0x0  }
0xae: {  	[sflag:s7] =	ssyncadd.s32 @p0 $0xFFFFF830;
	s7 =	sadd.s32 @p0 $0x2C00, s12;
	s12 =	simm.s32 @p0 $0x8E80  }
0xaf: {  	[spmem:s3] =	stream.indirect.scatter.add.f32 @p0 [tilespmem:s12], [sflag:$0x13], $0x10, s7, s22, $0xb8;
	[tilespmem:$0xED20] =	vst v63  }
0xb0: {  	s7 =	simm.s32 @p0 $0x10  }
0xb1: {  	_ =	swait.ge @p0 [sflag:s7], $0x7D0  }
0xb2: {  	[sflag:s7] =	ssyncset.done @p0 $0x0  }
0xb3: {  	[sflag:s7] =	ssyncadd.s32 @p0 $0xFFFFF830;
	s7 =	sadd.s32 @!p0 $0x700, s9  }
0xb4: {  	[tilespmem:s23], [sflag:$0x5] =	stream.indirect.gather @!p0 [hbm4b:s1+s4], $0x10, s7, s4, $0xb8;
	[tilespmem:$0xED20] =	vst v63  }
0xb5: {  	s7 =	simm.s32 @!p0 $0x9  }
0xb6: {  	_ =	swait.ge @!p0 [sflag:s7], $0x7D0  }
0xb7: {  	[sflag:s7] =	ssyncset.done @!p0 $0x0  }
0xb8: {  	s12 =	simm.s32 @!p0 $0x8E80;
	[sflag:s7] =	ssyncadd.s32 @!p0 $0xFFFFF830;
	s7 =	sadd.s32 @!p0 $0x2C00, s9  }
0xb9: {  	[spmem:s3] =	stream.indirect.scatter.add.f32 @!p0 [tilespmem:s12], [sflag:$0x13], $0x10, s7, s4, $0xb8;
	[tilespmem:$0xED20] =	vst v63  }
0xba: {  	s7 =	simm.s32 @!p0 $0x10  }
0xbb: {  	_ =	swait.ge @!p0 [sflag:s7], $0x7D0  }
0xbc: {  	[sflag:s7] =	ssyncset.done @!p0 $0x0  }
0xbd: {  	[sflag:s7] =	ssyncadd.s32 @!p0 $0xFFFFF830;
	s7 =	sadd.s32 @!p0 $0x780, s9;
	s9 =	simm.s32 @!p0 $0x7710  }
0xbe: {  	[tilespmem:s9], [sflag:$0x6] =	stream.indirect.gather @!p0 [hbm4b:s1+s4], $0x10, s7, s4, $0xb8;
	[tilespmem:$0xED20] =	vst v63  }
0xbf: {  	_ =	swait.ge [sflag:s19], $0x7D0  }
0xc0: {  	[sflag:s19] =	ssyncset.done $0x0  }
.Ltmp3:
0xc1: {  	s25 =	sadd.s32 $0x2C80, s8;
	[sflag:s19] =	ssyncadd.s32 $0xFFFFF830;
	(pc) =	sbr.rel @p0 .LBB2_6-.Ltmp3, $4  }
0xc2: {  	[spmem:s3] =	stream.indirect.scatter.add.f32 [tilespmem:s31], [sflag:$0x14], $0x10, s25, s13, $0xb8;
	[tilespmem:$0xED20] =	vst v63  }
0xc3: {  	_ =	swait.ge [sflag:s21], $0x7D0  }
0xc4: {  	[sflag:s21] =	ssyncset.done $0x0  }
0xc5: {  	[sflag:s21] =	ssyncadd.s32 $0xFFFFF830  }
.Ltmp4:
0xc6: {  	(pc) =	sbr.rel .LBB2_4-.Ltmp4, $3  }
0xc7: {  	_ =	sdelay $0x1  }
0xc8: {  	s4 =	sadd.s32 $0x800, s8;
	s6 =	sadd.s32 $0x1400, s6  }
0xc9: {  	[tilespmem:s26], [sflag:$0x7] =	stream.indirect.gather [hbm4b:s1+s13], $0x10, s4, s13, $0xb8;
	[tilespmem:$0xED20] =	vst v63  }
.LBB2_7:
0xca: {  	_ =	sfence.sel $0x180000  }
0xcb: {  	[bflag:$0x0] =	sbarrier.arrive $0xFFFF  }
0xcc: {  	_ =	strace $0x9000004A  }
0xcd: {  	s0 =	stileid.u32;
	[bflag:$0x2] =	sbarrier.arrive $0xFFFF  }
0xce: {  	p0 =	sne.s32 s0, $0x0;
	s0 =	rddreg [dreg:$0x3]  }
0xcf: {  	s0 =	sadd.s32 @!p0 $0x100000, s0  }
0xd0: {  	[sflag:s0] =	ssyncadd.tile.s32 @!p0 $0x1;
	_ =	shalt  }
.Lfunc_end2:
_tile_overlayer_lowered:
.L_overlay_start_2:
0xd1: {  	(tag) =	ssettag $0x2  }
0xd2: {  	s0 =	rddreg [dreg:$0x0];
	s2 =	stileid.u32  }
0xd3: {  	s1 =	rddreg [dreg:$0x1];
	p0 =	sne.s32 s2, $0x0  }
0xd4: {  	s3 =	rddreg [dreg:$0x2];
	[bflag:$0x3] =	sbarrier.arrive $0xFFFF;
	s2 =	simm.s32 @!p0 $0x1C15  }
0xd5: {  	[timem:s3], [sflag:s2] =	dma.local @!p0 [hbm:s0], s1  }
0xd6: {  	s0 =	simm.s32 @!p0 $0x15  }
0xd7: {  	_ =	swait.ge @!p0 [sflag:s0], s1  }
0xd8: {  	s1 =	ssub.s32 @!p0 $0x0, s1;
	[sflag:s0] =	ssyncset.done @!p0 $0x0  }
0xd9: {  	[sflag:s0] =	ssyncadd.s32 @!p0 s1  }
0xda: {  	[bflag:$0x3] =	sbarrier.arrive $0xFFFF  }
0xdb: {  	_ =	shalt  }

// kernel: kernel.15.cloned.1.call-start
scs
__scs_entry_jumppad:
0x0: {  	(pc) =	sbr.rel $0x88, $3  }
0x1: {  	(tag) =	ssettag $0x0;
	lr =	simm.s32 $0x1  }
0x2: {  	[smem:$0x3F9B] =	sst lr;
	_ =	strace $0xD0000000  }
0x3: {  	_ = 	snop  }
0x4: {  	_ = 	snop  }
0x5: {  	_ = 	snop  }
0x6: {  	_ = 	snop  }
0x7: {  	_ = 	snop  }
__scs_overlays_trampoline_lowered:
0x8: {  	[smem:$0x3FAA] =	sst s0  }
0x9: {  	[smem:$0x3FAB] =	sst s1  }
0xa: {  	[smem:$0x3FAC] =	sst s2  }
0xb: {  	[smem:$0x3FAD] =	sst s3  }
0xc: {  	[smem:$0x3FAE] =	sst s4  }
0xd: {  	[smem:$0x3FAF] =	sst s5  }
0xe: {  	[smem:$0x3FB0] =	sst s6  }
0xf: {  	[smem:$0x3FB1] =	sst s7  }
0x10: {  	[smem:$0x3FB2] =	sst s8  }
0x11: {  	[smem:$0x3FB3] =	sst s9;
	s0 =	simm.s32 @!p0 $0x0  }
0x12: {  	s1 =	sld [smem:$0x3F99];
	s0 =	simm.s32 @p0 $0x1  }
0x13: {  	[smem:$0x3FB4] =	sst s0;
	s0 =	simm.s32 @!p1 $0x0  }
0x14: {  	s2 =	sld [smem:$0x3F98];
	s0 =	simm.s32 @p1 $0x1  }
0x15: {  	[smem:$0x3FB5] =	sst s0;
	s0 =	simm.s32 @!p2 $0x0  }
0x16: {  	s3 =	sld [smem:$0x3FDB];
	s0 =	simm.s32 @p2 $0x1  }
0x17: {  	s4 =	simm.s32 $0x1BF5;
	[smem:$0x3FB7] =	sst s0  }
0x18: {  	s0 =	sld [smem:$0x3F9A];
	_ =	swait.ge [sflag:s4], $0x0  }
0x19: {  	s7 =	sld [smem:$0x3F9B]  }
0x1a: {  	s8 =	sadd.s32 $0xFFFFE003, lr  }
0x1b: {  	s9 =	sadd.s32 $0xFFFFFEF7, lr;
	s5 =	simm.s32 $0xFFFFFFFF;
	p2 =	slt.u32 s8, $0xFFFFF086  }
0x1c: {  	p1 =	slt.u32 s9, $0xF7A;
	s5 =	simm.s32 @!p2 $0x0  }
0x1d: {  	s5 =	simm.s32 @p1 $0x1;
	p0 =	seq.s32 s7, s2  }
0x1e: {  	s7 =	smul.u32 @!p0 $0xF7A, s2;
	p2 =	seq.s32 @!p0 s5, $0x0  }
0x1f: {  	s9 =	smul.u32 $0xF7A, s1;
	s8 =	simm.s32 @!p0 $0x1BF5;
	p2 =	por !p2, p0  }
0x20: {  	[sflag:s8] =	ssyncset.s32 @!p0 $0xFFFFF086;
	s6 =	sadd.s32 @!p0 s3, s7;
	s7 =	simm.s32 @!p0 $0x108  }
0x21: {  	s3 =	sadd.s32 s3, s9;
	s6 =	sadd.s32 @!p0 $0x88, s6;
	s7 =	simm.s32 @p2 $0x1082  }
0x22: {  	[simem:s7], [sflag:s8] =	dma.local @!p0 [hbm:s6], $0xF7A  }
0x23: {  	s9 =	sor.u32 $0xD0000000, s2;
	s6 =	simm.s32 $0x108;
	_ =	swait.ge @!p0 [sflag:s8], $0x0  }
0x24: {  	s3 =	sadd.s32 $0x88, s3;
	s6 =	simm.s32 @!p1 $0x1082;
	[sflag:s4] =	ssyncset.s32 $0xFFFFF086  }
0x25: {  	[simem:s6], [sflag:s4] =	dma.local [hbm:s3], $0xF7A  }
0x26: {  	[smem:$0x3F9B] =	sst s1;
	(tag) =	ssettag s2;
	_ =	strace s9  }
0x27: {  	s1 =	sld [smem:$0x3FAB]  }
0x28: {  	s2 =	sld [smem:$0x3FAC]  }
0x29: {  	s4 =	sld [smem:$0x3FAE]  }
0x2a: {  	p0 =	seq.s32 s5, $0x0;
	s5 =	sld [smem:$0x3FAF]  }
0x2b: {  	s6 =	sld [smem:$0x3FB0]  }
0x2c: {  	s7 =	sld [smem:$0x3FB1]  }
0x2d: {  	s3 =	simm.s32 $0x108;
	s8 =	sld [smem:$0x3FB2]  }
0x2e: {  	s3 =	simm.s32 @!p0 $0x1082;
	s9 =	sld [smem:$0x3FB3]  }
0x2f: {  	lr =	sadd.s32 s0, s3;
	s0 =	sld [smem:$0x3FAA]  }
0x30: {  	s3 =	sld [smem:$0x3FAD]  }
0x31: {  	[smem:$0x3FB6] =	sst s10  }
0x32: {  	s10 =	sld [smem:$0x3FB4];
	_ =	sdelay $0x3  }
0x33: {  	p0 =	seq.s32 s10, $0x1;
	s10 =	sld [smem:$0x3FB6];
	_ =	sdelay $0x3  }
0x34: {  	[smem:$0x3FB6] =	sst s10  }
0x35: {  	s10 =	sld [smem:$0x3FB5];
	_ =	sdelay $0x3  }
0x36: {  	p1 =	seq.s32 s10, $0x1;
	s10 =	sld [smem:$0x3FB6];
	_ =	sdelay $0x3  }
0x37: {  	[smem:$0x3FB6] =	sst s10  }
0x38: {  	s10 =	sld [smem:$0x3FB7]  }
0x39: {  	_ = 	snop;
	(pc) =	sbr.ind lr, $3  }
0x3a: {  	_ = 	snop  }
0x3b: {  	_ = 	snop  }
0x3c: {  	p2 =	seq.s32 s10, $0x1;
	s10 =	sld [smem:$0x3FB6]  }
0x3d: {  	_ =	shalt  }
0x3e: {  	_ =	shalt  }
0x3f: {  	_ =	shalt  }
0x40: {  	_ =	shalt  }
0x41: {  	_ =	shalt  }
0x42: {  	_ =	shalt  }
0x43: {  	_ =	shalt  }
0x44: {  	_ =	shalt  }
0x45: {  	_ =	shalt  }
0x46: {  	_ =	shalt  }
0x47: {  	_ =	shalt  }
0x48: {  	_ =	shalt  }
0x49: {  	_ =	shalt  }
0x4a: {  	_ =	shalt  }
0x4b: {  	_ =	shalt  }
0x4c: {  	_ =	shalt  }
0x4d: {  	_ =	shalt  }
0x4e: {  	_ =	shalt  }
0x4f: {  	_ =	shalt  }
0x50: {  	_ =	shalt  }
0x51: {  	_ =	shalt  }
0x52: {  	_ =	shalt  }
0x53: {  	_ =	shalt  }
0x54: {  	_ =	shalt  }
0x55: {  	_ =	shalt  }
0x56: {  	_ =	shalt  }
0x57: {  	_ =	shalt  }
0x58: {  	_ =	shalt  }
0x59: {  	_ =	shalt  }
0x5a: {  	_ =	shalt  }
0x5b: {  	_ =	shalt  }
0x5c: {  	_ =	shalt  }
0x5d: {  	_ =	shalt  }
0x5e: {  	_ =	shalt  }
0x5f: {  	_ =	shalt  }
0x60: {  	_ =	shalt  }
0x61: {  	_ =	shalt  }
0x62: {  	_ =	shalt  }
0x63: {  	_ =	shalt  }
0x64: {  	_ =	shalt  }
0x65: {  	_ =	shalt  }
0x66: {  	_ =	shalt  }
0x67: {  	_ =	shalt  }
0x68: {  	_ =	shalt  }
0x69: {  	_ =	shalt  }
0x6a: {  	_ =	shalt  }
0x6b: {  	_ =	shalt  }
0x6c: {  	_ =	shalt  }
0x6d: {  	_ =	shalt  }
0x6e: {  	_ =	shalt  }
0x6f: {  	_ =	shalt  }
0x70: {  	_ =	shalt  }
0x71: {  	_ =	shalt  }
0x72: {  	_ =	shalt  }
0x73: {  	_ =	shalt  }
0x74: {  	_ =	shalt  }
0x75: {  	_ =	shalt  }
0x76: {  	_ =	shalt  }
0x77: {  	_ =	shalt  }
0x78: {  	_ =	shalt  }
0x79: {  	_ =	shalt  }
0x7a: {  	_ =	shalt  }
0x7b: {  	_ =	shalt  }
0x7c: {  	_ =	shalt  }
0x7d: {  	_ =	shalt  }
0x7e: {  	_ =	shalt  }
0x7f: {  	_ =	shalt  }
0x80: {  	_ =	shalt  }
0x81: {  	_ =	shalt  }
0x82: {  	_ =	shalt  }
0x83: {  	_ =	shalt  }
0x84: {  	_ =	shalt  }
0x85: {  	_ =	shalt  }
0x86: {  	_ =	shalt  }
0x87: {  	_ =	shalt  }
.Lfunc_end0:
.L_simem_size_0:
called_computation.2_lowered:
.L_overlay_start_0:
0x88: {  	s2 =	sld [smem:$0x3FD9]  }
0x89: {  	s3 =	sld [smem:$0x3FFE];
	_ =	sdelay $0x1  }
0x8a: {  	s1 =	srdreg.scid  }
0x8b: {  	s0 =	sand.u32 $0x1, s1  }
0x8c: {  	s17 =	sshll.u32 s0, $0xA;
	s2 =	sadd.s32 s3, s2  }
0x8d: {  	s2 =	sadd.s32 s2, s17  }
0x8e: {  	[smem:$0x3FC2] =	sst s2  }
0x8f: {  	_ = 	snop  }
0x90: {  	s2 =	sld [smem:$0x3FD0];
	(tm) =	ssettm $0x1  }
0x91: {  	s18 =	sld [smem:$0x3FFB];
	_ =	sdelay $0x3  }
0x92: {  	_ =	strace s18  }
0x93: {  	s3 =	sld [smem:$0x3FFC];
	_ =	sdelay $0x3  }
0x94: {  	_ =	strace s3  }
0x95: {  	s3 =	sld [smem:$0x3FFD];
	_ =	sdelay $0x3  }
0x96: {  	_ =	strace s3  }
0x97: {  	_ =	strace $0x8FFFFFFF  }
0x98: {  	s19 =	sld [smem:$0x3FDB];
	_ =	sdelay $0x1  }
0x99: {  	s4 =	simm.s32 $_scs_section_size  }
0x9a: {  	s5 =	simm.s32 $_size__tile_overlayer_lowered;
	s6 =	simm.s32 $_tile_overlayer_lowered  }
0x9b: {  	s22 =	simm.s32 $0x1BFF;
	s21 =	sshll.u32 s6, $0x1;
	s3 =	sadd.s32 s4, s19  }
0x9c: {  	s7 =	simm.s32 $0x0;
	s20 =	sshll.u32 s5, $0x1;
	s5 =	sadd.s32 s21, s3  }
0x9d: {  	[timem:s7], [sflag:s22] =	dma.local [hbm:s5], s20  }
0x9e: {  	_ =	swait.ge [sflag:s22], s20  }
0x9f: {  	s4 =	ssub.s32 $0x0, s20;
	[sflag:s22] =	ssyncset.done $0x0  }
0xa0: {  	[sflag:s22] =	ssyncadd.s32 s4;
	_ =	sdelay $0x1  }
0xa1: {  	s23 =	simm.s32 $0x1B8B  }
0xa2: {  	_ =	swait.ge [sflag:s23], $0x1  }
0xa3: {  	[sflag:s23] =	ssyncset.done $0x0  }
0xa4: {  	s25 =	simm.s32 $0x1B8E;
	s24 =	sld [smem:$0x3FFE];
	[sflag:s23] =	ssyncadd.s32 $0xFFFFFFFF  }
0xa5: {  	s26 =	simm.s32 $execute0_lowered;
	[smem:$0x3FD2] =	sst s25  }
0xa6: {  	s5 =	sshll.u32 s26, $0x1;
	_ =	strace $0x8000004C;
	[dreg:$0x1] =	wrdreg $0xFFFFFFFF  }
0xa7: {  	s28 =	simm.s32 $_size_execute0_lowered;
	s3 =	sadd.s32 s3, s5;
	[dreg:$0x0] =	wrdreg $0x0  }
0xa8: {  	s5 =	sshll.u32 s28, $0x1;
	[dreg:$0x2] =	wrdreg s3  }
0xa9: {  	[dreg:$0x3] =	wrdreg s5  }
0xaa: {  	[dreg:$0x4] =	wrdreg $0xC0  }
0xab: {  	_ =	task [dreg:s7], $0x5FFFF  }
0xac: {  	[dreg:$0x1] =	wrdreg $0xFFFFFFFF  }
0xad: {  	[dreg:$0x0] =	wrdreg $0x60  }
0xae: {  	[dreg:$0x2] =	wrdreg s2  }
0xaf: {  	[dreg:$0x3] =	wrdreg s24  }
0xb0: {  	[dreg:$0x4] =	wrdreg $0xC5A00  }
0xb1: {  	[dreg:$0x5] =	wrdreg $0x9  }
0xb2: {  	_ =	task.clear_ibuf [dreg:s7], $0x6FFFF;
	_ =	strace $0x9000004C  }
0xb3: {  	s29 =	simm.s32 $0x9;
	_ =	strace $0x8000004E  }
0xb4: {  	_ =	swait.ge [sflag:s29], $0x1  }
0xb5: {  	[sflag:s29] =	ssyncadd.s32 $0xFFFFFFFF  }
0xb6: {  	_ =	strace $0x9000004E  }
0xb7: {  	_ =	sfence  }
0xb8: {  	s30 =	sld [smem:$0x0];
	_ =	sdelay $0x2  }
0xb9: {  	s31 =	sshll.u32 s1, $0xD;
	s1 =	sshrl.u32 s1, $0x2  }
0xba: {  	s3 =	sand.u32 $0x4000, s31;
	s1 =	sadd.s32 s1, s30  }
0xbb: {  	s0 =	sor.u32 s3, s0;
	s1 =	sshll.u32 s1, $0x11  }
0xbc: {  	s0 =	sor.u32 s1, s0  }
0xbd: {  	s0 =	sadd.s32 $0x8F2B, s0  }
0xbe: {  	[sflag:s0] =	ssyncadd.remote.s32 $0x1  }
0xbf: {  	_ =	sfence.sel $0xFFFF  }
0xc0: {  	[dreg:$0x0] =	wrdreg $0xFFFFFFFF;
	(pc) =	sbr.abs _section_cstart, $3  }
0xc1: {  	[dreg:$0x1] =	wrdreg $0xFFFFFFFF  }
0xc2: {  	_ =	task.clear_ibuf [dreg:s7], $0x2FFFF;
	_ =	strace $0x9FFFFFFF  }
0xc3: {  	(tm) =	ssettm $0x7FFFFFFF  }
tec
execute0_lowered:
.L_overlay_start_1:
0x0: {  	(tag) =	ssettag $0x1  }
0x1: {  	s1 =	rddreg [dreg:$0x0]  }
0x2: {  	s0 =	rddreg [dreg:$0x1]  }
0x3: {  	s3 =	rddreg [dreg:$0x2]  }
0x4: {  	s2 =	srdreg.scid;
	s5 =	stileid.u32;
	s7 =	simm.s32 $0x0  }
0x5: {  	s10 =	simm.s32 $0x15;
	s9 =	simm.s32 $0x9E20;
	s13 =	simm.s32 $0x7D  }
0x6: {  	s14 =	simm.s32 $0x5000;
	s16 =	simm.s32 $0x57D0;
	s20 =	simm.s32 $0x6770  }
0x7: {  	s28 =	simm.s32 $0x1;
	s29 =	simm.s32 $0x86B0;
	s30 =	simm.s32 $0x2  }
0x8: {  	s31 =	simm.s32 $0x9650;
	s11 =	simm.s32 $0x6;
	s15 =	simm.s32 $0xD  }
0x9: {  	s17 =	simm.s32 $0x8;
	s18 =	simm.s32 $0xF;
	s19 =	simm.s32 $0xA  }
0xa: {  	s21 =	simm.s32 $0x11;
	s2 =	sand.u32 $0x1, s2;
	s4 =	sshll.u32 s5, $0x1  }
0xb: {  	s5 =	smul.u32 $0x2780, s5;
	[smem:$0x7FF] =	sst s7;
	s4 =	sor.u32 s2, s4  }
0xc: {  	s6 =	smul.u32 $0x27800, s2;
	_ =	strace $0x8000004D;
	s2 =	ssub.s32 $0x2, s2  }
0xd: {  	s4 =	smul.u32 $0x2800, s4;
	s24 =	sshrl.u32 s2, $0x1;
	s8 =	sadd.s32 s5, s3  }
0xe: {  	s6 =	sadd.s32 s5, s6;
	s2 =	ssub.s32 s2, s24;
	s24 =	simm.s32 $0x7710  }
0xf: {  	s5 =	simm.s32 $0x0;
	[dreg:$0x6] =	wrdreg s8;
	s4 =	sshrl.u32 s4, $0x3  }
.Ltmp0:
0x10: {  	s26 =	smax.u32 s2, $0x1;
	s4 =	sadd.s32 s4, s0;
	(pc) =	sbr.rel .LBB2_1-.Ltmp0, $4  }
0x11: {  	s6 =	sshrl.u32 s6, $0x3;
	[dreg:$0x8] =	wrdreg s26;
	s25 =	sadd.s32 $0x2800, s4  }
0x12: {  	s0 =	sadd.s32 s6, s0;
	s4 =	sadd.s32 $0xC800, s4;
	[dreg:$0x4] =	wrdreg s25  }
0x13: {  	s2 =	simm.s32 $0xB;
	s0 =	sadd.s32 $0x16800, s0;
	[dreg:$0x5] =	wrdreg s4  }
0x14: {  	v0 =	vimm.f32 $0.0e+00;
	s26 =	simm.s32 $0x7EE0;
	[dreg:$0x7] =	wrdreg s0;
	s0 =	simm.s32 $0x4  }
.LBB2_6:
0x15: {  	s4 =	simm.s32 $0x12  }
0x16: {  	_ =	swait.ge [sflag:s4], $0x7D0  }
0x17: {  	[sflag:s4] =	ssyncset.done $0x0  }
0x18: {  	s12 =	simm.s32 $0x13;
	[sflag:s4] =	ssyncadd.s32 $0xFFFFF830  }
0x19: {  	_ =	swait.ge [sflag:s12], $0x7D0  }
0x1a: {  	[sflag:s12] =	ssyncset.done $0x0  }
0x1b: {  	s22 =	simm.s32 $0x14;
	[sflag:s12] =	ssyncadd.s32 $0xFFFFF830  }
0x1c: {  	_ =	swait.ge [sflag:s22], $0x7D0  }
0x1d: {  	[sflag:s22] =	ssyncset.done $0x0  }
0x1e: {  	[sflag:s22] =	ssyncadd.s32 $0xFFFFF830  }
0x1f: {  	[bflag:$0x0] =	sbarrier.arrive $0xFFFF  }
0x20: {  	s9 =	simm.s32 $0x9E20;
	s8 =	rddreg [dreg:$0x6]  }
0x21: {  	[tilespmem:s9], [sflag:$0x15] =	stream.linear.gather [spmem:s8], $0x2780, $0x38;
	[tilespmem:$0xED20] =	vst v63  }
0x22: {  	_ =	swait.ge [sflag:s10], $0x2780  }
0x23: {  	[sflag:s10] =	ssyncset.done $0x0  }
0x24: {  	s7 =	simm.s32 $0x0;
	s23 =	rddreg [dreg:$0x7];
	[sflag:s10] =	ssyncadd.s32 $0xFFFFD880  }
0x25: {  	[hbm4b:s23+s7] =	stream.linear.scatter [tilespmem:s9], [sflag:$0x15], $0x2780, $0x38;
	[tilespmem:$0xED20] =	vst v63  }
0x26: {  	_ =	swait.ge [sflag:s10], $0x2780  }
0x27: {  	s5 =	sadd.s32 $0x1, s5;
	s25 =	rddreg [dreg:$0x8]  }
0x28: {  	p0 =	sne.s32 s5, s25  }
.Ltmp1:
0x29: {  	_ = 	snop;
	(pc) =	sbr.rel @!p0 .LBB2_7-.Ltmp1, $3  }
0x2a: {  	_ =	sdelay $0x1  }
0x2b: {  	[sflag:s10] =	ssyncset.done $0x0  }
0x2c: {  	[sflag:s10] =	ssyncadd.s32 $0xFFFFD880  }
.LBB2_1:
0x2d: {  	s4 =	rddreg [dreg:$0x4]  }
0x2e: {  	[tilespmem:s7], [sflag:$0x15] =	stream.linear.gather [hbm4b:s4+s7], $0x2800, $0x38;
	[tilespmem:$0xED20] =	vst v63  }
0x2f: {  	_ =	swait.ge [sflag:s10], $0x2800  }
0x30: {  	[sflag:s10] =	ssyncset.done $0x0  }
0x31: {  	s6 =	simm.s32 $0x2800;
	s25 =	rddreg [dreg:$0x5];
	[sflag:s10] =	ssyncadd.s32 $0xFFFFD800  }
0x32: {  	[tilespmem:s6], [sflag:$0x15] =	stream.linear.gather [hbm4b:s25+s7], $0x2800, $0x38;
	[tilespmem:$0xED20] =	vst v63  }
0x33: {  	_ =	swait.ge [sflag:s10], $0x2800  }
0x34: {  	[sflag:s10] =	ssyncset.done $0x0  }
0x35: {  	s4 =	simm.s32 $0x40;
	s6 =	simm.s32 $0x0;
	[sflag:s10] =	ssyncadd.s32 $0xFFFFD800  }
.LBB2_2:
0x36: {  	p0 =	sne.s32 s4, $0x9DC0;
	[tilespmem:s6+$0x9E20] =	vst v0;
	s6 =	smov.u32 s4;
	s4 =	sadd.s32 $0x40, s4  }
.Ltmp2:
0x37: {  	(pc) =	sbr.rel @p0 .LBB2_2-.Ltmp2, $2  }
0x38: {  	_ =	sdelay $0x2  }
0x39: {  	s6 =	sshra.s32 s6, $0x2  }
0x3a: {  	[tilespmem:s6+$0x9E20] =	vst v0  }
0x3b: {  	[spmem:s8] =	stream.linear.scatter [tilespmem:s9], [sflag:$0x15], $0x2780, $0x38;
	[tilespmem:$0xED20] =	vst v63  }
0x3c: {  	_ =	swait.ge [sflag:s10], $0x2780  }
0x3d: {  	[sflag:s10] =	ssyncset.done $0x0  }
0x3e: {  	[sflag:s10] =	ssyncadd.s32 $0xFFFFD880  }
0x3f: {  	s6 =	simm.s32 $0x0;
	[bflag:$0x0] =	sbarrier.arrive $0xFFFF  }
0x40: {  	[tilespmem:s14], [sflag:$0x1] =	stream.indirect.gather [hbm4b:s1+s13], $0x10, s6, s13, $0xb8;
	[tilespmem:$0xED20] =	vst v63  }
0x41: {  	s4 =	simm.s32 $0x80  }
0x42: {  	[tilespmem:s16], [sflag:$0x2] =	stream.indirect.gather [hbm4b:s1+s13], $0x10, s4, s13, $0xb8;
	[tilespmem:$0xED20] =	vst v63  }
0x43: {  	s7 =	simm.s32 $0x5FA0;
	s8 =	simm.s32 $0x100  }
0x44: {  	[tilespmem:s7], [sflag:$0x3] =	stream.indirect.gather [hbm4b:s1+s13], $0x10, s8, s13, $0xb8;
	[tilespmem:$0xED20] =	vst v63  }
0x45: {  	s9 =	simm.s32 $0x180  }
0x46: {  	[tilespmem:s20], [sflag:$0x4] =	stream.indirect.gather [hbm4b:s1+s13], $0x10, s9, s13, $0xb8;
	[tilespmem:$0xED20] =	vst v63  }
0x47: {  	s12 =	simm.s32 $0x200;
	s22 =	simm.s32 $0x6F40  }
0x48: {  	[tilespmem:s22], [sflag:$0x5] =	stream.indirect.gather [hbm4b:s1+s13], $0x10, s12, s13, $0xb8;
	[tilespmem:$0xED20] =	vst v63  }
0x49: {  	s23 =	simm.s32 $0x280  }
0x4a: {  	[tilespmem:s24], [sflag:$0x6] =	stream.indirect.gather [hbm4b:s1+s13], $0x10, s23, s13, $0xb8;
	[tilespmem:$0xED20] =	vst v63  }
0x4b: {  	s25 =	simm.s32 $0x300  }
0x4c: {  	[tilespmem:s26], [sflag:$0x7] =	stream.indirect.gather [hbm4b:s1+s13], $0x10, s25, s13, $0xb8;
	[tilespmem:$0xED20] =	vst v63  }
.LBB2_4:
0x4d: {  	_ =	swait.ge [sflag:s28], $0x7D0  }
0x4e: {  	s8 =	sshra.s32 s6, $0x2;
	[sflag:s28] =	ssyncset.done $0x0  }
0x4f: {  	p0 =	seq.s32 s6, $0x0;
	s4 =	sadd.s32 $0x2800, s8;
	[sflag:s28] =	ssyncadd.s32 $0xFFFFF830  }
0x50: {  	[spmem:s3] =	stream.indirect.scatter.add.f32 [tilespmem:s14], [sflag:$0xB], $0x10, s4, s13, $0xb8;
	[tilespmem:$0xED20] =	vst v63  }
0x51: {  	s4 =	simm.s32 @!p0 $0x12  }
0x52: {  	_ =	swait.ge @!p0 [sflag:s4], $0x7D0  }
0x53: {  	[sflag:s4] =	ssyncset.done @!p0 $0x0  }
0x54: {  	s9 =	sadd.s32 $0x380, s8;
	[sflag:s4] =	ssyncadd.s32 @!p0 $0xFFFFF830  }
0x55: {  	[tilespmem:s29], [sflag:$0x8] =	stream.indirect.gather [hbm4b:s1+s13], $0x10, s9, s13, $0xb8;
	[tilespmem:$0xED20] =	vst v63  }
0x56: {  	_ =	swait.ge [sflag:s30], $0x7D0  }
0x57: {  	[sflag:s30] =	ssyncset.done $0x0  }
0x58: {  	s12 =	sadd.s32 $0x2880, s8;
	s4 =	sshra.s32 @p0 s6, $0x2;
	[sflag:s30] =	ssyncadd.s32 $0xFFFFF830  }
0x59: {  	[spmem:s3] =	stream.indirect.scatter.add.f32 [tilespmem:s16], [sflag:$0xC], $0x10, s12, s13, $0xb8;
	[tilespmem:$0xED20] =	vst v63  }
0x5a: {  	s22 =	simm.s32 @p0 $0x8E80;
	s9 =	sadd.s32 @p0 $0x400, s4;
	s12 =	simm.s32 @p0 $0x7D  }
0x5b: {  	[tilespmem:s22], [sflag:$0x9] =	stream.indirect.gather @p0 [hbm4b:s1+s12], $0x10, s9, s12, $0xb8;
	[tilespmem:$0xED20] =	vst v63  }
0x5c: {  	s9 =	simm.s32 @p0 $0x3  }
0x5d: {  	_ =	swait.ge @p0 [sflag:s9], $0x7D0  }
0x5e: {  	[sflag:s9] =	ssyncset.done @p0 $0x0  }
0x5f: {  	s4 =	sadd.s32 @p0 $0x2900, s4;
	[sflag:s9] =	ssyncadd.s32 @p0 $0xFFFFF830;
	s9 =	simm.s32 @p0 $0x5FA0  }
0x60: {  	[spmem:s3] =	stream.indirect.scatter.add.f32 @p0 [tilespmem:s9], [sflag:$0xD], $0x10, s4, s12, $0xb8;
	[tilespmem:$0xED20] =	vst v63  }
0x61: {  	s4 =	simm.s32 @!p0 $0x13  }
0x62: {  	_ =	swait.ge @!p0 [sflag:s4], $0x7D0  }
0x63: {  	[sflag:s4] =	ssyncset.done @!p0 $0x0  }
0x64: {  	[sflag:s4] =	ssyncadd.s32 @!p0 $0xFFFFF830;
	s4 =	sshra.s32 @!p0 s6, $0x2  }
0x65: {  	s22 =	simm.s32 @!p0 $0x8E80;
	s12 =	simm.s32 @!p0 $0x7D;
	s9 =	sadd.s32 @!p0 $0x400, s4  }
0x66: {  	[tilespmem:s22], [sflag:$0x9] =	stream.indirect.gather @!p0 [hbm4b:s1+s12], $0x10, s9, s12, $0xb8;
	[tilespmem:$0xED20] =	vst v63  }
0x67: {  	s9 =	simm.s32 @!p0 $0x3  }
0x68: {  	_ =	swait.ge @!p0 [sflag:s9], $0x7D0  }
0x69: {  	[sflag:s9] =	ssyncset.done @!p0 $0x0  }
0x6a: {  	s4 =	sadd.s32 @!p0 $0x2900, s4;
	[sflag:s9] =	ssyncadd.s32 @!p0 $0xFFFFF830;
	s9 =	simm.s32 @!p0 $0x5FA0  }
0x6b: {  	[spmem:s3] =	stream.indirect.scatter.add.f32 @!p0 [tilespmem:s9], [sflag:$0xD], $0x10, s4, s12, $0xb8;
	[tilespmem:$0xED20] =	vst v63  }
0x6c: {  	s4 =	simm.s32 @!p0 $0x14  }
0x6d: {  	_ =	swait.ge @!p0 [sflag:s4], $0x7D0  }
0x6e: {  	[sflag:s4] =	ssyncset.done @!p0 $0x0  }
0x6f: {  	s22 =	sadd.s32 $0x480, s8;
	[sflag:s4] =	ssyncadd.s32 @!p0 $0xFFFFF830  }
0x70: {  	[tilespmem:s31], [sflag:$0xA] =	stream.indirect.gather [hbm4b:s1+s13], $0x10, s22, s13, $0xb8;
	[tilespmem:$0xED20] =	vst v63  }
0x71: {  	_ =	swait.ge [sflag:s0], $0x7D0  }
0x72: {  	[sflag:s0] =	ssyncset.done $0x0  }
0x73: {  	s23 =	sadd.s32 $0x2980, s8;
	[sflag:s0] =	ssyncadd.s32 $0xFFFFF830  }
0x74: {  	[spmem:s3] =	stream.indirect.scatter.add.f32 [tilespmem:s20], [sflag:$0xE], $0x10, s23, s13, $0xb8;
	[tilespmem:$0xED20] =	vst v63  }
0x75: {  	_ =	swait.ge [sflag:s2], $0x7D0  }
0x76: {  	p0 =	seq.s32 s6, $0x8C00;
	[sflag:s2] =	ssyncset.done $0x0  }
0x77: {  	s4 =	simm.s32 @p0 $0x5;
	[sflag:s2] =	ssyncadd.s32 $0xFFFFF830  }
0x78: {  	_ =	swait.ge @p0 [sflag:s4], $0x7D0  }
0x79: {  	s12 =	sshra.s32 @p0 s6, $0x2;
	s22 =	simm.s32 @p0 $0x7D;
	[sflag:s4] =	ssyncset.done @p0 $0x0  }
0x7a: {  	s9 =	simm.s32 @p0 $0x6F40;
	[sflag:s4] =	ssyncadd.s32 @p0 $0xFFFFF830;
	s4 =	sadd.s32 @p0 $0x2A00, s12  }
0x7b: {  	[spmem:s3] =	stream.indirect.scatter.add.f32 @p0 [tilespmem:s9], [sflag:$0xF], $0x10, s4, s22, $0xb8;
	[tilespmem:$0xED20] =	vst v63  }
0x7c: {  	s4 =	simm.s32 @p0 $0xC  }
0x7d: {  	_ =	swait.ge @p0 [sflag:s4], $0x7D0  }
0x7e: {  	s25 =	simm.s32 @!p0 $0x5000;
	s9 =	sshra.s32 @!p0 s6, $0x2;
	[sflag:s4] =	ssyncset.done @p0 $0x0  }
0x7f: {  	s23 =	sadd.s32 @!p0 $0x500, s9;
	[sflag:s4] =	ssyncadd.s32 @p0 $0xFFFFF830;
	s4 =	simm.s32 @!p0 $0x7D  }
0x80: {  	[tilespmem:s25], [sflag:$0x1] =	stream.indirect.gather @!p0 [hbm4b:s1+s4], $0x10, s23, s4, $0xb8;
	[tilespmem:$0xED20] =	vst v63  }
0x81: {  	s23 =	simm.s32 @!p0 $0x5  }
0x82: {  	_ =	swait.ge @!p0 [sflag:s23], $0x7D0  }
0x83: {  	[sflag:s23] =	ssyncset.done @!p0 $0x0  }
0x84: {  	s25 =	sadd.s32 @!p0 $0x2A00, s9;
	[sflag:s23] =	ssyncadd.s32 @!p0 $0xFFFFF830;
	s23 =	simm.s32 @!p0 $0x6F40  }
0x85: {  	[spmem:s3] =	stream.indirect.scatter.add.f32 @!p0 [tilespmem:s23], [sflag:$0xF], $0x10, s25, s4, $0xb8;
	[tilespmem:$0xED20] =	vst v63  }
0x86: {  	s25 =	simm.s32 @!p0 $0xC  }
0x87: {  	_ =	swait.ge @!p0 [sflag:s25], $0x7D0  }
0x88: {  	[sflag:s25] =	ssyncset.done @!p0 $0x0  }
0x89: {  	s7 =	simm.s32 @!p0 $0x57D0;
	[sflag:s25] =	ssyncadd.s32 @!p0 $0xFFFFF830;
	s25 =	sadd.s32 @!p0 $0x580, s9  }
0x8a: {  	[tilespmem:s7], [sflag:$0x2] =	stream.indirect.gather @!p0 [hbm4b:s1+s4], $0x10, s25, s4, $0xb8;
	[tilespmem:$0xED20] =	vst v63  }
0x8b: {  	_ =	swait.ge [sflag:s11], $0x7D0  }
0x8c: {  	[sflag:s11] =	ssyncset.done $0x0  }
0x8d: {  	s25 =	sadd.s32 $0x2A80, s8;
	[sflag:s11] =	ssyncadd.s32 $0xFFFFF830  }
0x8e: {  	[spmem:s3] =	stream.indirect.scatter.add.f32 [tilespmem:s24], [sflag:$0x10], $0x10, s25, s13, $0xb8;
	[tilespmem:$0xED20] =	vst v63  }
0x8f: {  	_ =	swait.ge [sflag:s15], $0x7D0  }
0x90: {  	[sflag:s15] =	ssyncset.done $0x0  }
0x91: {  	s7 =	simm.s32 @p0 $0x7;
	[sflag:s15] =	ssyncadd.s32 $0xFFFFF830  }
0x92: {  	_ =	swait.ge @p0 [sflag:s7], $0x7D0  }
0x93: {  	[sflag:s7] =	ssyncset.done @p0 $0x0  }
0x94: {  	s25 =	simm.s32 @p0 $0x7EE0;
	[sflag:s7] =	ssyncadd.s32 @p0 $0xFFFFF830;
	s7 =	sadd.s32 @p0 $0x2B00, s12  }
0x95: {  	[spmem:s3] =	stream.indirect.scatter.add.f32 @p0 [tilespmem:s25], [sflag:$0x11], $0x10, s7, s22, $0xb8;
	[tilespmem:$0xED20] =	vst v63  }
0x96: {  	s7 =	simm.s32 @p0 $0xE  }
0x97: {  	_ =	swait.ge @p0 [sflag:s7], $0x7D0  }
0x98: {  	[sflag:s7] =	ssyncset.done @p0 $0x0  }
0x99: {  	s25 =	simm.s32 @!p0 $0x5FA0;
	[sflag:s7] =	ssyncadd.s32 @p0 $0xFFFFF830;
	s7 =	sadd.s32 @!p0 $0x600, s9  }
0x9a: {  	[tilespmem:s25], [sflag:$0x3] =	stream.indirect.gather @!p0 [hbm4b:s1+s4], $0x10, s7, s4, $0xb8;
	[tilespmem:$0xED20] =	vst v63  }
0x9b: {  	s7 =	simm.s32 @!p0 $0x7  }
0x9c: {  	_ =	swait.ge @!p0 [sflag:s7], $0x7D0  }
0x9d: {  	[sflag:s7] =	ssyncset.done @!p0 $0x0  }
0x9e: {  	s25 =	simm.s32 @!p0 $0x7EE0;
	[sflag:s7] =	ssyncadd.s32 @!p0 $0xFFFFF830;
	s7 =	sadd.s32 @!p0 $0x2B00, s9  }
0x9f: {  	[spmem:s3] =	stream.indirect.scatter.add.f32 @!p0 [tilespmem:s25], [sflag:$0x11], $0x10, s7, s4, $0xb8;
	[tilespmem:$0xED20] =	vst v63  }
0xa0: {  	s7 =	simm.s32 @!p0 $0xE  }
0xa1: {  	_ =	swait.ge @!p0 [sflag:s7], $0x7D0  }
0xa2: {  	[sflag:s7] =	ssyncset.done @!p0 $0x0  }
0xa3: {  	s25 =	simm.s32 @!p0 $0x6770;
	[sflag:s7] =	ssyncadd.s32 @!p0 $0xFFFFF830;
	s7 =	sadd.s32 @!p0 $0x680, s9  }
0xa4: {  	[tilespmem:s25], [sflag:$0x4] =	stream.indirect.gather @!p0 [hbm4b:s1+s4], $0x10, s7, s4, $0xb8;
	[tilespmem:$0xED20] =	vst v63  }
0xa5: {  	_ =	swait.ge [sflag:s17], $0x7D0  }
0xa6: {  	[sflag:s17] =	ssyncset.done $0x0  }
0xa7: {  	s25 =	sadd.s32 $0x2B80, s8;
	[sflag:s17] =	ssyncadd.s32 $0xFFFFF830  }
0xa8: {  	[spmem:s3] =	stream.indirect.scatter.add.f32 [tilespmem:s29], [sflag:$0x12], $0x10, s25, s13, $0xb8;
	[tilespmem:$0xED20] =	vst v63  }
0xa9: {  	_ =	swait.ge [sflag:s18], $0x7D0  }
0xaa: {  	[sflag:s18] =	ssyncset.done $0x0  }
0xab: {  	s7 =	simm.s32 @p0 $0x9;
	[sflag:s18] =	ssyncadd.s32 $0xFFFFF830  }
0xac: {  	_ =	swait.ge @p0 [sflag:s7], $0x7D0  }
0xad: {  	[sflag:s7] =	ssyncset.done @p0 $0x0  }
0xae: {  	[sflag:s7] =	ssyncadd.s32 @p0 $0xFFFFF830;
	s7 =	sadd.s32 @p0 $0x2C00, s12;
	s12 =	simm.s32 @p0 $0x8E80  }
0xaf: {  	[spmem:s3] =	stream.indirect.scatter.add.f32 @p0 [tilespmem:s12], [sflag:$0x13], $0x10, s7, s22, $0xb8;
	[tilespmem:$0xED20] =	vst v63  }
0xb0: {  	s7 =	simm.s32 @p0 $0x10  }
0xb1: {  	_ =	swait.ge @p0 [sflag:s7], $0x7D0  }
0xb2: {  	[sflag:s7] =	ssyncset.done @p0 $0x0  }
0xb3: {  	[sflag:s7] =	ssyncadd.s32 @p0 $0xFFFFF830;
	s7 =	sadd.s32 @!p0 $0x700, s9  }
0xb4: {  	[tilespmem:s23], [sflag:$0x5] =	stream.indirect.gather @!p0 [hbm4b:s1+s4], $0x10, s7, s4, $0xb8;
	[tilespmem:$0xED20] =	vst v63  }
0xb5: {  	s7 =	simm.s32 @!p0 $0x9  }
0xb6: {  	_ =	swait.ge @!p0 [sflag:s7], $0x7D0  }
0xb7: {  	[sflag:s7] =	ssyncset.done @!p0 $0x0  }
0xb8: {  	s12 =	simm.s32 @!p0 $0x8E80;
	[sflag:s7] =	ssyncadd.s32 @!p0 $0xFFFFF830;
	s7 =	sadd.s32 @!p0 $0x2C00, s9  }
0xb9: {  	[spmem:s3] =	stream.indirect.scatter.add.f32 @!p0 [tilespmem:s12], [sflag:$0x13], $0x10, s7, s4, $0xb8;
	[tilespmem:$0xED20] =	vst v63  }
0xba: {  	s7 =	simm.s32 @!p0 $0x10  }
0xbb: {  	_ =	swait.ge @!p0 [sflag:s7], $0x7D0  }
0xbc: {  	[sflag:s7] =	ssyncset.done @!p0 $0x0  }
0xbd: {  	[sflag:s7] =	ssyncadd.s32 @!p0 $0xFFFFF830;
	s7 =	sadd.s32 @!p0 $0x780, s9;
	s9 =	simm.s32 @!p0 $0x7710  }
0xbe: {  	[tilespmem:s9], [sflag:$0x6] =	stream.indirect.gather @!p0 [hbm4b:s1+s4], $0x10, s7, s4, $0xb8;
	[tilespmem:$0xED20] =	vst v63  }
0xbf: {  	_ =	swait.ge [sflag:s19], $0x7D0  }
0xc0: {  	[sflag:s19] =	ssyncset.done $0x0  }
.Ltmp3:
0xc1: {  	s25 =	sadd.s32 $0x2C80, s8;
	[sflag:s19] =	ssyncadd.s32 $0xFFFFF830;
	(pc) =	sbr.rel @p0 .LBB2_6-.Ltmp3, $4  }
0xc2: {  	[spmem:s3] =	stream.indirect.scatter.add.f32 [tilespmem:s31], [sflag:$0x14], $0x10, s25, s13, $0xb8;
	[tilespmem:$0xED20] =	vst v63  }
0xc3: {  	_ =	swait.ge [sflag:s21], $0x7D0  }
0xc4: {  	[sflag:s21] =	ssyncset.done $0x0  }
0xc5: {  	[sflag:s21] =	ssyncadd.s32 $0xFFFFF830  }
.Ltmp4:
0xc6: {  	(pc) =	sbr.rel .LBB2_4-.Ltmp4, $3  }
0xc7: {  	_ =	sdelay $0x1  }
0xc8: {  	s4 =	sadd.s32 $0x800, s8;
	s6 =	sadd.s32 $0x1400, s6  }
0xc9: {  	[tilespmem:s26], [sflag:$0x7] =	stream.indirect.gather [hbm4b:s1+s13], $0x10, s4, s13, $0xb8;
	[tilespmem:$0xED20] =	vst v63  }
.LBB2_7:
0xca: {  	_ =	sfence.sel $0x180000  }
0xcb: {  	[bflag:$0x0] =	sbarrier.arrive $0xFFFF  }
0xcc: {  	_ =	strace $0x9000004D  }
0xcd: {  	s0 =	stileid.u32;
	[bflag:$0x2] =	sbarrier.arrive $0xFFFF  }
0xce: {  	p0 =	sne.s32 s0, $0x0;
	s0 =	rddreg [dreg:$0x3]  }
0xcf: {  	s0 =	sadd.s32 @!p0 $0x100000, s0  }
0xd0: {  	[sflag:s0] =	ssyncadd.tile.s32 @!p0 $0x1;
	_ =	shalt  }
.Lfunc_end2:
_tile_overlayer_lowered:
.L_overlay_start_2:
0xd1: {  	(tag) =	ssettag $0x2  }
0xd2: {  	s0 =	rddreg [dreg:$0x0];
	s2 =	stileid.u32  }
0xd3: {  	s1 =	rddreg [dreg:$0x1];
	p0 =	sne.s32 s2, $0x0  }
0xd4: {  	s3 =	rddreg [dreg:$0x2];
	[bflag:$0x3] =	sbarrier.arrive $0xFFFF;
	s2 =	simm.s32 @!p0 $0x1C15  }
0xd5: {  	[timem:s3], [sflag:s2] =	dma.local @!p0 [hbm:s0], s1  }
0xd6: {  	s0 =	simm.s32 @!p0 $0x15  }
0xd7: {  	_ =	swait.ge @!p0 [sflag:s0], s1  }
0xd8: {  	s1 =	ssub.s32 @!p0 $0x0, s1;
	[sflag:s0] =	ssyncset.done @!p0 $0x0  }
0xd9: {  	[sflag:s0] =	ssyncadd.s32 @!p0 s1  }
0xda: {  	[bflag:$0x3] =	sbarrier.arrive $0xFFFF  }
0xdb: {  	_ =	shalt  }

// kernel: kernel.9.cloned.1.call-start
scs
__scs_entry_jumppad:
0x0: {  	(pc) =	sbr.rel $0x88, $3  }
0x1: {  	(tag) =	ssettag $0x0;
	lr =	simm.s32 $0x1  }
0x2: {  	[smem:$0x3F9B] =	sst lr;
	_ =	strace $0xD0000000  }
0x3: {  	_ = 	snop  }
0x4: {  	_ = 	snop  }
0x5: {  	_ = 	snop  }
0x6: {  	_ = 	snop  }
0x7: {  	_ = 	snop  }
__scs_overlays_trampoline_lowered:
0x8: {  	[smem:$0x3FAA] =	sst s0  }
0x9: {  	[smem:$0x3FAB] =	sst s1  }
0xa: {  	[smem:$0x3FAC] =	sst s2  }
0xb: {  	[smem:$0x3FAD] =	sst s3  }
0xc: {  	[smem:$0x3FAE] =	sst s4  }
0xd: {  	[smem:$0x3FAF] =	sst s5  }
0xe: {  	[smem:$0x3FB0] =	sst s6  }
0xf: {  	[smem:$0x3FB1] =	sst s7  }
0x10: {  	[smem:$0x3FB2] =	sst s8  }
0x11: {  	[smem:$0x3FB3] =	sst s9;
	s0 =	simm.s32 @!p0 $0x0  }
0x12: {  	s1 =	sld [smem:$0x3F99];
	s0 =	simm.s32 @p0 $0x1  }
0x13: {  	[smem:$0x3FB4] =	sst s0;
	s0 =	simm.s32 @!p1 $0x0  }
0x14: {  	s2 =	sld [smem:$0x3F98];
	s0 =	simm.s32 @p1 $0x1  }
0x15: {  	[smem:$0x3FB5] =	sst s0;
	s0 =	simm.s32 @!p2 $0x0  }
0x16: {  	s3 =	sld [smem:$0x3FDB];
	s0 =	simm.s32 @p2 $0x1  }
0x17: {  	s4 =	simm.s32 $0x1BF5;
	[smem:$0x3FB7] =	sst s0  }
0x18: {  	s0 =	sld [smem:$0x3F9A];
	_ =	swait.ge [sflag:s4], $0x0  }
0x19: {  	s7 =	sld [smem:$0x3F9B]  }
0x1a: {  	s8 =	sadd.s32 $0xFFFFE003, lr  }
0x1b: {  	s9 =	sadd.s32 $0xFFFFFEF7, lr;
	s5 =	simm.s32 $0xFFFFFFFF;
	p2 =	slt.u32 s8, $0xFFFFF086  }
0x1c: {  	p1 =	slt.u32 s9, $0xF7A;
	s5 =	simm.s32 @!p2 $0x0  }
0x1d: {  	s5 =	simm.s32 @p1 $0x1;
	p0 =	seq.s32 s7, s2  }
0x1e: {  	s7 =	smul.u32 @!p0 $0xF7A, s2;
	p2 =	seq.s32 @!p0 s5, $0x0  }
0x1f: {  	s9 =	smul.u32 $0xF7A, s1;
	s8 =	simm.s32 @!p0 $0x1BF5;
	p2 =	por !p2, p0  }
0x20: {  	[sflag:s8] =	ssyncset.s32 @!p0 $0xFFFFF086;
	s6 =	sadd.s32 @!p0 s3, s7;
	s7 =	simm.s32 @!p0 $0x108  }
0x21: {  	s3 =	sadd.s32 s3, s9;
	s6 =	sadd.s32 @!p0 $0x88, s6;
	s7 =	simm.s32 @p2 $0x1082  }
0x22: {  	[simem:s7], [sflag:s8] =	dma.local @!p0 [hbm:s6], $0xF7A  }
0x23: {  	s9 =	sor.u32 $0xD0000000, s2;
	s6 =	simm.s32 $0x108;
	_ =	swait.ge @!p0 [sflag:s8], $0x0  }
0x24: {  	s3 =	sadd.s32 $0x88, s3;
	s6 =	simm.s32 @!p1 $0x1082;
	[sflag:s4] =	ssyncset.s32 $0xFFFFF086  }
0x25: {  	[simem:s6], [sflag:s4] =	dma.local [hbm:s3], $0xF7A  }
0x26: {  	[smem:$0x3F9B] =	sst s1;
	(tag) =	ssettag s2;
	_ =	strace s9  }
0x27: {  	s1 =	sld [smem:$0x3FAB]  }
0x28: {  	s2 =	sld [smem:$0x3FAC]  }
0x29: {  	s4 =	sld [smem:$0x3FAE]  }
0x2a: {  	p0 =	seq.s32 s5, $0x0;
	s5 =	sld [smem:$0x3FAF]  }
0x2b: {  	s6 =	sld [smem:$0x3FB0]  }
0x2c: {  	s7 =	sld [smem:$0x3FB1]  }
0x2d: {  	s3 =	simm.s32 $0x108;
	s8 =	sld [smem:$0x3FB2]  }
0x2e: {  	s3 =	simm.s32 @!p0 $0x1082;
	s9 =	sld [smem:$0x3FB3]  }
0x2f: {  	lr =	sadd.s32 s0, s3;
	s0 =	sld [smem:$0x3FAA]  }
0x30: {  	s3 =	sld [smem:$0x3FAD]  }
0x31: {  	[smem:$0x3FB6] =	sst s10  }
0x32: {  	s10 =	sld [smem:$0x3FB4];
	_ =	sdelay $0x3  }
0x33: {  	p0 =	seq.s32 s10, $0x1;
	s10 =	sld [smem:$0x3FB6];
	_ =	sdelay $0x3  }
0x34: {  	[smem:$0x3FB6] =	sst s10  }
0x35: {  	s10 =	sld [smem:$0x3FB5];
	_ =	sdelay $0x3  }
0x36: {  	p1 =	seq.s32 s10, $0x1;
	s10 =	sld [smem:$0x3FB6];
	_ =	sdelay $0x3  }
0x37: {  	[smem:$0x3FB6] =	sst s10  }
0x38: {  	s10 =	sld [smem:$0x3FB7]  }
0x39: {  	_ = 	snop;
	(pc) =	sbr.ind lr, $3  }
0x3a: {  	_ = 	snop  }
0x3b: {  	_ = 	snop  }
0x3c: {  	p2 =	seq.s32 s10, $0x1;
	s10 =	sld [smem:$0x3FB6]  }
0x3d: {  	_ =	shalt  }
0x3e: {  	_ =	shalt  }
0x3f: {  	_ =	shalt  }
0x40: {  	_ =	shalt  }
0x41: {  	_ =	shalt  }
0x42: {  	_ =	shalt  }
0x43: {  	_ =	shalt  }
0x44: {  	_ =	shalt  }
0x45: {  	_ =	shalt  }
0x46: {  	_ =	shalt  }
0x47: {  	_ =	shalt  }
0x48: {  	_ =	shalt  }
0x49: {  	_ =	shalt  }
0x4a: {  	_ =	shalt  }
0x4b: {  	_ =	shalt  }
0x4c: {  	_ =	shalt  }
0x4d: {  	_ =	shalt  }
0x4e: {  	_ =	shalt  }
0x4f: {  	_ =	shalt  }
0x50: {  	_ =	shalt  }
0x51: {  	_ =	shalt  }
0x52: {  	_ =	shalt  }
0x53: {  	_ =	shalt  }
0x54: {  	_ =	shalt  }
0x55: {  	_ =	shalt  }
0x56: {  	_ =	shalt  }
0x57: {  	_ =	shalt  }
0x58: {  	_ =	shalt  }
0x59: {  	_ =	shalt  }
0x5a: {  	_ =	shalt  }
0x5b: {  	_ =	shalt  }
0x5c: {  	_ =	shalt  }
0x5d: {  	_ =	shalt  }
0x5e: {  	_ =	shalt  }
0x5f: {  	_ =	shalt  }
0x60: {  	_ =	shalt  }
0x61: {  	_ =	shalt  }
0x62: {  	_ =	shalt  }
0x63: {  	_ =	shalt  }
0x64: {  	_ =	shalt  }
0x65: {  	_ =	shalt  }
0x66: {  	_ =	shalt  }
0x67: {  	_ =	shalt  }
0x68: {  	_ =	shalt  }
0x69: {  	_ =	shalt  }
0x6a: {  	_ =	shalt  }
0x6b: {  	_ =	shalt  }
0x6c: {  	_ =	shalt  }
0x6d: {  	_ =	shalt  }
0x6e: {  	_ =	shalt  }
0x6f: {  	_ =	shalt  }
0x70: {  	_ =	shalt  }
0x71: {  	_ =	shalt  }
0x72: {  	_ =	shalt  }
0x73: {  	_ =	shalt  }
0x74: {  	_ =	shalt  }
0x75: {  	_ =	shalt  }
0x76: {  	_ =	shalt  }
0x77: {  	_ =	shalt  }
0x78: {  	_ =	shalt  }
0x79: {  	_ =	shalt  }
0x7a: {  	_ =	shalt  }
0x7b: {  	_ =	shalt  }
0x7c: {  	_ =	shalt  }
0x7d: {  	_ =	shalt  }
0x7e: {  	_ =	shalt  }
0x7f: {  	_ =	shalt  }
0x80: {  	_ =	shalt  }
0x81: {  	_ =	shalt  }
0x82: {  	_ =	shalt  }
0x83: {  	_ =	shalt  }
0x84: {  	_ =	shalt  }
0x85: {  	_ =	shalt  }
0x86: {  	_ =	shalt  }
0x87: {  	_ =	shalt  }
.Lfunc_end0:
.L_simem_size_0:
called_computation_lowered:
.L_overlay_start_0:
0x88: {  	s2 =	sld [smem:$0x3FD9]  }
0x89: {  	s3 =	sld [smem:$0x3FFE];
	_ =	sdelay $0x1  }
0x8a: {  	s1 =	srdreg.scid  }
0x8b: {  	s0 =	sand.u32 $0x1, s1  }
0x8c: {  	s16 =	sshll.u32 s0, $0xA;
	s2 =	sadd.s32 s3, s2  }
0x8d: {  	s2 =	sadd.s32 s2, s16  }
0x8e: {  	[smem:$0x3FC2] =	sst s2  }
0x8f: {  	_ = 	snop  }
0x90: {  	(tm) =	ssettm $0x1  }
0x91: {  	s17 =	sld [smem:$0x3FFB];
	_ =	sdelay $0x3  }
0x92: {  	_ =	strace s17  }
0x93: {  	s2 =	sld [smem:$0x3FFC];
	_ =	sdelay $0x3  }
0x94: {  	_ =	strace s2  }
0x95: {  	s2 =	sld [smem:$0x3FFD];
	_ =	sdelay $0x3  }
0x96: {  	_ =	strace s2  }
0x97: {  	_ =	strace $0x8FFFFFFF  }
0x98: {  	s18 =	sld [smem:$0x3FDB];
	_ =	sdelay $0x1  }
0x99: {  	s19 =	simm.s32 $_scs_section_size  }
0x9a: {  	s4 =	simm.s32 $_size__tile_overlayer_lowered;
	s5 =	simm.s32 $_tile_overlayer_lowered  }
0x9b: {  	s22 =	simm.s32 $0x1BFF;
	s21 =	sshll.u32 s5, $0x1;
	s2 =	sadd.s32 s19, s18  }
0x9c: {  	s6 =	simm.s32 $0x0;
	s20 =	sshll.u32 s4, $0x1;
	s4 =	sadd.s32 s21, s2  }
0x9d: {  	[timem:s6], [sflag:s22] =	dma.local [hbm:s4], s20  }
0x9e: {  	_ =	swait.ge [sflag:s22], s20  }
0x9f: {  	s3 =	ssub.s32 $0x0, s20;
	[sflag:s22] =	ssyncset.done $0x0  }
0xa0: {  	[sflag:s22] =	ssyncadd.s32 s3;
	_ =	sdelay $0x1  }
0xa1: {  	s23 =	simm.s32 $0x1B8B  }
0xa2: {  	_ =	swait.ge [sflag:s23], $0x1  }
0xa3: {  	[sflag:s23] =	ssyncset.done $0x0  }
0xa4: {  	s25 =	simm.s32 $0x1B8E;
	s24 =	sld [smem:$0x3FFE];
	[sflag:s23] =	ssyncadd.s32 $0xFFFFFFFF  }
0xa5: {  	s26 =	simm.s32 $execute0_lowered;
	[smem:$0x3FD2] =	sst s25  }
0xa6: {  	s4 =	sshll.u32 s26, $0x1;
	_ =	strace $0x80000046;
	[dreg:$0x1] =	wrdreg $0xFFFFFFFF  }
0xa7: {  	s28 =	simm.s32 $_size_execute0_lowered;
	s2 =	sadd.s32 s2, s4;
	[dreg:$0x0] =	wrdreg $0x0  }
0xa8: {  	s4 =	sshll.u32 s28, $0x1;
	[dreg:$0x2] =	wrdreg s2  }
0xa9: {  	[dreg:$0x3] =	wrdreg s4  }
0xaa: {  	[dreg:$0x4] =	wrdreg $0xC0  }
0xab: {  	_ =	task [dreg:s6], $0x5FFFF  }
0xac: {  	[dreg:$0x1] =	wrdreg $0xFFFFFFFF  }
0xad: {  	[dreg:$0x0] =	wrdreg $0x60  }
0xae: {  	[dreg:$0x2] =	wrdreg s24  }
0xaf: {  	[dreg:$0x3] =	wrdreg $0x9  }
0xb0: {  	_ =	task.clear_ibuf [dreg:s6], $0x4FFFF;
	_ =	strace $0x90000046  }
0xb1: {  	s29 =	simm.s32 $0x9;
	_ =	strace $0x80000048  }
0xb2: {  	_ =	swait.ge [sflag:s29], $0x1  }
0xb3: {  	[sflag:s29] =	ssyncadd.s32 $0xFFFFFFFF  }
0xb4: {  	_ =	strace $0x90000048  }
0xb5: {  	_ =	sfence  }
0xb6: {  	s30 =	sld [smem:$0x0];
	_ =	sdelay $0x2  }
0xb7: {  	s31 =	sshll.u32 s1, $0xD;
	s1 =	sshrl.u32 s1, $0x2  }
0xb8: {  	s3 =	sand.u32 $0x4000, s31;
	s1 =	sadd.s32 s1, s30  }
0xb9: {  	s0 =	sor.u32 s3, s0;
	s1 =	sshll.u32 s1, $0x11  }
0xba: {  	s0 =	sor.u32 s1, s0  }
0xbb: {  	s0 =	sadd.s32 $0x8F2B, s0  }
0xbc: {  	[sflag:s0] =	ssyncadd.remote.s32 $0x1  }
0xbd: {  	_ =	sfence.sel $0xFFFF  }
0xbe: {  	[dreg:$0x0] =	wrdreg $0xFFFFFFFF;
	(pc) =	sbr.abs _section_cstart, $3  }
0xbf: {  	[dreg:$0x1] =	wrdreg $0xFFFFFFFF  }
0xc0: {  	_ =	task.clear_ibuf [dreg:s6], $0x2FFFF;
	_ =	strace $0x9FFFFFFF  }
0xc1: {  	(tm) =	ssettm $0x7FFFFFFF  }
tec
execute0_lowered:
.L_overlay_start_1:
0x0: {  	(tag) =	ssettag $0x1  }
0x1: {  	s1 =	srdreg.scid;
	s0 =	stileid.u32  }
0x2: {  	s3 =	sand.u32 $0x1, s1;
	s30 =	sshll.u32 s0, $0x1  }
0x3: {  	s4 =	rddreg [dreg:$0x0];
	s5 =	sor.u32 s3, s30  }
0x4: {  	s2 =	simm.s32 $0x0;
	s8 =	simm.s32 $0x0;
	s6 =	smul.u32 $0x2800, s5  }
0x5: {  	[smem:$0x7FF] =	sst s2;
	s3 =	ssub.s32 $0x2, s3;
	s5 =	smul.u32 $0x4F0, s5  }
0x6: {  	s1 =	rddreg [dreg:$0x1];
	_ =	strace $0x80000047;
	s7 =	sshrl.u32 s3, $0x1  }
0x7: {  	s7 =	ssub.s32 s3, s7;
	s6 =	sshrl.u32 s6, $0x3;
	s5 =	sadd.s32 s5, s4  }
0x8: {  	s31 =	sadd.s32 s4, s6;
	s4 =	sadd.s32 $0x16800, s5;
	s5 =	smax.u32 s7, $0x1  }
0x9: {  	v0 =	vimm.f32 $0.0e+00;
	v1 =	vimm.f32 $1.000000000e+00;
	vm0 =	vcmask $0x3F0C;
	s6 =	simm.s32 $0x1;
	s7 =	simm.s32 $0x2800;
	s3 =	sadd.s32 $0xC800, s31  }
.LBB2_1:
0xa: {  	[tilespmem:s2], [sflag:$0x1] =	stream.linear.gather [hbm4b:s3+s2], $0x2800, $0x38;
	[tilespmem:$0x4F80] =	vst v63  }
0xb: {  	_ =	swait.ge [sflag:s6], $0x2800  }
0xc: {  	[sflag:s6] =	ssyncset.done $0x0  }
0xd: {  	s9 =	simm.s32 $0x0;
	[sflag:s6] =	ssyncadd.s32 $0xFFFFD800  }
.LBB2_2:
0xe: {  	p0 =	sne.s32 s9, $0x9DC0  }
.Ltmp0:
0xf: {  	_ = 	snop;
	(pc) =	sbr.rel @p0 .LBB2_2-.Ltmp0, $3  }
0x10: {  	_ =	sdelay $0x1  }
0x11: {  	s10 =	sshra.s32 s9, $0x2  }
0x12: {  	s9 =	sadd.s32 $0x40, s9;
	[tilespmem:s10+$0x2800] =	vst v0  }
0x13: {  	s9 =	simm.s32 $0x0  }
.LBB2_4:
0x14: {  	s10 =	sshra.s32 s9, $0x2  }
0x15: {  	v2 =	vld [tilespmem:s10+$0x0];
	_ =	sdelay $0x7  }
0x16: {  	[tilespmem:v2+s7+$0x0] =	vst.idx.add.f32.msk $0xffff, v1  }
0x17: {  	v2 =	vld [tilespmem:s10+$0x10];
	_ =	sdelay $0x7  }
0x18: {  	[tilespmem:v2+s7+$0x0] =	vst.idx.add.f32.msk $0xffff, v1  }
0x19: {  	v2 =	vld [tilespmem:s10+$0x20];
	_ =	sdelay $0x7  }
0x1a: {  	[tilespmem:v2+s7+$0x0] =	vst.idx.add.f32.msk $0xffff, v1  }
0x1b: {  	v2 =	vld [tilespmem:s10+$0x30];
	_ =	sdelay $0x7  }
0x1c: {  	[tilespmem:v2+s7+$0x0] =	vst.idx.add.f32.msk $0xffff, v1  }
0x1d: {  	v2 =	vld [tilespmem:s10+$0x40];
	_ =	sdelay $0x7  }
0x1e: {  	[tilespmem:v2+s7+$0x0] =	vst.idx.add.f32.msk $0xffff, v1  }
0x1f: {  	v2 =	vld [tilespmem:s10+$0x50];
	_ =	sdelay $0x7  }
0x20: {  	[tilespmem:v2+s7+$0x0] =	vst.idx.add.f32.msk $0xffff, v1  }
0x21: {  	v2 =	vld [tilespmem:s10+$0x60];
	_ =	sdelay $0x7  }
0x22: {  	[tilespmem:v2+s7+$0x0] =	vst.idx.add.f32.msk $0xffff, v1  }
0x23: {  	v2 =	vld [tilespmem:s10+$0x6D];
	_ =	sdelay $0x2  }
0x24: {  	p0 =	sne.s32 s9, $0x9E00  }
.Ltmp1:
0x25: {  	_ = 	snop;
	(pc) =	sbr.rel @p0 .LBB2_4-.Ltmp1, $2  }
0x26: {  	_ =	sdelay $0x2  }
0x27: {  	s9 =	sadd.s32 $0x200, s9;
	[tilespmem:v2+s7+$0x0] =	vst.idx.add.f32.msk vm0, v1  }
0x28: {  	s8 =	sadd.s32 $0x1, s8  }
0x29: {  	p0 =	sne.s32 s8, s5  }
.Ltmp2:
0x2a: {  	_ = 	snop;
	(pc) =	sbr.rel @p0 .LBB2_1-.Ltmp2, $4  }
0x2b: {  	[hbm4b:s4+s2] =	stream.linear.scatter [tilespmem:s7], [sflag:$0x1], $0x2780, $0x38;
	[tilespmem:$0x4F80] =	vst v63  }
0x2c: {  	_ =	swait.ge [sflag:s6], $0x2780  }
0x2d: {  	[sflag:s6] =	ssyncset.done $0x0  }
0x2e: {  	[sflag:s6] =	ssyncadd.s32 $0xFFFFD880  }
0x2f: {  	_ =	sfence.sel $0x180000  }
0x30: {  	[bflag:$0x0] =	sbarrier.arrive $0xFFFF  }
0x31: {  	p0 =	sne.s32 s0, $0x0;
	_ =	strace $0x90000047  }
0x32: {  	s0 =	sadd.s32 @!p0 $0x100000, s1;
	[bflag:$0x2] =	sbarrier.arrive $0xFFFF  }
0x33: {  	[sflag:s0] =	ssyncadd.tile.s32 @!p0 $0x1;
	_ =	shalt  }
.Lfunc_end2:
_tile_overlayer_lowered:
.L_overlay_start_2:
0x34: {  	(tag) =	ssettag $0x2  }
0x35: {  	s0 =	rddreg [dreg:$0x0];
	s2 =	stileid.u32  }
0x36: {  	s1 =	rddreg [dreg:$0x1];
	p0 =	sne.s32 s2, $0x0  }
0x37: {  	s3 =	rddreg [dreg:$0x2];
	[bflag:$0x3] =	sbarrier.arrive $0xFFFF;
	s2 =	simm.s32 @!p0 $0x1C01  }
0x38: {  	[timem:s3], [sflag:s2] =	dma.local @!p0 [hbm:s0], s1  }
0x39: {  	s0 =	simm.s32 @!p0 $0x1  }
0x3a: {  	_ =	swait.ge @!p0 [sflag:s0], s1  }
0x3b: {  	s1 =	ssub.s32 @!p0 $0x0, s1;
	[sflag:s0] =	ssyncset.done @!p0 $0x0  }
0x3c: {  	[sflag:s0] =	ssyncadd.s32 @!p0 s1  }
0x3d: {  	[bflag:$0x3] =	sbarrier.arrive $0xFFFF  }
0x3e: {  	_ =	shalt  }

</sc_bundles>
